<compile_context>
chip_gen: v7x
topology: tpu7x:2x2x1
jax: 0.10.2.dev20260603
libtpu: 0.0.44.dev20260713+nightly
codegen_flags: <defaults>
</compile_context>

<pallas_src>
import functools

import jax
import jax.numpy as jnp
from jax import lax
from jax.experimental import pallas as pl
from jax.experimental.pallas import tpu as pltpu
from jax.experimental.pallas import tpu_sc as plsc

_NC = 2
_NS = 16
_L = 16

_BATCH = 16384
_DIM = 2048
_NW = _NC * _NS
_ROWS_PER_W = _BATCH // _NW
_CHUNK = 8
_NCHUNKS = _ROWS_PER_W // _CHUNK
_NBUF = 3
_NGRP = (_NCHUNKS - _NBUF) // _NBUF
_NPEEL = _NCHUNKS - _NBUF * (1 + _NGRP)
_JVECS = _DIM // _L


def _sc_shuffle(x, perm):
  mesh = plsc.VectorSubcoreMesh(core_axis_name="c", subcore_axis_name="s")

  @functools.partial(
      pl.kernel,
      out_type=jax.ShapeDtypeStruct((_BATCH, _DIM), jnp.float32),
      mesh=mesh,
      scratch_types=[
          pltpu.VMEM((_DIM,), jnp.int32),
          [pltpu.VMEM((_CHUNK, _DIM), jnp.float32) for _ in range(_NBUF)],
          [pltpu.VMEM((_CHUNK, _DIM), jnp.float32) for _ in range(_NBUF)],
          [pltpu.SemaphoreType.DMA for _ in range(_NBUF)],
          [pltpu.SemaphoreType.DMA for _ in range(_NBUF)],
          pltpu.SemaphoreType.DMA,
      ],
      compiler_params=pltpu.CompilerParams(needs_layout_passes=False),
  )
  def k(x_hbm, perm_hbm, out_hbm, perm_v, in_v, out_v, in_sem, out_sem,
        perm_sem):
    wid = lax.axis_index("s") * _NC + lax.axis_index("c")
    perm_copy = pltpu.async_copy(perm_hbm, perm_v, perm_sem)
    row0 = wid * _ROWS_PER_W

    def in_slice(c):
      return x_hbm.at[pl.ds(row0 + c * _CHUNK, _CHUNK), :]

    def out_slice(c):
      return out_hbm.at[pl.ds(row0 + c * _CHUNK, _CHUNK), :]

    def process(c, b, first_round):
      pltpu.make_async_copy(in_slice(c), in_v[b], in_sem[b]).wait()
      if not first_round:
        pltpu.make_async_copy(out_v[b], out_slice(c), out_sem[b]).wait()

      @plsc.parallel_loop(0, _JVECS, unroll=4)
      def j_body(j):
        idx = perm_v[pl.ds(j * _L, _L)]
        for r in range(_CHUNK):
          row_idx = jnp.full((_L,), r, jnp.int32)
          vals = plsc.load_gather(in_v[b], [row_idx, idx])
          out_v[b][r, pl.ds(j * _L, _L)] = vals

      pltpu.async_copy(out_v[b], out_slice(c), out_sem[b])

      @pl.when(c + _NBUF < _NCHUNKS)
      def _():
        pltpu.async_copy(in_slice(c + _NBUF), in_v[b], in_sem[b])

    for b in range(_NBUF):
      pltpu.async_copy(in_slice(b), in_v[b], in_sem[b])
    perm_copy.wait()

    for b in range(_NBUF):
      process(b, b, True)

    def grp_body(g, carry):
      for b in range(_NBUF):
        c = (g + 1) * _NBUF + b
        process(c, b, False)
      return carry

    lax.fori_loop(0, _NGRP, grp_body, 0)

    for p in range(_NPEEL):
      c = _NBUF * (1 + _NGRP) + p
      process(c, c % _NBUF, False)

    for c in range(_NCHUNKS - _NBUF, _NCHUNKS):
      b = c % _NBUF
      pltpu.make_async_copy(out_v[b], out_slice(c), out_sem[b]).wait()

  return k(x, perm)


def kernel(x, permutation):
  return _sc_shuffle(x, permutation.astype(jnp.int32))

# --- scband reference (transcript-rebuilt; emitter-appended) ---
"""Pipeline reference for scband-shuffle-38903813767515 (READ-ONLY COPY).

The authoritative reference and input builder live on the scoring server;
editing this copy changes nothing except your own understanding.
"""

import jax, jax.numpy as jnp
import numpy as np

DIM = 2048
BATCH = 16384

def setup_inputs(seed: int = 0) -> dict:
    key = jax.random.key(seed)
    kx, kp = jax.random.split(key)
    x = jax.random.normal(kx, (BATCH, DIM), dtype=jnp.float32)
    # permutation created in __init__ via torch.randperm(dim); materialized here as a constant
    permutation = jax.random.permutation(kp, DIM).astype(jnp.int64)
    return {"x": x, "permutation": permutation}

def reference(x, permutation):
    # torch: x[:, self.permutation, ...] -> gather along axis 1
    return jnp.take(x, permutation, axis=1)

if __name__ == "__main__":
    import jax
    _d = setup_inputs()
    print(jax.jit(kernel)(*tuple(_d.values())))

</pallas_src>

<mosaic_0001>
#map = affine_map<(d0, d1) -> (0, 0)>
#map1 = affine_map<(d0, d1) -> (0)>
module attributes {stable_mosaic.version = 14 : i64} {
  func.func @k(%arg0: i32, %arg1: i32, %arg2: memref<16384x2048xf32, #tpu.memory_space<hbm>>, %arg3: memref<2048xi32, #tpu.memory_space<hbm>>, %arg4: memref<16384x2048xf32, #tpu.memory_space<hbm>>, %arg5: memref<2048xi32, #tpu.memory_space<vmem>>, %arg6: memref<8x2048xf32, #tpu.memory_space<vmem>>, %arg7: memref<8x2048xf32, #tpu.memory_space<vmem>>, %arg8: memref<8x2048xf32, #tpu.memory_space<vmem>>, %arg9: memref<8x2048xf32, #tpu.memory_space<vmem>>, %arg10: memref<8x2048xf32, #tpu.memory_space<vmem>>, %arg11: memref<8x2048xf32, #tpu.memory_space<vmem>>, %arg12: memref<!tpu.dma_semaphore, #tpu.memory_space<semaphore_mem>>, %arg13: memref<!tpu.dma_semaphore, #tpu.memory_space<semaphore_mem>>, %arg14: memref<!tpu.dma_semaphore, #tpu.memory_space<semaphore_mem>>, %arg15: memref<!tpu.dma_semaphore, #tpu.memory_space<semaphore_mem>>, %arg16: memref<!tpu.dma_semaphore, #tpu.memory_space<semaphore_mem>>, %arg17: memref<!tpu.dma_semaphore, #tpu.memory_space<semaphore_mem>>, %arg18: memref<!tpu.dma_semaphore, #tpu.memory_space<semaphore_mem>>) attributes {dimension_semantics = [#tpu.dimension_semantics<core_parallel>, #tpu.dimension_semantics<subcore_parallel>], iteration_bounds = array<i64: 2, 16>, scalar_prefetch = 0 : i64, scratch_operands = 14 : i64, tpu.core_type = #tpu.core_type<sc_vector_subcore>, window_params = [{transform_indices = #map}, {transform_indices = #map1}, {transform_indices = #map}]} {
    %mul3A = arith.constant 2 : i32
    %mul3A_0 = arith.muli %arg1, %mul3A : i32
    %add3A = arith.addi %mul3A_0, %arg0 : i32
    tpu.enqueue_dma source(%arg3 : memref<2048xi32, #tpu.memory_space<hbm>>) target(%arg5 : memref<2048xi32, #tpu.memory_space<vmem>>) target_semaphore(%arg18 : memref<!tpu.dma_semaphore, #tpu.memory_space<semaphore_mem>>)
    %mul3A_1 = arith.constant 512 : i32
    %mul3A_2 = arith.muli %add3A, %mul3A_1 : i32
    %add3A_3 = arith.constant 0 : i32
    %add3A_4 = arith.addi %mul3A_2, %add3A_3 : i32
    %dma_start3A = arith.constant 0 : i32
    %dma_start3A_5 = tpu.memref_slice %arg2[%add3A_4, %dma_start3A] : memref<16384x2048xf32, #tpu.memory_space<hbm>> -> memref<8x2048xf32, #tpu.memory_space<hbm>>
    %dma_start3A_6 = arith.constant 0 : i32
    %dma_start3A_7 = tpu.memref_slice %arg2[%add3A_4, %dma_start3A_6] : memref<16384x2048xf32, #tpu.memory_space<hbm>> -> memref<8x2048xf32, #tpu.memory_space<hbm>>
    tpu.enqueue_dma source(%dma_start3A_7 : memref<8x2048xf32, #tpu.memory_space<hbm>>) target(%arg6 : memref<8x2048xf32, #tpu.memory_space<vmem>>) target_semaphore(%arg12 : memref<!tpu.dma_semaphore, #tpu.memory_space<semaphore_mem>>)
    %add3A_8 = arith.constant 8 : i32
    %add3A_9 = arith.addi %mul3A_2, %add3A_8 : i32
    %dma_start3A_10 = arith.constant 0 : i32
    %dma_start3A_11 = tpu.memref_slice %arg2[%add3A_9, %dma_start3A_10] : memref<16384x2048xf32, #tpu.memory_space<hbm>> -> memref<8x2048xf32, #tpu.memory_space<hbm>>
    %dma_start3A_12 = arith.constant 0 : i32
    %dma_start3A_13 = tpu.memref_slice %arg2[%add3A_9, %dma_start3A_12] : memref<16384x2048xf32, #tpu.memory_space<hbm>> -> memref<8x2048xf32, #tpu.memory_space<hbm>>
    tpu.enqueue_dma source(%dma_start3A_13 : memref<8x2048xf32, #tpu.memory_space<hbm>>) target(%arg7 : memref<8x2048xf32, #tpu.memory_space<vmem>>) target_semaphore(%arg13 : memref<!tpu.dma_semaphore, #tpu.memory_space<semaphore_mem>>)
    %add3A_14 = arith.constant 16 : i32
    %add3A_15 = arith.addi %mul3A_2, %add3A_14 : i32
    %dma_start3A_16 = arith.constant 0 : i32
    %dma_start3A_17 = tpu.memref_slice %arg2[%add3A_15, %dma_start3A_16] : memref<16384x2048xf32, #tpu.memory_space<hbm>> -> memref<8x2048xf32, #tpu.memory_space<hbm>>
    %dma_start3A_18 = arith.constant 0 : i32
    %dma_start3A_19 = tpu.memref_slice %arg2[%add3A_15, %dma_start3A_18] : memref<16384x2048xf32, #tpu.memory_space<hbm>> -> memref<8x2048xf32, #tpu.memory_space<hbm>>
    tpu.enqueue_dma source(%dma_start3A_19 : memref<8x2048xf32, #tpu.memory_space<hbm>>) target(%arg8 : memref<8x2048xf32, #tpu.memory_space<vmem>>) target_semaphore(%arg14 : memref<!tpu.dma_semaphore, #tpu.memory_space<semaphore_mem>>)
    tpu.wait_dma2 semaphore(%arg18 : memref<!tpu.dma_semaphore, #tpu.memory_space<semaphore_mem>>) src(%arg3 : memref<2048xi32, #tpu.memory_space<hbm>>) dst(%arg5 : memref<2048xi32, #tpu.memory_space<vmem>>)
    %add3A_20 = arith.constant 0 : i32
    %add3A_21 = arith.addi %mul3A_2, %add3A_20 : i32
    %dma_wait3A = arith.constant 0 : i32
    %dma_wait3A_22 = tpu.memref_slice %arg2[%add3A_21, %dma_wait3A] : memref<16384x2048xf32, #tpu.memory_space<hbm>> -> memref<8x2048xf32, #tpu.memory_space<hbm>>
    %dma_wait3A_23 = arith.constant 0 : i32
    %dma_wait3A_24 = tpu.memref_slice %arg2[%add3A_21, %dma_wait3A_23] : memref<16384x2048xf32, #tpu.memory_space<hbm>> -> memref<8x2048xf32, #tpu.memory_space<hbm>>
    tpu.wait_dma2 semaphore(%arg12 : memref<!tpu.dma_semaphore, #tpu.memory_space<semaphore_mem>>) src(%dma_wait3A_24 : memref<8x2048xf32, #tpu.memory_space<hbm>>) dst(%arg6 : memref<8x2048xf32, #tpu.memory_space<vmem>>)
    %parallel_loop3A = arith.constant 0 : i32
    %parallel_loop3A_25 = arith.constant 128 : i32
    %parallel_loop3A_26 = arith.constant 1 : i32
    scf.for %parallel_loop3A_125 = %parallel_loop3A to %parallel_loop3A_25 step %parallel_loop3A_26  : i32 {
      %parallel_loop3A_126 = arith.constant 16 : i32
      %parallel_loop3A_127 = arith.muli %parallel_loop3A_125, %parallel_loop3A_126 : i32
      %parallel_loop3A_128 = arith.index_cast %parallel_loop3A_127 : i32 to index
      %parallel_loop3A_129 = tpu.vector_load %arg5[%parallel_loop3A_128] {strides = array<i32>} : memref<2048xi32, #tpu.memory_space<vmem>>, vector<16xi32>,
      %parallel_loop3A_130 = arith.constant 0 : i32
      %parallel_loop3A_131 = vector.broadcast %parallel_loop3A_130 : i32 to vector<16xi32>
      %parallel_loop3A_132 = tpu.vector_load_idx %arg6[%parallel_loop3A_131, %parallel_loop3A_129] : memref<8x2048xf32, #tpu.memory_space<vmem>>[vector<16xi32>, vector<16xi32>], vector<16xf32>,
      %parallel_loop3A_133 = arith.constant 16 : i32
      %parallel_loop3A_134 = arith.muli %parallel_loop3A_125, %parallel_loop3A_133 : i32
      %parallel_loop3A_135 = arith.constant 0 : i32
      %parallel_loop3A_136 = arith.index_cast %parallel_loop3A_135 : i32 to index
      %parallel_loop3A_137 = arith.index_cast %parallel_loop3A_134 : i32 to index
      %parallel_loop3A_138 = tpu.vector_load %arg9[%parallel_loop3A_136, %parallel_loop3A_137] {strides = array<i32>} : memref<8x2048xf32, #tpu.memory_space<vmem>>, vector<16xf32>,
      tpu.vector_store %arg9[%parallel_loop3A_136, %parallel_loop3A_137], %parallel_loop3A_132 {strides = array<i32>} : memref<8x2048xf32, #tpu.memory_space<vmem>>, vector<16xf32>,
      %parallel_loop3A_139 = arith.constant 1 : i32
      %parallel_loop3A_140 = vector.broadcast %parallel_loop3A_139 : i32 to vector<16xi32>
      %parallel_loop3A_141 = tpu.vector_load_idx %arg6[%parallel_loop3A_140, %parallel_loop3A_129] : memref<8x2048xf32, #tpu.memory_space<vmem>>[vector<16xi32>, vector<16xi32>], vector<16xf32>,
      %parallel_loop3A_142 = arith.constant 16 : i32
      %parallel_loop3A_143 = arith.muli %parallel_loop3A_125, %parallel_loop3A_142 : i32
      %parallel_loop3A_144 = arith.constant 1 : i32
      %parallel_loop3A_145 = arith.index_cast %parallel_loop3A_144 : i32 to index
      %parallel_loop3A_146 = arith.index_cast %parallel_loop3A_143 : i32 to index
      %parallel_loop3A_147 = tpu.vector_load %arg9[%parallel_loop3A_145, %parallel_loop3A_146] {strides = array<i32>} : memref<8x2048xf32, #tpu.memory_space<vmem>>, vector<16xf32>,
      tpu.vector_store %arg9[%parallel_loop3A_145, %parallel_loop3A_146], %parallel_loop3A_141 {strides = array<i32>} : memref<8x2048xf32, #tpu.memory_space<vmem>>, vector<16xf32>,
      %parallel_loop3A_148 = arith.constant 2 : i32
      %parallel_loop3A_149 = vector.broadcast %parallel_loop3A_148 : i32 to vector<16xi32>
      %parallel_loop3A_150 = tpu.vector_load_idx %arg6[%parallel_loop3A_149, %parallel_loop3A_129] : memref<8x2048xf32, #tpu.memory_space<vmem>>[vector<16xi32>, vector<16xi32>], vector<16xf32>,
      %parallel_loop3A_151 = arith.constant 16 : i32
      %parallel_loop3A_152 = arith.muli %parallel_loop3A_125, %parallel_loop3A_151 : i32
      %parallel_loop3A_153 = arith.constant 2 : i32
      %parallel_loop3A_154 = arith.index_cast %parallel_loop3A_153 : i32 to index
      %parallel_loop3A_155 = arith.index_cast %parallel_loop3A_152 : i32 to index
      %parallel_loop3A_156 = tpu.vector_load %arg9[%parallel_loop3A_154, %parallel_loop3A_155] {strides = array<i32>} : memref<8x2048xf32, #tpu.memory_space<vmem>>, vector<16xf32>,
      tpu.vector_store %arg9[%parallel_loop3A_154, %parallel_loop3A_155], %parallel_loop3A_150 {strides = array<i32>} : memref<8x2048xf32, #tpu.memory_space<vmem>>, vector<16xf32>,
      %parallel_loop3A_157 = arith.constant 3 : i32
      %parallel_loop3A_158 = vector.broadcast %parallel_loop3A_157 : i32 to vector<16xi32>
      %parallel_loop3A_159 = tpu.vector_load_idx %arg6[%parallel_loop3A_158, %parallel_loop3A_129] : memref<8x2048xf32, #tpu.memory_space<vmem>>[vector<16xi32>, vector<16xi32>], vector<16xf32>,
      %parallel_loop3A_160 = arith.constant 16 : i32
      %parallel_loop3A_161 = arith.muli %parallel_loop3A_125, %parallel_loop3A_160 : i32
      %parallel_loop3A_162 = arith.constant 3 : i32
      %parallel_loop3A_163 = arith.index_cast %parallel_loop3A_162 : i32 to index
      %parallel_loop3A_164 = arith.index_cast %parallel_loop3A_161 : i32 to index
      %parallel_loop3A_165 = tpu.vector_load %arg9[%parallel_loop3A_163, %parallel_loop3A_164] {strides = array<i32>} : memref<8x2048xf32, #tpu.memory_space<vmem>>, vector<16xf32>,
      tpu.vector_store %arg9[%parallel_loop3A_163, %parallel_loop3A_164], %parallel_loop3A_159 {strides = array<i32>} : memref<8x2048xf32, #tpu.memory_space<vmem>>, vector<16xf32>,
      %parallel_loop3A_166 = arith.constant 4 : i32
      %parallel_loop3A_167 = vector.broadcast %parallel_loop3A_166 : i32 to vector<16xi32>
      %parallel_loop3A_168 = tpu.vector_load_idx %arg6[%parallel_loop3A_167, %parallel_loop3A_129] : memref<8x2048xf32, #tpu.memory_space<vmem>>[vector<16xi32>, vector<16xi32>], vector<16xf32>,
      %parallel_loop3A_169 = arith.constant 16 : i32
      %parallel_loop3A_170 = arith.muli %parallel_loop3A_125, %parallel_loop3A_169 : i32
      %parallel_loop3A_171 = arith.constant 4 : i32
      %parallel_loop3A_172 = arith.index_cast %parallel_loop3A_171 : i32 to index
      %parallel_loop3A_173 = arith.index_cast %parallel_loop3A_170 : i32 to index
      %parallel_loop3A_174 = tpu.vector_load %arg9[%parallel_loop3A_172, %parallel_loop3A_173] {strides = array<i32>} : memref<8x2048xf32, #tpu.memory_space<vmem>>, vector<16xf32>,
      tpu.vector_store %arg9[%parallel_loop3A_172, %parallel_loop3A_173], %parallel_loop3A_168 {strides = array<i32>} : memref<8x2048xf32, #tpu.memory_space<vmem>>, vector<16xf32>,
      %parallel_loop3A_175 = arith.constant 5 : i32
      %parallel_loop3A_176 = vector.broadcast %parallel_loop3A_175 : i32 to vector<16xi32>
      %parallel_loop3A_177 = tpu.vector_load_idx %arg6[%parallel_loop3A_176, %parallel_loop3A_129] : memref<8x2048xf32, #tpu.memory_space<vmem>>[vector<16xi32>, vector<16xi32>], vector<16xf32>,
      %parallel_loop3A_178 = arith.constant 16 : i32
      %parallel_loop3A_179 = arith.muli %parallel_loop3A_125, %parallel_loop3A_178 : i32
      %parallel_loop3A_180 = arith.constant 5 : i32
      %parallel_loop3A_181 = arith.index_cast %parallel_loop3A_180 : i32 to index
      %parallel_loop3A_182 = arith.index_cast %parallel_loop3A_179 : i32 to index
      %parallel_loop3A_183 = tpu.vector_load %arg9[%parallel_loop3A_181, %parallel_loop3A_182] {strides = array<i32>} : memref<8x2048xf32, #tpu.memory_space<vmem>>, vector<16xf32>,
      tpu.vector_store %arg9[%parallel_loop3A_181, %parallel_loop3A_182], %parallel_loop3A_177 {strides = array<i32>} : memref<8x2048xf32, #tpu.memory_space<vmem>>, vector<16xf32>,
      %parallel_loop3A_184 = arith.constant 6 : i32
      %parallel_loop3A_185 = vector.broadcast %parallel_loop3A_184 : i32 to vector<16xi32>
      %parallel_loop3A_186 = tpu.vector_load_idx %arg6[%parallel_loop3A_185, %parallel_loop3A_129] : memref<8x2048xf32, #tpu.memory_space<vmem>>[vector<16xi32>, vector<16xi32>], vector<16xf32>,
      %parallel_loop3A_187 = arith.constant 16 : i32
      %parallel_loop3A_188 = arith.muli %parallel_loop3A_125, %parallel_loop3A_187 : i32
      %parallel_loop3A_189 = arith.constant 6 : i32
      %parallel_loop3A_190 = arith.index_cast %parallel_loop3A_189 : i32 to index
      %parallel_loop3A_191 = arith.index_cast %parallel_loop3A_188 : i32 to index
      %parallel_loop3A_192 = tpu.vector_load %arg9[%parallel_loop3A_190, %parallel_loop3A_191] {strides = array<i32>} : memref<8x2048xf32, #tpu.memory_space<vmem>>, vector<16xf32>,
      tpu.vector_store %arg9[%parallel_loop3A_190, %parallel_loop3A_191], %parallel_loop3A_186 {strides = array<i32>} : memref<8x2048xf32, #tpu.memory_space<vmem>>, vector<16xf32>,
      %parallel_loop3A_193 = arith.constant 7 : i32
      %parallel_loop3A_194 = vector.broadcast %parallel_loop3A_193 : i32 to vector<16xi32>
      %parallel_loop3A_195 = tpu.vector_load_idx %arg6[%parallel_loop3A_194, %parallel_loop3A_129] : memref<8x2048xf32, #tpu.memory_space<vmem>>[vector<16xi32>, vector<16xi32>], vector<16xf32>,
      %parallel_loop3A_196 = arith.constant 16 : i32
      %parallel_loop3A_197 = arith.muli %parallel_loop3A_125, %parallel_loop3A_196 : i32
      %parallel_loop3A_198 = arith.constant 7 : i32
      %parallel_loop3A_199 = arith.index_cast %parallel_loop3A_198 : i32 to index
      %parallel_loop3A_200 = arith.index_cast %parallel_loop3A_197 : i32 to index
      %parallel_loop3A_201 = tpu.vector_load %arg9[%parallel_loop3A_199, %parallel_loop3A_200] {strides = array<i32>} : memref<8x2048xf32, #tpu.memory_space<vmem>>, vector<16xf32>,
      tpu.vector_store %arg9[%parallel_loop3A_199, %parallel_loop3A_200], %parallel_loop3A_195 {strides = array<i32>} : memref<8x2048xf32, #tpu.memory_space<vmem>>, vector<16xf32>,
    } {sc.loop_unroll_factor = 4 : i64, sc.parallel_access}
    %add3A_27 = arith.constant 0 : i32
    %add3A_28 = arith.addi %mul3A_2, %add3A_27 : i32
    %dma_start3A_29 = arith.constant 0 : i32
    %dma_start3A_30 = tpu.memref_slice %arg4[%add3A_28, %dma_start3A_29] : memref<16384x2048xf32, #tpu.memory_space<hbm>> -> memref<8x2048xf32, #tpu.memory_space<hbm>>
    %dma_start3A_31 = arith.constant 0 : i32
    %dma_start3A_32 = tpu.memref_slice %arg4[%add3A_28, %dma_start3A_31] : memref<16384x2048xf32, #tpu.memory_space<hbm>> -> memref<8x2048xf32, #tpu.memory_space<hbm>>
    tpu.enqueue_dma source(%arg9 : memref<8x2048xf32, #tpu.memory_space<vmem>>) target(%dma_start3A_32 : memref<8x2048xf32, #tpu.memory_space<hbm>>) target_semaphore(%arg15 : memref<!tpu.dma_semaphore, #tpu.memory_space<semaphore_mem>>)
    %add3A_33 = arith.constant 24 : i32
    %add3A_34 = arith.addi %mul3A_2, %add3A_33 : i32
    %dma_start3A_35 = arith.constant 0 : i32
    %dma_start3A_36 = tpu.memref_slice %arg2[%add3A_34, %dma_start3A_35] : memref<16384x2048xf32, #tpu.memory_space<hbm>> -> memref<8x2048xf32, #tpu.memory_space<hbm>>
    %dma_start3A_37 = arith.constant 0 : i32
    %dma_start3A_38 = tpu.memref_slice %arg2[%add3A_34, %dma_start3A_37] : memref<16384x2048xf32, #tpu.memory_space<hbm>> -> memref<8x2048xf32, #tpu.memory_space<hbm>>
    tpu.enqueue_dma source(%dma_start3A_38 : memref<8x2048xf32, #tpu.memory_space<hbm>>) target(%arg6 : memref<8x2048xf32, #tpu.memory_space<vmem>>) target_semaphore(%arg12 : memref<!tpu.dma_semaphore, #tpu.memory_space<semaphore_mem>>)
    %add3A_39 = arith.constant 8 : i32
    %add3A_40 = arith.addi %mul3A_2, %add3A_39 : i32
    %dma_wait3A_41 = arith.constant 0 : i32
    %dma_wait3A_42 = tpu.memref_slice %arg2[%add3A_40, %dma_wait3A_41] : memref<16384x2048xf32, #tpu.memory_space<hbm>> -> memref<8x2048xf32, #tpu.memory_space<hbm>>
    %dma_wait3A_43 = arith.constant 0 : i32
    %dma_wait3A_44 = tpu.memref_slice %arg2[%add3A_40, %dma_wait3A_43] : memref<16384x2048xf32, #tpu.memory_space<hbm>> -> memref<8x2048xf32, #tpu.memory_space<hbm>>
    tpu.wait_dma2 semaphore(%arg13 : memref<!tpu.dma_semaphore, #tpu.memory_space<semaphore_mem>>) src(%dma_wait3A_44 : memref<8x2048xf32, #tpu.memory_space<hbm>>) dst(%arg7 : memref<8x2048xf32, #tpu.memory_space<vmem>>)
    %parallel_loop3A_45 = arith.constant 0 : i32
    %parallel_loop3A_46 = arith.constant 128 : i32
    %parallel_loop3A_47 = arith.constant 1 : i32
    scf.for %parallel_loop3A_125 = %parallel_loop3A_45 to %parallel_loop3A_46 step %parallel_loop3A_47  : i32 {
      %parallel_loop3A_126 = arith.constant 16 : i32
      %parallel_loop3A_127 = arith.muli %parallel_loop3A_125, %parallel_loop3A_126 : i32
      %parallel_loop3A_128 = arith.index_cast %parallel_loop3A_127 : i32 to index
      %parallel_loop3A_129 = tpu.vector_load %arg5[%parallel_loop3A_128] {strides = array<i32>} : memref<2048xi32, #tpu.memory_space<vmem>>, vector<16xi32>,
      %parallel_loop3A_130 = arith.constant 0 : i32
      %parallel_loop3A_131 = vector.broadcast %parallel_loop3A_130 : i32 to vector<16xi32>
      %parallel_loop3A_132 = tpu.vector_load_idx %arg7[%parallel_loop3A_131, %parallel_loop3A_129] : memref<8x2048xf32, #tpu.memory_space<vmem>>[vector<16xi32>, vector<16xi32>], vector<16xf32>,
      %parallel_loop3A_133 = arith.constant 16 : i32
      %parallel_loop3A_134 = arith.muli %parallel_loop3A_125, %parallel_loop3A_133 : i32
      %parallel_loop3A_135 = arith.constant 0 : i32
      %parallel_loop3A_136 = arith.index_cast %parallel_loop3A_135 : i32 to index
      %parallel_loop3A_137 = arith.index_cast %parallel_loop3A_134 : i32 to index
      %parallel_loop3A_138 = tpu.vector_load %arg10[%parallel_loop3A_136, %parallel_loop3A_137] {strides = array<i32>} : memref<8x2048xf32, #tpu.memory_space<vmem>>, vector<16xf32>,
      tpu.vector_store %arg10[%parallel_loop3A_136, %parallel_loop3A_137], %parallel_loop3A_132 {strides = array<i32>} : memref<8x2048xf32, #tpu.memory_space<vmem>>, vector<16xf32>,
      %parallel_loop3A_139 = arith.constant 1 : i32
      %parallel_loop3A_140 = vector.broadcast %parallel_loop3A_139 : i32 to vector<16xi32>
      %parallel_loop3A_141 = tpu.vector_load_idx %arg7[%parallel_loop3A_140, %parallel_loop3A_129] : memref<8x2048xf32, #tpu.memory_space<vmem>>[vector<16xi32>, vector<16xi32>], vector<16xf32>,
      %parallel_loop3A_142 = arith.constant 16 : i32
      %parallel_loop3A_143 = arith.muli %parallel_loop3A_125, %parallel_loop3A_142 : i32
      %parallel_loop3A_144 = arith.constant 1 : i32
      %parallel_loop3A_145 = arith.index_cast %parallel_loop3A_144 : i32 to index
      %parallel_loop3A_146 = arith.index_cast %parallel_loop3A_143 : i32 to index
      %parallel_loop3A_147 = tpu.vector_load %arg10[%parallel_loop3A_145, %parallel_loop3A_146] {strides = array<i32>} : memref<8x2048xf32, #tpu.memory_space<vmem>>, vector<16xf32>,
      tpu.vector_store %arg10[%parallel_loop3A_145, %parallel_loop3A_146], %parallel_loop3A_141 {strides = array<i32>} : memref<8x2048xf32, #tpu.memory_space<vmem>>, vector<16xf32>,
      %parallel_loop3A_148 = arith.constant 2 : i32
      %parallel_loop3A_149 = vector.broadcast %parallel_loop3A_148 : i32 to vector<16xi32>
      %parallel_loop3A_150 = tpu.vector_load_idx %arg7[%parallel_loop3A_149, %parallel_loop3A_129] : memref<8x2048xf32, #tpu.memory_space<vmem>>[vector<16xi32>, vector<16xi32>], vector<16xf32>,
      %parallel_loop3A_151 = arith.constant 16 : i32
      %parallel_loop3A_152 = arith.muli %parallel_loop3A_125, %parallel_loop3A_151 : i32
      %parallel_loop3A_153 = arith.constant 2 : i32
      %parallel_loop3A_154 = arith.index_cast %parallel_loop3A_153 : i32 to index
      %parallel_loop3A_155 = arith.index_cast %parallel_loop3A_152 : i32 to index
      %parallel_loop3A_156 = tpu.vector_load %arg10[%parallel_loop3A_154, %parallel_loop3A_155] {strides = array<i32>} : memref<8x2048xf32, #tpu.memory_space<vmem>>, vector<16xf32>,
      tpu.vector_store %arg10[%parallel_loop3A_154, %parallel_loop3A_155], %parallel_loop3A_150 {strides = array<i32>} : memref<8x2048xf32, #tpu.memory_space<vmem>>, vector<16xf32>,
      %parallel_loop3A_157 = arith.constant 3 : i32
      %parallel_loop3A_158 = vector.broadcast %parallel_loop3A_157 : i32 to vector<16xi32>
      %parallel_loop3A_159 = tpu.vector_load_idx %arg7[%parallel_loop3A_158, %parallel_loop3A_129] : memref<8x2048xf32, #tpu.memory_space<vmem>>[vector<16xi32>, vector<16xi32>], vector<16xf32>,
      %parallel_loop3A_160 = arith.constant 16 : i32
      %parallel_loop3A_161 = arith.muli %parallel_loop3A_125, %parallel_loop3A_160 : i32
      %parallel_loop3A_162 = arith.constant 3 : i32
      %parallel_loop3A_163 = arith.index_cast %parallel_loop3A_162 : i32 to index
      %parallel_loop3A_164 = arith.index_cast %parallel_loop3A_161 : i32 to index
      %parallel_loop3A_165 = tpu.vector_load %arg10[%parallel_loop3A_163, %parallel_loop3A_164] {strides = array<i32>} : memref<8x2048xf32, #tpu.memory_space<vmem>>, vector<16xf32>,
      tpu.vector_store %arg10[%parallel_loop3A_163, %parallel_loop3A_164], %parallel_loop3A_159 {strides = array<i32>} : memref<8x2048xf32, #tpu.memory_space<vmem>>, vector<16xf32>,
      %parallel_loop3A_166 = arith.constant 4 : i32
      %parallel_loop3A_167 = vector.broadcast %parallel_loop3A_166 : i32 to vector<16xi32>
      %parallel_loop3A_168 = tpu.vector_load_idx %arg7[%parallel_loop3A_167, %parallel_loop3A_129] : memref<8x2048xf32, #tpu.memory_space<vmem>>[vector<16xi32>, vector<16xi32>], vector<16xf32>,
      %parallel_loop3A_169 = arith.constant 16 : i32
      %parallel_loop3A_170 = arith.muli %parallel_loop3A_125, %parallel_loop3A_169 : i32
      %parallel_loop3A_171 = arith.constant 4 : i32
      %parallel_loop3A_172 = arith.index_cast %parallel_loop3A_171 : i32 to index
      %parallel_loop3A_173 = arith.index_cast %parallel_loop3A_170 : i32 to index
      %parallel_loop3A_174 = tpu.vector_load %arg10[%parallel_loop3A_172, %parallel_loop3A_173] {strides = array<i32>} : memref<8x2048xf32, #tpu.memory_space<vmem>>, vector<16xf32>,
      tpu.vector_store %arg10[%parallel_loop3A_172, %parallel_loop3A_173], %parallel_loop3A_168 {strides = array<i32>} : memref<8x2048xf32, #tpu.memory_space<vmem>>, vector<16xf32>,
      %parallel_loop3A_175 = arith.constant 5 : i32
      %parallel_loop3A_176 = vector.broadcast %parallel_loop3A_175 : i32 to vector<16xi32>
      %parallel_loop3A_177 = tpu.vector_load_idx %arg7[%parallel_loop3A_176, %parallel_loop3A_129] : memref<8x2048xf32, #tpu.memory_space<vmem>>[vector<16xi32>, vector<16xi32>], vector<16xf32>,
      %parallel_loop3A_178 = arith.constant 16 : i32
      %parallel_loop3A_179 = arith.muli %parallel_loop3A_125, %parallel_loop3A_178 : i32
      %parallel_loop3A_180 = arith.constant 5 : i32
      %parallel_loop3A_181 = arith.index_cast %parallel_loop3A_180 : i32 to index
      %parallel_loop3A_182 = arith.index_cast %parallel_loop3A_179 : i32 to index
      %parallel_loop3A_183 = tpu.vector_load %arg10[%parallel_loop3A_181, %parallel_loop3A_182] {strides = array<i32>} : memref<8x2048xf32, #tpu.memory_space<vmem>>, vector<16xf32>,
      tpu.vector_store %arg10[%parallel_loop3A_181, %parallel_loop3A_182], %parallel_loop3A_177 {strides = array<i32>} : memref<8x2048xf32, #tpu.memory_space<vmem>>, vector<16xf32>,
      %parallel_loop3A_184 = arith.constant 6 : i32
      %parallel_loop3A_185 = vector.broadcast %parallel_loop3A_184 : i32 to vector<16xi32>
      %parallel_loop3A_186 = tpu.vector_load_idx %arg7[%parallel_loop3A_185, %parallel_loop3A_129] : memref<8x2048xf32, #tpu.memory_space<vmem>>[vector<16xi32>, vector<16xi32>], vector<16xf32>,
      %parallel_loop3A_187 = arith.constant 16 : i32
      %parallel_loop3A_188 = arith.muli %parallel_loop3A_125, %parallel_loop3A_187 : i32
      %parallel_loop3A_189 = arith.constant 6 : i32
      %parallel_loop3A_190 = arith.index_cast %parallel_loop3A_189 : i32 to index
      %parallel_loop3A_191 = arith.index_cast %parallel_loop3A_188 : i32 to index
      %parallel_loop3A_192 = tpu.vector_load %arg10[%parallel_loop3A_190, %parallel_loop3A_191] {strides = array<i32>} : memref<8x2048xf32, #tpu.memory_space<vmem>>, vector<16xf32>,
      tpu.vector_store %arg10[%parallel_loop3A_190, %parallel_loop3A_191], %parallel_loop3A_186 {strides = array<i32>} : memref<8x2048xf32, #tpu.memory_space<vmem>>, vector<16xf32>,
      %parallel_loop3A_193 = arith.constant 7 : i32
      %parallel_loop3A_194 = vector.broadcast %parallel_loop3A_193 : i32 to vector<16xi32>
      %parallel_loop3A_195 = tpu.vector_load_idx %arg7[%parallel_loop3A_194, %parallel_loop3A_129] : memref<8x2048xf32, #tpu.memory_space<vmem>>[vector<16xi32>, vector<16xi32>], vector<16xf32>,
      %parallel_loop3A_196 = arith.constant 16 : i32
      %parallel_loop3A_197 = arith.muli %parallel_loop3A_125, %parallel_loop3A_196 : i32
      %parallel_loop3A_198 = arith.constant 7 : i32
      %parallel_loop3A_199 = arith.index_cast %parallel_loop3A_198 : i32 to index
      %parallel_loop3A_200 = arith.index_cast %parallel_loop3A_197 : i32 to index
      %parallel_loop3A_201 = tpu.vector_load %arg10[%parallel_loop3A_199, %parallel_loop3A_200] {strides = array<i32>} : memref<8x2048xf32, #tpu.memory_space<vmem>>, vector<16xf32>,
      tpu.vector_store %arg10[%parallel_loop3A_199, %parallel_loop3A_200], %parallel_loop3A_195 {strides = array<i32>} : memref<8x2048xf32, #tpu.memory_space<vmem>>, vector<16xf32>,
    } {sc.loop_unroll_factor = 4 : i64, sc.parallel_access}
    %add3A_48 = arith.constant 8 : i32
    %add3A_49 = arith.addi %mul3A_2, %add3A_48 : i32
    %dma_start3A_50 = arith.constant 0 : i32
    %dma_start3A_51 = tpu.memref_slice %arg4[%add3A_49, %dma_start3A_50] : memref<16384x2048xf32, #tpu.memory_space<hbm>> -> memref<8x2048xf32, #tpu.memory_space<hbm>>
    %dma_start3A_52 = arith.constant 0 : i32
    %dma_start3A_53 = tpu.memref_slice %arg4[%add3A_49, %dma_start3A_52] : memref<16384x2048xf32, #tpu.memory_space<hbm>> -> memref<8x2048xf32, #tpu.memory_space<hbm>>
    tpu.enqueue_dma source(%arg10 : memref<8x2048xf32, #tpu.memory_space<vmem>>) target(%dma_start3A_53 : memref<8x2048xf32, #tpu.memory_space<hbm>>) target_semaphore(%arg16 : memref<!tpu.dma_semaphore, #tpu.memory_space<semaphore_mem>>)
    %add3A_54 = arith.constant 32 : i32
    %add3A_55 = arith.addi %mul3A_2, %add3A_54 : i32
    %dma_start3A_56 = arith.constant 0 : i32
    %dma_start3A_57 = tpu.memref_slice %arg2[%add3A_55, %dma_start3A_56] : memref<16384x2048xf32, #tpu.memory_space<hbm>> -> memref<8x2048xf32, #tpu.memory_space<hbm>>
    %dma_start3A_58 = arith.constant 0 : i32
    %dma_start3A_59 = tpu.memref_slice %arg2[%add3A_55, %dma_start3A_58] : memref<16384x2048xf32, #tpu.memory_space<hbm>> -> memref<8x2048xf32, #tpu.memory_space<hbm>>
    tpu.enqueue_dma source(%dma_start3A_59 : memref<8x2048xf32, #tpu.memory_space<hbm>>) target(%arg7 : memref<8x2048xf32, #tpu.memory_space<vmem>>) target_semaphore(%arg13 : memref<!tpu.dma_semaphore, #tpu.memory_space<semaphore_mem>>)
    %add3A_60 = arith.constant 16 : i32
    %add3A_61 = arith.addi %mul3A_2, %add3A_60 : i32
    %dma_wait3A_62 = arith.constant 0 : i32
    %dma_wait3A_63 = tpu.memref_slice %arg2[%add3A_61, %dma_wait3A_62] : memref<16384x2048xf32, #tpu.memory_space<hbm>> -> memref<8x2048xf32, #tpu.memory_space<hbm>>
    %dma_wait3A_64 = arith.constant 0 : i32
    %dma_wait3A_65 = tpu.memref_slice %arg2[%add3A_61, %dma_wait3A_64] : memref<16384x2048xf32, #tpu.memory_space<hbm>> -> memref<8x2048xf32, #tpu.memory_space<hbm>>
    tpu.wait_dma2 semaphore(%arg14 : memref<!tpu.dma_semaphore, #tpu.memory_space<semaphore_mem>>) src(%dma_wait3A_65 : memref<8x2048xf32, #tpu.memory_space<hbm>>) dst(%arg8 : memref<8x2048xf32, #tpu.memory_space<vmem>>)
    %parallel_loop3A_66 = arith.constant 0 : i32
    %parallel_loop3A_67 = arith.constant 128 : i32
    %parallel_loop3A_68 = arith.constant 1 : i32
    scf.for %parallel_loop3A_125 = %parallel_loop3A_66 to %parallel_loop3A_67 step %parallel_loop3A_68  : i32 {
      %parallel_loop3A_126 = arith.constant 16 : i32
      %parallel_loop3A_127 = arith.muli %parallel_loop3A_125, %parallel_loop3A_126 : i32
      %parallel_loop3A_128 = arith.index_cast %parallel_loop3A_127 : i32 to index
      %parallel_loop3A_129 = tpu.vector_load %arg5[%parallel_loop3A_128] {strides = array<i32>} : memref<2048xi32, #tpu.memory_space<vmem>>, vector<16xi32>,
      %parallel_loop3A_130 = arith.constant 0 : i32
      %parallel_loop3A_131 = vector.broadcast %parallel_loop3A_130 : i32 to vector<16xi32>
      %parallel_loop3A_132 = tpu.vector_load_idx %arg8[%parallel_loop3A_131, %parallel_loop3A_129] : memref<8x2048xf32, #tpu.memory_space<vmem>>[vector<16xi32>, vector<16xi32>], vector<16xf32>,
      %parallel_loop3A_133 = arith.constant 16 : i32
      %parallel_loop3A_134 = arith.muli %parallel_loop3A_125, %parallel_loop3A_133 : i32
      %parallel_loop3A_135 = arith.constant 0 : i32
      %parallel_loop3A_136 = arith.index_cast %parallel_loop3A_135 : i32 to index
      %parallel_loop3A_137 = arith.index_cast %parallel_loop3A_134 : i32 to index
      %parallel_loop3A_138 = tpu.vector_load %arg11[%parallel_loop3A_136, %parallel_loop3A_137] {strides = array<i32>} : memref<8x2048xf32, #tpu.memory_space<vmem>>, vector<16xf32>,
      tpu.vector_store %arg11[%parallel_loop3A_136, %parallel_loop3A_137], %parallel_loop3A_132 {strides = array<i32>} : memref<8x2048xf32, #tpu.memory_space<vmem>>, vector<16xf32>,
      %parallel_loop3A_139 = arith.constant 1 : i32
      %parallel_loop3A_140 = vector.broadcast %parallel_loop3A_139 : i32 to vector<16xi32>
      %parallel_loop3A_141 = tpu.vector_load_idx %arg8[%parallel_loop3A_140, %parallel_loop3A_129] : memref<8x2048xf32, #tpu.memory_space<vmem>>[vector<16xi32>, vector<16xi32>], vector<16xf32>,
      %parallel_loop3A_142 = arith.constant 16 : i32
      %parallel_loop3A_143 = arith.muli %parallel_loop3A_125, %parallel_loop3A_142 : i32
      %parallel_loop3A_144 = arith.constant 1 : i32
      %parallel_loop3A_145 = arith.index_cast %parallel_loop3A_144 : i32 to index
      %parallel_loop3A_146 = arith.index_cast %parallel_loop3A_143 : i32 to index
      %parallel_loop3A_147 = tpu.vector_load %arg11[%parallel_loop3A_145, %parallel_loop3A_146] {strides = array<i32>} : memref<8x2048xf32, #tpu.memory_space<vmem>>, vector<16xf32>,
      tpu.vector_store %arg11[%parallel_loop3A_145, %parallel_loop3A_146], %parallel_loop3A_141 {strides = array<i32>} : memref<8x2048xf32, #tpu.memory_space<vmem>>, vector<16xf32>,
      %parallel_loop3A_148 = arith.constant 2 : i32
      %parallel_loop3A_149 = vector.broadcast %parallel_loop3A_148 : i32 to vector<16xi32>
      %parallel_loop3A_150 = tpu.vector_load_idx %arg8[%parallel_loop3A_149, %parallel_loop3A_129] : memref<8x2048xf32, #tpu.memory_space<vmem>>[vector<16xi32>, vector<16xi32>], vector<16xf32>,
      %parallel_loop3A_151 = arith.constant 16 : i32
      %parallel_loop3A_152 = arith.muli %parallel_loop3A_125, %parallel_loop3A_151 : i32
      %parallel_loop3A_153 = arith.constant 2 : i32
      %parallel_loop3A_154 = arith.index_cast %parallel_loop3A_153 : i32 to index
      %parallel_loop3A_155 = arith.index_cast %parallel_loop3A_152 : i32 to index
      %parallel_loop3A_156 = tpu.vector_load %arg11[%parallel_loop3A_154, %parallel_loop3A_155] {strides = array<i32>} : memref<8x2048xf32, #tpu.memory_space<vmem>>, vector<16xf32>,
      tpu.vector_store %arg11[%parallel_loop3A_154, %parallel_loop3A_155], %parallel_loop3A_150 {strides = array<i32>} : memref<8x2048xf32, #tpu.memory_space<vmem>>, vector<16xf32>,
      %parallel_loop3A_157 = arith.constant 3 : i32
      %parallel_loop3A_158 = vector.broadcast %parallel_loop3A_157 : i32 to vector<16xi32>
      %parallel_loop3A_159 = tpu.vector_load_idx %arg8[%parallel_loop3A_158, %parallel_loop3A_129] : memref<8x2048xf32, #tpu.memory_space<vmem>>[vector<16xi32>, vector<16xi32>], vector<16xf32>,
      %parallel_loop3A_160 = arith.constant 16 : i32
      %parallel_loop3A_161 = arith.muli %parallel_loop3A_125, %parallel_loop3A_160 : i32
      %parallel_loop3A_162 = arith.constant 3 : i32
      %parallel_loop3A_163 = arith.index_cast %parallel_loop3A_162 : i32 to index
      %parallel_loop3A_164 = arith.index_cast %parallel_loop3A_161 : i32 to index
      %parallel_loop3A_165 = tpu.vector_load %arg11[%parallel_loop3A_163, %parallel_loop3A_164] {strides = array<i32>} : memref<8x2048xf32, #tpu.memory_space<vmem>>, vector<16xf32>,
      tpu.vector_store %arg11[%parallel_loop3A_163, %parallel_loop3A_164], %parallel_loop3A_159 {strides = array<i32>} : memref<8x2048xf32, #tpu.memory_space<vmem>>, vector<16xf32>,
      %parallel_loop3A_166 = arith.constant 4 : i32
      %parallel_loop3A_167 = vector.broadcast %parallel_loop3A_166 : i32 to vector<16xi32>
      %parallel_loop3A_168 = tpu.vector_load_idx %arg8[%parallel_loop3A_167, %parallel_loop3A_129] : memref<8x2048xf32, #tpu.memory_space<vmem>>[vector<16xi32>, vector<16xi32>], vector<16xf32>,
      %parallel_loop3A_169 = arith.constant 16 : i32
      %parallel_loop3A_170 = arith.muli %parallel_loop3A_125, %parallel_loop3A_169 : i32
      %parallel_loop3A_171 = arith.constant 4 : i32
      %parallel_loop3A_172 = arith.index_cast %parallel_loop3A_171 : i32 to index
      %parallel_loop3A_173 = arith.index_cast %parallel_loop3A_170 : i32 to index
      %parallel_loop3A_174 = tpu.vector_load %arg11[%parallel_loop3A_172, %parallel_loop3A_173] {strides = array<i32>} : memref<8x2048xf32, #tpu.memory_space<vmem>>, vector<16xf32>,
      tpu.vector_store %arg11[%parallel_loop3A_172, %parallel_loop3A_173], %parallel_loop3A_168 {strides = array<i32>} : memref<8x2048xf32, #tpu.memory_space<vmem>>, vector<16xf32>,
      %parallel_loop3A_175 = arith.constant 5 : i32
      %parallel_loop3A_176 = vector.broadcast %parallel_loop3A_175 : i32 to vector<16xi32>
      %parallel_loop3A_177 = tpu.vector_load_idx %arg8[%parallel_loop3A_176, %parallel_loop3A_129] : memref<8x2048xf32, #tpu.memory_space<vmem>>[vector<16xi32>, vector<16xi32>], vector<16xf32>,
      %parallel_loop3A_178 = arith.constant 16 : i32
      %parallel_loop3A_179 = arith.muli %parallel_loop3A_125, %parallel_loop3A_178 : i32
      %parallel_loop3A_180 = arith.constant 5 : i32
      %parallel_loop3A_181 = arith.index_cast %parallel_loop3A_180 : i32 to index
      %parallel_loop3A_182 = arith.index_cast %parallel_loop3A_179 : i32 to index
      %parallel_loop3A_183 = tpu.vector_load %arg11[%parallel_loop3A_181, %parallel_loop3A_182] {strides = array<i32>} : memref<8x2048xf32, #tpu.memory_space<vmem>>, vector<16xf32>,
      tpu.vector_store %arg11[%parallel_loop3A_181, %parallel_loop3A_182], %parallel_loop3A_177 {strides = array<i32>} : memref<8x2048xf32, #tpu.memory_space<vmem>>, vector<16xf32>,
      %parallel_loop3A_184 = arith.constant 6 : i32
      %parallel_loop3A_185 = vector.broadcast %parallel_loop3A_184 : i32 to vector<16xi32>
      %parallel_loop3A_186 = tpu.vector_load_idx %arg8[%parallel_loop3A_185, %parallel_loop3A_129] : memref<8x2048xf32, #tpu.memory_space<vmem>>[vector<16xi32>, vector<16xi32>], vector<16xf32>,
      %parallel_loop3A_187 = arith.constant 16 : i32
      %parallel_loop3A_188 = arith.muli %parallel_loop3A_125, %parallel_loop3A_187 : i32
      %parallel_loop3A_189 = arith.constant 6 : i32
      %parallel_loop3A_190 = arith.index_cast %parallel_loop3A_189 : i32 to index
      %parallel_loop3A_191 = arith.index_cast %parallel_loop3A_188 : i32 to index
      %parallel_loop3A_192 = tpu.vector_load %arg11[%parallel_loop3A_190, %parallel_loop3A_191] {strides = array<i32>} : memref<8x2048xf32, #tpu.memory_space<vmem>>, vector<16xf32>,
      tpu.vector_store %arg11[%parallel_loop3A_190, %parallel_loop3A_191], %parallel_loop3A_186 {strides = array<i32>} : memref<8x2048xf32, #tpu.memory_space<vmem>>, vector<16xf32>,
      %parallel_loop3A_193 = arith.constant 7 : i32
      %parallel_loop3A_194 = vector.broadcast %parallel_loop3A_193 : i32 to vector<16xi32>
      %parallel_loop3A_195 = tpu.vector_load_idx %arg8[%parallel_loop3A_194, %parallel_loop3A_129] : memref<8x2048xf32, #tpu.memory_space<vmem>>[vector<16xi32>, vector<16xi32>], vector<16xf32>,
      %parallel_loop3A_196 = arith.constant 16 : i32
      %parallel_loop3A_197 = arith.muli %parallel_loop3A_125, %parallel_loop3A_196 : i32
      %parallel_loop3A_198 = arith.constant 7 : i32
      %parallel_loop3A_199 = arith.index_cast %parallel_loop3A_198 : i32 to index
      %parallel_loop3A_200 = arith.index_cast %parallel_loop3A_197 : i32 to index
      %parallel_loop3A_201 = tpu.vector_load %arg11[%parallel_loop3A_199, %parallel_loop3A_200] {strides = array<i32>} : memref<8x2048xf32, #tpu.memory_space<vmem>>, vector<16xf32>,
      tpu.vector_store %arg11[%parallel_loop3A_199, %parallel_loop3A_200], %parallel_loop3A_195 {strides = array<i32>} : memref<8x2048xf32, #tpu.memory_space<vmem>>, vector<16xf32>,
    } {sc.loop_unroll_factor = 4 : i64, sc.parallel_access}
    %add3A_69 = arith.constant 16 : i32
    %add3A_70 = arith.addi %mul3A_2, %add3A_69 : i32
    %dma_start3A_71 = arith.constant 0 : i32
    %dma_start3A_72 = tpu.memref_slice %arg4[%add3A_70, %dma_start3A_71] : memref<16384x2048xf32, #tpu.memory_space<hbm>> -> memref<8x2048xf32, #tpu.memory_space<hbm>>
    %dma_start3A_73 = arith.constant 0 : i32
    %dma_start3A_74 = tpu.memref_slice %arg4[%add3A_70, %dma_start3A_73] : memref<16384x2048xf32, #tpu.memory_space<hbm>> -> memref<8x2048xf32, #tpu.memory_space<hbm>>
    tpu.enqueue_dma source(%arg11 : memref<8x2048xf32, #tpu.memory_space<vmem>>) target(%dma_start3A_74 : memref<8x2048xf32, #tpu.memory_space<hbm>>) target_semaphore(%arg17 : memref<!tpu.dma_semaphore, #tpu.memory_space<semaphore_mem>>)
    %add3A_75 = arith.constant 40 : i32
    %add3A_76 = arith.addi %mul3A_2, %add3A_75 : i32
    %dma_start3A_77 = arith.constant 0 : i32
    %dma_start3A_78 = tpu.memref_slice %arg2[%add3A_76, %dma_start3A_77] : memref<16384x2048xf32, #tpu.memory_space<hbm>> -> memref<8x2048xf32, #tpu.memory_space<hbm>>
    %dma_start3A_79 = arith.constant 0 : i32
    %dma_start3A_80 = tpu.memref_slice %arg2[%add3A_76, %dma_start3A_79] : memref<16384x2048xf32, #tpu.memory_space<hbm>> -> memref<8x2048xf32, #tpu.memory_space<hbm>>
    tpu.enqueue_dma source(%dma_start3A_80 : memref<8x2048xf32, #tpu.memory_space<hbm>>) target(%arg8 : memref<8x2048xf32, #tpu.memory_space<vmem>>) target_semaphore(%arg14 : memref<!tpu.dma_semaphore, #tpu.memory_space<semaphore_mem>>)
    %scan3A = arith.constant 0 : i32
    %scan3A_81 = arith.constant 0 : i32
    %scan3A_82 = arith.constant 20 : i32
    %scan3A_83 = arith.addi %scan3A_81, %scan3A_82 : i32
    %scan3A_84 = arith.constant 1 : i32
    scf.for %scan3A_125 = %scan3A_81 to %scan3A_83 step %scan3A_84  : i32 {
      %add3A_126 = arith.constant 1 : i32
      %add3A_127 = arith.addi %scan3A_125, %add3A_126 : i32
      %mul3A_128 = arith.constant 3 : i32
      %mul3A_129 = arith.muli %add3A_127, %mul3A_128 : i32
      %add3A_130 = arith.constant 0 : i32
      %add3A_131 = arith.addi %mul3A_129, %add3A_130 : i32
      %mul3A_132 = arith.constant 8 : i32
      %mul3A_133 = arith.muli %add3A_131, %mul3A_132 : i32
      %add3A_134 = arith.addi %mul3A_2, %mul3A_133 : i32
      %dma_wait3A_135 = arith.constant 0 : i32
      %dma_wait3A_136 = tpu.memref_slice %arg2[%add3A_134, %dma_wait3A_135] : memref<16384x2048xf32, #tpu.memory_space<hbm>> -> memref<8x2048xf32, #tpu.memory_space<hbm>>
      %dma_wait3A_137 = arith.constant 0 : i32
      %dma_wait3A_138 = tpu.memref_slice %arg2[%add3A_134, %dma_wait3A_137] : memref<16384x2048xf32, #tpu.memory_space<hbm>> -> memref<8x2048xf32, #tpu.memory_space<hbm>>
      tpu.wait_dma2 semaphore(%arg12 : memref<!tpu.dma_semaphore, #tpu.memory_space<semaphore_mem>>) src(%dma_wait3A_138 : memref<8x2048xf32, #tpu.memory_space<hbm>>) dst(%arg6 : memref<8x2048xf32, #tpu.memory_space<vmem>>)
      %mul3A_139 = arith.constant 8 : i32
      %mul3A_140 = arith.muli %add3A_131, %mul3A_139 : i32
      %add3A_141 = arith.addi %mul3A_2, %mul3A_140 : i32
      %dma_wait3A_142 = arith.constant 0 : i32
      %dma_wait3A_143 = tpu.memref_slice %arg4[%add3A_141, %dma_wait3A_142] : memref<16384x2048xf32, #tpu.memory_space<hbm>> -> memref<8x2048xf32, #tpu.memory_space<hbm>>
      %dma_wait3A_144 = arith.constant 0 : i32
      %dma_wait3A_145 = tpu.memref_slice %arg4[%add3A_141, %dma_wait3A_144] : memref<16384x2048xf32, #tpu.memory_space<hbm>> -> memref<8x2048xf32, #tpu.memory_space<hbm>>
      tpu.wait_dma2 semaphore(%arg15 : memref<!tpu.dma_semaphore, #tpu.memory_space<semaphore_mem>>) src(%arg9 : memref<8x2048xf32, #tpu.memory_space<vmem>>) dst(%dma_wait3A_145 : memref<8x2048xf32, #tpu.memory_space<hbm>>)
      %parallel_loop3A_146 = arith.constant 0 : i32
      %parallel_loop3A_147 = arith.constant 128 : i32
      %parallel_loop3A_148 = arith.constant 1 : i32
      scf.for %parallel_loop3A_234 = %parallel_loop3A_146 to %parallel_loop3A_147 step %parallel_loop3A_148  : i32 {
        %parallel_loop3A_235 = arith.constant 16 : i32
        %parallel_loop3A_236 = arith.muli %parallel_loop3A_234, %parallel_loop3A_235 : i32
        %parallel_loop3A_237 = arith.index_cast %parallel_loop3A_236 : i32 to index
        %parallel_loop3A_238 = tpu.vector_load %arg5[%parallel_loop3A_237] {strides = array<i32>} : memref<2048xi32, #tpu.memory_space<vmem>>, vector<16xi32>,
        %parallel_loop3A_239 = arith.constant 0 : i32
        %parallel_loop3A_240 = vector.broadcast %parallel_loop3A_239 : i32 to vector<16xi32>
        %parallel_loop3A_241 = tpu.vector_load_idx %arg6[%parallel_loop3A_240, %parallel_loop3A_238] : memref<8x2048xf32, #tpu.memory_space<vmem>>[vector<16xi32>, vector<16xi32>], vector<16xf32>,
        %parallel_loop3A_242 = arith.constant 16 : i32
        %parallel_loop3A_243 = arith.muli %parallel_loop3A_234, %parallel_loop3A_242 : i32
        %parallel_loop3A_244 = arith.constant 0 : i32
        %parallel_loop3A_245 = arith.index_cast %parallel_loop3A_244 : i32 to index
        %parallel_loop3A_246 = arith.index_cast %parallel_loop3A_243 : i32 to index
        %parallel_loop3A_247 = tpu.vector_load %arg9[%parallel_loop3A_245, %parallel_loop3A_246] {strides = array<i32>} : memref<8x2048xf32, #tpu.memory_space<vmem>>, vector<16xf32>,
        tpu.vector_store %arg9[%parallel_loop3A_245, %parallel_loop3A_246], %parallel_loop3A_241 {strides = array<i32>} : memref<8x2048xf32, #tpu.memory_space<vmem>>, vector<16xf32>,
        %parallel_loop3A_248 = arith.constant 1 : i32
        %parallel_loop3A_249 = vector.broadcast %parallel_loop3A_248 : i32 to vector<16xi32>
        %parallel_loop3A_250 = tpu.vector_load_idx %arg6[%parallel_loop3A_249, %parallel_loop3A_238] : memref<8x2048xf32, #tpu.memory_space<vmem>>[vector<16xi32>, vector<16xi32>], vector<16xf32>,
        %parallel_loop3A_251 = arith.constant 16 : i32
        %parallel_loop3A_252 = arith.muli %parallel_loop3A_234, %parallel_loop3A_251 : i32
        %parallel_loop3A_253 = arith.constant 1 : i32
        %parallel_loop3A_254 = arith.index_cast %parallel_loop3A_253 : i32 to index
        %parallel_loop3A_255 = arith.index_cast %parallel_loop3A_252 : i32 to index
        %parallel_loop3A_256 = tpu.vector_load %arg9[%parallel_loop3A_254, %parallel_loop3A_255] {strides = array<i32>} : memref<8x2048xf32, #tpu.memory_space<vmem>>, vector<16xf32>,
        tpu.vector_store %arg9[%parallel_loop3A_254, %parallel_loop3A_255], %parallel_loop3A_250 {strides = array<i32>} : memref<8x2048xf32, #tpu.memory_space<vmem>>, vector<16xf32>,
        %parallel_loop3A_257 = arith.constant 2 : i32
        %parallel_loop3A_258 = vector.broadcast %parallel_loop3A_257 : i32 to vector<16xi32>
        %parallel_loop3A_259 = tpu.vector_load_idx %arg6[%parallel_loop3A_258, %parallel_loop3A_238] : memref<8x2048xf32, #tpu.memory_space<vmem>>[vector<16xi32>, vector<16xi32>], vector<16xf32>,
        %parallel_loop3A_260 = arith.constant 16 : i32
        %parallel_loop3A_261 = arith.muli %parallel_loop3A_234, %parallel_loop3A_260 : i32
        %parallel_loop3A_262 = arith.constant 2 : i32
        %parallel_loop3A_263 = arith.index_cast %parallel_loop3A_262 : i32 to index
        %parallel_loop3A_264 = arith.index_cast %parallel_loop3A_261 : i32 to index
        %parallel_loop3A_265 = tpu.vector_load %arg9[%parallel_loop3A_263, %parallel_loop3A_264] {strides = array<i32>} : memref<8x2048xf32, #tpu.memory_space<vmem>>, vector<16xf32>,
        tpu.vector_store %arg9[%parallel_loop3A_263, %parallel_loop3A_264], %parallel_loop3A_259 {strides = array<i32>} : memref<8x2048xf32, #tpu.memory_space<vmem>>, vector<16xf32>,
        %parallel_loop3A_266 = arith.constant 3 : i32
        %parallel_loop3A_267 = vector.broadcast %parallel_loop3A_266 : i32 to vector<16xi32>
        %parallel_loop3A_268 = tpu.vector_load_idx %arg6[%parallel_loop3A_267, %parallel_loop3A_238] : memref<8x2048xf32, #tpu.memory_space<vmem>>[vector<16xi32>, vector<16xi32>], vector<16xf32>,
        %parallel_loop3A_269 = arith.constant 16 : i32
        %parallel_loop3A_270 = arith.muli %parallel_loop3A_234, %parallel_loop3A_269 : i32
        %parallel_loop3A_271 = arith.constant 3 : i32
        %parallel_loop3A_272 = arith.index_cast %parallel_loop3A_271 : i32 to index
        %parallel_loop3A_273 = arith.index_cast %parallel_loop3A_270 : i32 to index
        %parallel_loop3A_274 = tpu.vector_load %arg9[%parallel_loop3A_272, %parallel_loop3A_273] {strides = array<i32>} : memref<8x2048xf32, #tpu.memory_space<vmem>>, vector<16xf32>,
        tpu.vector_store %arg9[%parallel_loop3A_272, %parallel_loop3A_273], %parallel_loop3A_268 {strides = array<i32>} : memref<8x2048xf32, #tpu.memory_space<vmem>>, vector<16xf32>,
        %parallel_loop3A_275 = arith.constant 4 : i32
        %parallel_loop3A_276 = vector.broadcast %parallel_loop3A_275 : i32 to vector<16xi32>
        %parallel_loop3A_277 = tpu.vector_load_idx %arg6[%parallel_loop3A_276, %parallel_loop3A_238] : memref<8x2048xf32, #tpu.memory_space<vmem>>[vector<16xi32>, vector<16xi32>], vector<16xf32>,
        %parallel_loop3A_278 = arith.constant 16 : i32
        %parallel_loop3A_279 = arith.muli %parallel_loop3A_234, %parallel_loop3A_278 : i32
        %parallel_loop3A_280 = arith.constant 4 : i32
        %parallel_loop3A_281 = arith.index_cast %parallel_loop3A_280 : i32 to index
        %parallel_loop3A_282 = arith.index_cast %parallel_loop3A_279 : i32 to index
        %parallel_loop3A_283 = tpu.vector_load %arg9[%parallel_loop3A_281, %parallel_loop3A_282] {strides = array<i32>} : memref<8x2048xf32, #tpu.memory_space<vmem>>, vector<16xf32>,
        tpu.vector_store %arg9[%parallel_loop3A_281, %parallel_loop3A_282], %parallel_loop3A_277 {strides = array<i32>} : memref<8x2048xf32, #tpu.memory_space<vmem>>, vector<16xf32>,
        %parallel_loop3A_284 = arith.constant 5 : i32
        %parallel_loop3A_285 = vector.broadcast %parallel_loop3A_284 : i32 to vector<16xi32>
        %parallel_loop3A_286 = tpu.vector_load_idx %arg6[%parallel_loop3A_285, %parallel_loop3A_238] : memref<8x2048xf32, #tpu.memory_space<vmem>>[vector<16xi32>, vector<16xi32>], vector<16xf32>,
        %parallel_loop3A_287 = arith.constant 16 : i32
        %parallel_loop3A_288 = arith.muli %parallel_loop3A_234, %parallel_loop3A_287 : i32
        %parallel_loop3A_289 = arith.constant 5 : i32
        %parallel_loop3A_290 = arith.index_cast %parallel_loop3A_289 : i32 to index
        %parallel_loop3A_291 = arith.index_cast %parallel_loop3A_288 : i32 to index
        %parallel_loop3A_292 = tpu.vector_load %arg9[%parallel_loop3A_290, %parallel_loop3A_291] {strides = array<i32>} : memref<8x2048xf32, #tpu.memory_space<vmem>>, vector<16xf32>,
        tpu.vector_store %arg9[%parallel_loop3A_290, %parallel_loop3A_291], %parallel_loop3A_286 {strides = array<i32>} : memref<8x2048xf32, #tpu.memory_space<vmem>>, vector<16xf32>,
        %parallel_loop3A_293 = arith.constant 6 : i32
        %parallel_loop3A_294 = vector.broadcast %parallel_loop3A_293 : i32 to vector<16xi32>
        %parallel_loop3A_295 = tpu.vector_load_idx %arg6[%parallel_loop3A_294, %parallel_loop3A_238] : memref<8x2048xf32, #tpu.memory_space<vmem>>[vector<16xi32>, vector<16xi32>], vector<16xf32>,
        %parallel_loop3A_296 = arith.constant 16 : i32
        %parallel_loop3A_297 = arith.muli %parallel_loop3A_234, %parallel_loop3A_296 : i32
        %parallel_loop3A_298 = arith.constant 6 : i32
        %parallel_loop3A_299 = arith.index_cast %parallel_loop3A_298 : i32 to index
        %parallel_loop3A_300 = arith.index_cast %parallel_loop3A_297 : i32 to index
        %parallel_loop3A_301 = tpu.vector_load %arg9[%parallel_loop3A_299, %parallel_loop3A_300] {strides = array<i32>} : memref<8x2048xf32, #tpu.memory_space<vmem>>, vector<16xf32>,
        tpu.vector_store %arg9[%parallel_loop3A_299, %parallel_loop3A_300], %parallel_loop3A_295 {strides = array<i32>} : memref<8x2048xf32, #tpu.memory_space<vmem>>, vector<16xf32>,
        %parallel_loop3A_302 = arith.constant 7 : i32
        %parallel_loop3A_303 = vector.broadcast %parallel_loop3A_302 : i32 to vector<16xi32>
        %parallel_loop3A_304 = tpu.vector_load_idx %arg6[%parallel_loop3A_303, %parallel_loop3A_238] : memref<8x2048xf32, #tpu.memory_space<vmem>>[vector<16xi32>, vector<16xi32>], vector<16xf32>,
        %parallel_loop3A_305 = arith.constant 16 : i32
        %parallel_loop3A_306 = arith.muli %parallel_loop3A_234, %parallel_loop3A_305 : i32
        %parallel_loop3A_307 = arith.constant 7 : i32
        %parallel_loop3A_308 = arith.index_cast %parallel_loop3A_307 : i32 to index
        %parallel_loop3A_309 = arith.index_cast %parallel_loop3A_306 : i32 to index
        %parallel_loop3A_310 = tpu.vector_load %arg9[%parallel_loop3A_308, %parallel_loop3A_309] {strides = array<i32>} : memref<8x2048xf32, #tpu.memory_space<vmem>>, vector<16xf32>,
        tpu.vector_store %arg9[%parallel_loop3A_308, %parallel_loop3A_309], %parallel_loop3A_304 {strides = array<i32>} : memref<8x2048xf32, #tpu.memory_space<vmem>>, vector<16xf32>,
      } {sc.loop_unroll_factor = 4 : i64, sc.parallel_access}
      %mul3A_149 = arith.constant 8 : i32
      %mul3A_150 = arith.muli %add3A_131, %mul3A_149 : i32
      %add3A_151 = arith.addi %mul3A_2, %mul3A_150 : i32
      %dma_start3A_152 = arith.constant 0 : i32
      %dma_start3A_153 = tpu.memref_slice %arg4[%add3A_151, %dma_start3A_152] : memref<16384x2048xf32, #tpu.memory_space<hbm>> -> memref<8x2048xf32, #tpu.memory_space<hbm>>
      %dma_start3A_154 = arith.constant 0 : i32
      %dma_start3A_155 = tpu.memref_slice %arg4[%add3A_151, %dma_start3A_154] : memref<16384x2048xf32, #tpu.memory_space<hbm>> -> memref<8x2048xf32, #tpu.memory_space<hbm>>
      tpu.enqueue_dma source(%arg9 : memref<8x2048xf32, #tpu.memory_space<vmem>>) target(%dma_start3A_155 : memref<8x2048xf32, #tpu.memory_space<hbm>>) target_semaphore(%arg15 : memref<!tpu.dma_semaphore, #tpu.memory_space<semaphore_mem>>)
      %add3A_156 = arith.constant 3 : i32
      %add3A_157 = arith.addi %add3A_131, %add3A_156 : i32
      %lt3A = arith.constant 64 : i32
      %lt3A_158 = arith.cmpi slt, %add3A_157, %lt3A : i32
      %convert_element_type3A = arith.extui %lt3A_158 : i1 to i32
      %cond3A = arith.constant 0 : i32
      %cond3A_159 = arith.cmpi ne, %convert_element_type3A, %cond3A : i32
      scf.if %cond3A_159 {
        %add3A_234 = arith.constant 3 : i32
        %add3A_235 = arith.addi %add3A_131, %add3A_234 : i32
        %mul3A_236 = arith.constant 8 : i32
        %mul3A_237 = arith.muli %add3A_235, %mul3A_236 : i32
        %add3A_238 = arith.addi %mul3A_2, %mul3A_237 : i32
        %dma_start3A_239 = arith.constant 0 : i32
        %dma_start3A_240 = tpu.memref_slice %arg2[%add3A_238, %dma_start3A_239] : memref<16384x2048xf32, #tpu.memory_space<hbm>> -> memref<8x2048xf32, #tpu.memory_space<hbm>>
        %dma_start3A_241 = arith.constant 0 : i32
        %dma_start3A_242 = tpu.memref_slice %arg2[%add3A_238, %dma_start3A_241] : memref<16384x2048xf32, #tpu.memory_space<hbm>> -> memref<8x2048xf32, #tpu.memory_space<hbm>>
        tpu.enqueue_dma source(%dma_start3A_242 : memref<8x2048xf32, #tpu.memory_space<hbm>>) target(%arg6 : memref<8x2048xf32, #tpu.memory_space<vmem>>) target_semaphore(%arg12 : memref<!tpu.dma_semaphore, #tpu.memory_space<semaphore_mem>>)
      } else {
      }
      %add3A_160 = arith.constant 1 : i32
      %add3A_161 = arith.addi %scan3A_125, %add3A_160 : i32
      %mul3A_162 = arith.constant 3 : i32
      %mul3A_163 = arith.muli %add3A_161, %mul3A_162 : i32
      %add3A_164 = arith.constant 1 : i32
      %add3A_165 = arith.addi %mul3A_163, %add3A_164 : i32
      %mul3A_166 = arith.constant 8 : i32
      %mul3A_167 = arith.muli %add3A_165, %mul3A_166 : i32
      %add3A_168 = arith.addi %mul3A_2, %mul3A_167 : i32
      %dma_wait3A_169 = arith.constant 0 : i32
      %dma_wait3A_170 = tpu.memref_slice %arg2[%add3A_168, %dma_wait3A_169] : memref<16384x2048xf32, #tpu.memory_space<hbm>> -> memref<8x2048xf32, #tpu.memory_space<hbm>>
      %dma_wait3A_171 = arith.constant 0 : i32
      %dma_wait3A_172 = tpu.memref_slice %arg2[%add3A_168, %dma_wait3A_171] : memref<16384x2048xf32, #tpu.memory_space<hbm>> -> memref<8x2048xf32, #tpu.memory_space<hbm>>
      tpu.wait_dma2 semaphore(%arg13 : memref<!tpu.dma_semaphore, #tpu.memory_space<semaphore_mem>>) src(%dma_wait3A_172 : memref<8x2048xf32, #tpu.memory_space<hbm>>) dst(%arg7 : memref<8x2048xf32, #tpu.memory_space<vmem>>)
      %mul3A_173 = arith.constant 8 : i32
      %mul3A_174 = arith.muli %add3A_165, %mul3A_173 : i32
      %add3A_175 = arith.addi %mul3A_2, %mul3A_174 : i32
      %dma_wait3A_176 = arith.constant 0 : i32
      %dma_wait3A_177 = tpu.memref_slice %arg4[%add3A_175, %dma_wait3A_176] : memref<16384x2048xf32, #tpu.memory_space<hbm>> -> memref<8x2048xf32, #tpu.memory_space<hbm>>
      %dma_wait3A_178 = arith.constant 0 : i32
      %dma_wait3A_179 = tpu.memref_slice %arg4[%add3A_175, %dma_wait3A_178] : memref<16384x2048xf32, #tpu.memory_space<hbm>> -> memref<8x2048xf32, #tpu.memory_space<hbm>>
      tpu.wait_dma2 semaphore(%arg16 : memref<!tpu.dma_semaphore, #tpu.memory_space<semaphore_mem>>) src(%arg10 : memref<8x2048xf32, #tpu.memory_space<vmem>>) dst(%dma_wait3A_179 : memref<8x2048xf32, #tpu.memory_space<hbm>>)
      %parallel_loop3A_180 = arith.constant 0 : i32
      %parallel_loop3A_181 = arith.constant 128 : i32
      %parallel_loop3A_182 = arith.constant 1 : i32
      scf.for %parallel_loop3A_234 = %parallel_loop3A_180 to %parallel_loop3A_181 step %parallel_loop3A_182  : i32 {
        %parallel_loop3A_235 = arith.constant 16 : i32
        %parallel_loop3A_236 = arith.muli %parallel_loop3A_234, %parallel_loop3A_235 : i32
        %parallel_loop3A_237 = arith.index_cast %parallel_loop3A_236 : i32 to index
        %parallel_loop3A_238 = tpu.vector_load %arg5[%parallel_loop3A_237] {strides = array<i32>} : memref<2048xi32, #tpu.memory_space<vmem>>, vector<16xi32>,
        %parallel_loop3A_239 = arith.constant 0 : i32
        %parallel_loop3A_240 = vector.broadcast %parallel_loop3A_239 : i32 to vector<16xi32>
        %parallel_loop3A_241 = tpu.vector_load_idx %arg7[%parallel_loop3A_240, %parallel_loop3A_238] : memref<8x2048xf32, #tpu.memory_space<vmem>>[vector<16xi32>, vector<16xi32>], vector<16xf32>,
        %parallel_loop3A_242 = arith.constant 16 : i32
        %parallel_loop3A_243 = arith.muli %parallel_loop3A_234, %parallel_loop3A_242 : i32
        %parallel_loop3A_244 = arith.constant 0 : i32
        %parallel_loop3A_245 = arith.index_cast %parallel_loop3A_244 : i32 to index
        %parallel_loop3A_246 = arith.index_cast %parallel_loop3A_243 : i32 to index
        %parallel_loop3A_247 = tpu.vector_load %arg10[%parallel_loop3A_245, %parallel_loop3A_246] {strides = array<i32>} : memref<8x2048xf32, #tpu.memory_space<vmem>>, vector<16xf32>,
        tpu.vector_store %arg10[%parallel_loop3A_245, %parallel_loop3A_246], %parallel_loop3A_241 {strides = array<i32>} : memref<8x2048xf32, #tpu.memory_space<vmem>>, vector<16xf32>,
        %parallel_loop3A_248 = arith.constant 1 : i32
        %parallel_loop3A_249 = vector.broadcast %parallel_loop3A_248 : i32 to vector<16xi32>
        %parallel_loop3A_250 = tpu.vector_load_idx %arg7[%parallel_loop3A_249, %parallel_loop3A_238] : memref<8x2048xf32, #tpu.memory_space<vmem>>[vector<16xi32>, vector<16xi32>], vector<16xf32>,
        %parallel_loop3A_251 = arith.constant 16 : i32
        %parallel_loop3A_252 = arith.muli %parallel_loop3A_234, %parallel_loop3A_251 : i32
        %parallel_loop3A_253 = arith.constant 1 : i32
        %parallel_loop3A_254 = arith.index_cast %parallel_loop3A_253 : i32 to index
        %parallel_loop3A_255 = arith.index_cast %parallel_loop3A_252 : i32 to index
        %parallel_loop3A_256 = tpu.vector_load %arg10[%parallel_loop3A_254, %parallel_loop3A_255] {strides = array<i32>} : memref<8x2048xf32, #tpu.memory_space<vmem>>, vector<16xf32>,
        tpu.vector_store %arg10[%parallel_loop3A_254, %parallel_loop3A_255], %parallel_loop3A_250 {strides = array<i32>} : memref<8x2048xf32, #tpu.memory_space<vmem>>, vector<16xf32>,
        %parallel_loop3A_257 = arith.constant 2 : i32
        %parallel_loop3A_258 = vector.broadcast %parallel_loop3A_257 : i32 to vector<16xi32>
        %parallel_loop3A_259 = tpu.vector_load_idx %arg7[%parallel_loop3A_258, %parallel_loop3A_238] : memref<8x2048xf32, #tpu.memory_space<vmem>>[vector<16xi32>, vector<16xi32>], vector<16xf32>,
        %parallel_loop3A_260 = arith.constant 16 : i32
        %parallel_loop3A_261 = arith.muli %parallel_loop3A_234, %parallel_loop3A_260 : i32
        %parallel_loop3A_262 = arith.constant 2 : i32
        %parallel_loop3A_263 = arith.index_cast %parallel_loop3A_262 : i32 to index
        %parallel_loop3A_264 = arith.index_cast %parallel_loop3A_261 : i32 to index
        %parallel_loop3A_265 = tpu.vector_load %arg10[%parallel_loop3A_263, %parallel_loop3A_264] {strides = array<i32>} : memref<8x2048xf32, #tpu.memory_space<vmem>>, vector<16xf32>,
        tpu.vector_store %arg10[%parallel_loop3A_263, %parallel_loop3A_264], %parallel_loop3A_259 {strides = array<i32>} : memref<8x2048xf32, #tpu.memory_space<vmem>>, vector<16xf32>,
        %parallel_loop3A_266 = arith.constant 3 : i32
        %parallel_loop3A_267 = vector.broadcast %parallel_loop3A_266 : i32 to vector<16xi32>
        %parallel_loop3A_268 = tpu.vector_load_idx %arg7[%parallel_loop3A_267, %parallel_loop3A_238] : memref<8x2048xf32, #tpu.memory_space<vmem>>[vector<16xi32>, vector<16xi32>], vector<16xf32>,
        %parallel_loop3A_269 = arith.constant 16 : i32
        %parallel_loop3A_270 = arith.muli %parallel_loop3A_234, %parallel_loop3A_269 : i32
        %parallel_loop3A_271 = arith.constant 3 : i32
        %parallel_loop3A_272 = arith.index_cast %parallel_loop3A_271 : i32 to index
        %parallel_loop3A_273 = arith.index_cast %parallel_loop3A_270 : i32 to index
        %parallel_loop3A_274 = tpu.vector_load %arg10[%parallel_loop3A_272, %parallel_loop3A_273] {strides = array<i32>} : memref<8x2048xf32, #tpu.memory_space<vmem>>, vector<16xf32>,
        tpu.vector_store %arg10[%parallel_loop3A_272, %parallel_loop3A_273], %parallel_loop3A_268 {strides = array<i32>} : memref<8x2048xf32, #tpu.memory_space<vmem>>, vector<16xf32>,
        %parallel_loop3A_275 = arith.constant 4 : i32
        %parallel_loop3A_276 = vector.broadcast %parallel_loop3A_275 : i32 to vector<16xi32>
        %parallel_loop3A_277 = tpu.vector_load_idx %arg7[%parallel_loop3A_276, %parallel_loop3A_238] : memref<8x2048xf32, #tpu.memory_space<vmem>>[vector<16xi32>, vector<16xi32>], vector<16xf32>,
        %parallel_loop3A_278 = arith.constant 16 : i32
        %parallel_loop3A_279 = arith.muli %parallel_loop3A_234, %parallel_loop3A_278 : i32
        %parallel_loop3A_280 = arith.constant 4 : i32
        %parallel_loop3A_281 = arith.index_cast %parallel_loop3A_280 : i32 to index
        %parallel_loop3A_282 = arith.index_cast %parallel_loop3A_279 : i32 to index
        %parallel_loop3A_283 = tpu.vector_load %arg10[%parallel_loop3A_281, %parallel_loop3A_282] {strides = array<i32>} : memref<8x2048xf32, #tpu.memory_space<vmem>>, vector<16xf32>,
        tpu.vector_store %arg10[%parallel_loop3A_281, %parallel_loop3A_282], %parallel_loop3A_277 {strides = array<i32>} : memref<8x2048xf32, #tpu.memory_space<vmem>>, vector<16xf32>,
        %parallel_loop3A_284 = arith.constant 5 : i32
        %parallel_loop3A_285 = vector.broadcast %parallel_loop3A_284 : i32 to vector<16xi32>
        %parallel_loop3A_286 = tpu.vector_load_idx %arg7[%parallel_loop3A_285, %parallel_loop3A_238] : memref<8x2048xf32, #tpu.memory_space<vmem>>[vector<16xi32>, vector<16xi32>], vector<16xf32>,
        %parallel_loop3A_287 = arith.constant 16 : i32
        %parallel_loop3A_288 = arith.muli %parallel_loop3A_234, %parallel_loop3A_287 : i32
        %parallel_loop3A_289 = arith.constant 5 : i32
        %parallel_loop3A_290 = arith.index_cast %parallel_loop3A_289 : i32 to index
        %parallel_loop3A_291 = arith.index_cast %parallel_loop3A_288 : i32 to index
        %parallel_loop3A_292 = tpu.vector_load %arg10[%parallel_loop3A_290, %parallel_loop3A_291] {strides = array<i32>} : memref<8x2048xf32, #tpu.memory_space<vmem>>, vector<16xf32>,
        tpu.vector_store %arg10[%parallel_loop3A_290, %parallel_loop3A_291], %parallel_loop3A_286 {strides = array<i32>} : memref<8x2048xf32, #tpu.memory_space<vmem>>, vector<16xf32>,
        %parallel_loop3A_293 = arith.constant 6 : i32
        %parallel_loop3A_294 = vector.broadcast %parallel_loop3A_293 : i32 to vector<16xi32>
        %parallel_loop3A_295 = tpu.vector_load_idx %arg7[%parallel_loop3A_294, %parallel_loop3A_238] : memref<8x2048xf32, #tpu.memory_space<vmem>>[vector<16xi32>, vector<16xi32>], vector<16xf32>,
        %parallel_loop3A_296 = arith.constant 16 : i32
        %parallel_loop3A_297 = arith.muli %parallel_loop3A_234, %parallel_loop3A_296 : i32
        %parallel_loop3A_298 = arith.constant 6 : i32
        %parallel_loop3A_299 = arith.index_cast %parallel_loop3A_298 : i32 to index
        %parallel_loop3A_300 = arith.index_cast %parallel_loop3A_297 : i32 to index
        %parallel_loop3A_301 = tpu.vector_load %arg10[%parallel_loop3A_299, %parallel_loop3A_300] {strides = array<i32>} : memref<8x2048xf32, #tpu.memory_space<vmem>>, vector<16xf32>,
        tpu.vector_store %arg10[%parallel_loop3A_299, %parallel_loop3A_300], %parallel_loop3A_295 {strides = array<i32>} : memref<8x2048xf32, #tpu.memory_space<vmem>>, vector<16xf32>,
        %parallel_loop3A_302 = arith.constant 7 : i32
        %parallel_loop3A_303 = vector.broadcast %parallel_loop3A_302 : i32 to vector<16xi32>
        %parallel_loop3A_304 = tpu.vector_load_idx %arg7[%parallel_loop3A_303, %parallel_loop3A_238] : memref<8x2048xf32, #tpu.memory_space<vmem>>[vector<16xi32>, vector<16xi32>], vector<16xf32>,
        %parallel_loop3A_305 = arith.constant 16 : i32
        %parallel_loop3A_306 = arith.muli %parallel_loop3A_234, %parallel_loop3A_305 : i32
        %parallel_loop3A_307 = arith.constant 7 : i32
        %parallel_loop3A_308 = arith.index_cast %parallel_loop3A_307 : i32 to index
        %parallel_loop3A_309 = arith.index_cast %parallel_loop3A_306 : i32 to index
        %parallel_loop3A_310 = tpu.vector_load %arg10[%parallel_loop3A_308, %parallel_loop3A_309] {strides = array<i32>} : memref<8x2048xf32, #tpu.memory_space<vmem>>, vector<16xf32>,
        tpu.vector_store %arg10[%parallel_loop3A_308, %parallel_loop3A_309], %parallel_loop3A_304 {strides = array<i32>} : memref<8x2048xf32, #tpu.memory_space<vmem>>, vector<16xf32>,
      } {sc.loop_unroll_factor = 4 : i64, sc.parallel_access}
      %mul3A_183 = arith.constant 8 : i32
      %mul3A_184 = arith.muli %add3A_165, %mul3A_183 : i32
      %add3A_185 = arith.addi %mul3A_2, %mul3A_184 : i32
      %dma_start3A_186 = arith.constant 0 : i32
      %dma_start3A_187 = tpu.memref_slice %arg4[%add3A_185, %dma_start3A_186] : memref<16384x2048xf32, #tpu.memory_space<hbm>> -> memref<8x2048xf32, #tpu.memory_space<hbm>>
      %dma_start3A_188 = arith.constant 0 : i32
      %dma_start3A_189 = tpu.memref_slice %arg4[%add3A_185, %dma_start3A_188] : memref<16384x2048xf32, #tpu.memory_space<hbm>> -> memref<8x2048xf32, #tpu.memory_space<hbm>>
      tpu.enqueue_dma source(%arg10 : memref<8x2048xf32, #tpu.memory_space<vmem>>) target(%dma_start3A_189 : memref<8x2048xf32, #tpu.memory_space<hbm>>) target_semaphore(%arg16 : memref<!tpu.dma_semaphore, #tpu.memory_space<semaphore_mem>>)
      %add3A_190 = arith.constant 3 : i32
      %add3A_191 = arith.addi %add3A_165, %add3A_190 : i32
      %lt3A_192 = arith.constant 64 : i32
      %lt3A_193 = arith.cmpi slt, %add3A_191, %lt3A_192 : i32
      %convert_element_type3A_194 = arith.extui %lt3A_193 : i1 to i32
      %cond3A_195 = arith.constant 0 : i32
      %cond3A_196 = arith.cmpi ne, %convert_element_type3A_194, %cond3A_195 : i32
      scf.if %cond3A_196 {
        %add3A_234 = arith.constant 3 : i32
        %add3A_235 = arith.addi %add3A_165, %add3A_234 : i32
        %mul3A_236 = arith.constant 8 : i32
        %mul3A_237 = arith.muli %add3A_235, %mul3A_236 : i32
        %add3A_238 = arith.addi %mul3A_2, %mul3A_237 : i32
        %dma_start3A_239 = arith.constant 0 : i32
        %dma_start3A_240 = tpu.memref_slice %arg2[%add3A_238, %dma_start3A_239] : memref<16384x2048xf32, #tpu.memory_space<hbm>> -> memref<8x2048xf32, #tpu.memory_space<hbm>>
        %dma_start3A_241 = arith.constant 0 : i32
        %dma_start3A_242 = tpu.memref_slice %arg2[%add3A_238, %dma_start3A_241] : memref<16384x2048xf32, #tpu.memory_space<hbm>> -> memref<8x2048xf32, #tpu.memory_space<hbm>>
        tpu.enqueue_dma source(%dma_start3A_242 : memref<8x2048xf32, #tpu.memory_space<hbm>>) target(%arg7 : memref<8x2048xf32, #tpu.memory_space<vmem>>) target_semaphore(%arg13 : memref<!tpu.dma_semaphore, #tpu.memory_space<semaphore_mem>>)
      } else {
      }
      %add3A_197 = arith.constant 1 : i32
      %add3A_198 = arith.addi %scan3A_125, %add3A_197 : i32
      %mul3A_199 = arith.constant 3 : i32
      %mul3A_200 = arith.muli %add3A_198, %mul3A_199 : i32
      %add3A_201 = arith.constant 2 : i32
      %add3A_202 = arith.addi %mul3A_200, %add3A_201 : i32
      %mul3A_203 = arith.constant 8 : i32
      %mul3A_204 = arith.muli %add3A_202, %mul3A_203 : i32
      %add3A_205 = arith.addi %mul3A_2, %mul3A_204 : i32
      %dma_wait3A_206 = arith.constant 0 : i32
      %dma_wait3A_207 = tpu.memref_slice %arg2[%add3A_205, %dma_wait3A_206] : memref<16384x2048xf32, #tpu.memory_space<hbm>> -> memref<8x2048xf32, #tpu.memory_space<hbm>>
      %dma_wait3A_208 = arith.constant 0 : i32
      %dma_wait3A_209 = tpu.memref_slice %arg2[%add3A_205, %dma_wait3A_208] : memref<16384x2048xf32, #tpu.memory_space<hbm>> -> memref<8x2048xf32, #tpu.memory_space<hbm>>
      tpu.wait_dma2 semaphore(%arg14 : memref<!tpu.dma_semaphore, #tpu.memory_space<semaphore_mem>>) src(%dma_wait3A_209 : memref<8x2048xf32, #tpu.memory_space<hbm>>) dst(%arg8 : memref<8x2048xf32, #tpu.memory_space<vmem>>)
      %mul3A_210 = arith.constant 8 : i32
      %mul3A_211 = arith.muli %add3A_202, %mul3A_210 : i32
      %add3A_212 = arith.addi %mul3A_2, %mul3A_211 : i32
      %dma_wait3A_213 = arith.constant 0 : i32
      %dma_wait3A_214 = tpu.memref_slice %arg4[%add3A_212, %dma_wait3A_213] : memref<16384x2048xf32, #tpu.memory_space<hbm>> -> memref<8x2048xf32, #tpu.memory_space<hbm>>
      %dma_wait3A_215 = arith.constant 0 : i32
      %dma_wait3A_216 = tpu.memref_slice %arg4[%add3A_212, %dma_wait3A_215] : memref<16384x2048xf32, #tpu.memory_space<hbm>> -> memref<8x2048xf32, #tpu.memory_space<hbm>>
      tpu.wait_dma2 semaphore(%arg17 : memref<!tpu.dma_semaphore, #tpu.memory_space<semaphore_mem>>) src(%arg11 : memref<8x2048xf32, #tpu.memory_space<vmem>>) dst(%dma_wait3A_216 : memref<8x2048xf32, #tpu.memory_space<hbm>>)
      %parallel_loop3A_217 = arith.constant 0 : i32
      %parallel_loop3A_218 = arith.constant 128 : i32
      %parallel_loop3A_219 = arith.constant 1 : i32
      scf.for %parallel_loop3A_234 = %parallel_loop3A_217 to %parallel_loop3A_218 step %parallel_loop3A_219  : i32 {
        %parallel_loop3A_235 = arith.constant 16 : i32
        %parallel_loop3A_236 = arith.muli %parallel_loop3A_234, %parallel_loop3A_235 : i32
        %parallel_loop3A_237 = arith.index_cast %parallel_loop3A_236 : i32 to index
        %parallel_loop3A_238 = tpu.vector_load %arg5[%parallel_loop3A_237] {strides = array<i32>} : memref<2048xi32, #tpu.memory_space<vmem>>, vector<16xi32>,
        %parallel_loop3A_239 = arith.constant 0 : i32
        %parallel_loop3A_240 = vector.broadcast %parallel_loop3A_239 : i32 to vector<16xi32>
        %parallel_loop3A_241 = tpu.vector_load_idx %arg8[%parallel_loop3A_240, %parallel_loop3A_238] : memref<8x2048xf32, #tpu.memory_space<vmem>>[vector<16xi32>, vector<16xi32>], vector<16xf32>,
        %parallel_loop3A_242 = arith.constant 16 : i32
        %parallel_loop3A_243 = arith.muli %parallel_loop3A_234, %parallel_loop3A_242 : i32
        %parallel_loop3A_244 = arith.constant 0 : i32
        %parallel_loop3A_245 = arith.index_cast %parallel_loop3A_244 : i32 to index
        %parallel_loop3A_246 = arith.index_cast %parallel_loop3A_243 : i32 to index
        %parallel_loop3A_247 = tpu.vector_load %arg11[%parallel_loop3A_245, %parallel_loop3A_246] {strides = array<i32>} : memref<8x2048xf32, #tpu.memory_space<vmem>>, vector<16xf32>,
        tpu.vector_store %arg11[%parallel_loop3A_245, %parallel_loop3A_246], %parallel_loop3A_241 {strides = array<i32>} : memref<8x2048xf32, #tpu.memory_space<vmem>>, vector<16xf32>,
        %parallel_loop3A_248 = arith.constant 1 : i32
        %parallel_loop3A_249 = vector.broadcast %parallel_loop3A_248 : i32 to vector<16xi32>
        %parallel_loop3A_250 = tpu.vector_load_idx %arg8[%parallel_loop3A_249, %parallel_loop3A_238] : memref<8x2048xf32, #tpu.memory_space<vmem>>[vector<16xi32>, vector<16xi32>], vector<16xf32>,
        %parallel_loop3A_251 = arith.constant 16 : i32
        %parallel_loop3A_252 = arith.muli %parallel_loop3A_234, %parallel_loop3A_251 : i32
        %parallel_loop3A_253 = arith.constant 1 : i32
        %parallel_loop3A_254 = arith.index_cast %parallel_loop3A_253 : i32 to index
        %parallel_loop3A_255 = arith.index_cast %parallel_loop3A_252 : i32 to index
        %parallel_loop3A_256 = tpu.vector_load %arg11[%parallel_loop3A_254, %parallel_loop3A_255] {strides = array<i32>} : memref<8x2048xf32, #tpu.memory_space<vmem>>, vector<16xf32>,
        tpu.vector_store %arg11[%parallel_loop3A_254, %parallel_loop3A_255], %parallel_loop3A_250 {strides = array<i32>} : memref<8x2048xf32, #tpu.memory_space<vmem>>, vector<16xf32>,
        %parallel_loop3A_257 = arith.constant 2 : i32
        %parallel_loop3A_258 = vector.broadcast %parallel_loop3A_257 : i32 to vector<16xi32>
        %parallel_loop3A_259 = tpu.vector_load_idx %arg8[%parallel_loop3A_258, %parallel_loop3A_238] : memref<8x2048xf32, #tpu.memory_space<vmem>>[vector<16xi32>, vector<16xi32>], vector<16xf32>,
        %parallel_loop3A_260 = arith.constant 16 : i32
        %parallel_loop3A_261 = arith.muli %parallel_loop3A_234, %parallel_loop3A_260 : i32
        %parallel_loop3A_262 = arith.constant 2 : i32
        %parallel_loop3A_263 = arith.index_cast %parallel_loop3A_262 : i32 to index
        %parallel_loop3A_264 = arith.index_cast %parallel_loop3A_261 : i32 to index
        %parallel_loop3A_265 = tpu.vector_load %arg11[%parallel_loop3A_263, %parallel_loop3A_264] {strides = array<i32>} : memref<8x2048xf32, #tpu.memory_space<vmem>>, vector<16xf32>,
        tpu.vector_store %arg11[%parallel_loop3A_263, %parallel_loop3A_264], %parallel_loop3A_259 {strides = array<i32>} : memref<8x2048xf32, #tpu.memory_space<vmem>>, vector<16xf32>,
        %parallel_loop3A_266 = arith.constant 3 : i32
        %parallel_loop3A_267 = vector.broadcast %parallel_loop3A_266 : i32 to vector<16xi32>
        %parallel_loop3A_268 = tpu.vector_load_idx %arg8[%parallel_loop3A_267, %parallel_loop3A_238] : memref<8x2048xf32, #tpu.memory_space<vmem>>[vector<16xi32>, vector<16xi32>], vector<16xf32>,
        %parallel_loop3A_269 = arith.constant 16 : i32
        %parallel_loop3A_270 = arith.muli %parallel_loop3A_234, %parallel_loop3A_269 : i32
        %parallel_loop3A_271 = arith.constant 3 : i32
        %parallel_loop3A_272 = arith.index_cast %parallel_loop3A_271 : i32 to index
        %parallel_loop3A_273 = arith.index_cast %parallel_loop3A_270 : i32 to index
        %parallel_loop3A_274 = tpu.vector_load %arg11[%parallel_loop3A_272, %parallel_loop3A_273] {strides = array<i32>} : memref<8x2048xf32, #tpu.memory_space<vmem>>, vector<16xf32>,
        tpu.vector_store %arg11[%parallel_loop3A_272, %parallel_loop3A_273], %parallel_loop3A_268 {strides = array<i32>} : memref<8x2048xf32, #tpu.memory_space<vmem>>, vector<16xf32>,
        %parallel_loop3A_275 = arith.constant 4 : i32
        %parallel_loop3A_276 = vector.broadcast %parallel_loop3A_275 : i32 to vector<16xi32>
        %parallel_loop3A_277 = tpu.vector_load_idx %arg8[%parallel_loop3A_276, %parallel_loop3A_238] : memref<8x2048xf32, #tpu.memory_space<vmem>>[vector<16xi32>, vector<16xi32>], vector<16xf32>,
        %parallel_loop3A_278 = arith.constant 16 : i32
        %parallel_loop3A_279 = arith.muli %parallel_loop3A_234, %parallel_loop3A_278 : i32
        %parallel_loop3A_280 = arith.constant 4 : i32
        %parallel_loop3A_281 = arith.index_cast %parallel_loop3A_280 : i32 to index
        %parallel_loop3A_282 = arith.index_cast %parallel_loop3A_279 : i32 to index
        %parallel_loop3A_283 = tpu.vector_load %arg11[%parallel_loop3A_281, %parallel_loop3A_282] {strides = array<i32>} : memref<8x2048xf32, #tpu.memory_space<vmem>>, vector<16xf32>,
        tpu.vector_store %arg11[%parallel_loop3A_281, %parallel_loop3A_282], %parallel_loop3A_277 {strides = array<i32>} : memref<8x2048xf32, #tpu.memory_space<vmem>>, vector<16xf32>,
        %parallel_loop3A_284 = arith.constant 5 : i32
        %parallel_loop3A_285 = vector.broadcast %parallel_loop3A_284 : i32 to vector<16xi32>
        %parallel_loop3A_286 = tpu.vector_load_idx %arg8[%parallel_loop3A_285, %parallel_loop3A_238] : memref<8x2048xf32, #tpu.memory_space<vmem>>[vector<16xi32>, vector<16xi32>], vector<16xf32>,
        %parallel_loop3A_287 = arith.constant 16 : i32
        %parallel_loop3A_288 = arith.muli %parallel_loop3A_234, %parallel_loop3A_287 : i32
        %parallel_loop3A_289 = arith.constant 5 : i32
        %parallel_loop3A_290 = arith.index_cast %parallel_loop3A_289 : i32 to index
        %parallel_loop3A_291 = arith.index_cast %parallel_loop3A_288 : i32 to index
        %parallel_loop3A_292 = tpu.vector_load %arg11[%parallel_loop3A_290, %parallel_loop3A_291] {strides = array<i32>} : memref<8x2048xf32, #tpu.memory_space<vmem>>, vector<16xf32>,
        tpu.vector_store %arg11[%parallel_loop3A_290, %parallel_loop3A_291], %parallel_loop3A_286 {strides = array<i32>} : memref<8x2048xf32, #tpu.memory_space<vmem>>, vector<16xf32>,
        %parallel_loop3A_293 = arith.constant 6 : i32
        %parallel_loop3A_294 = vector.broadcast %parallel_loop3A_293 : i32 to vector<16xi32>
        %parallel_loop3A_295 = tpu.vector_load_idx %arg8[%parallel_loop3A_294, %parallel_loop3A_238] : memref<8x2048xf32, #tpu.memory_space<vmem>>[vector<16xi32>, vector<16xi32>], vector<16xf32>,
        %parallel_loop3A_296 = arith.constant 16 : i32
        %parallel_loop3A_297 = arith.muli %parallel_loop3A_234, %parallel_loop3A_296 : i32
        %parallel_loop3A_298 = arith.constant 6 : i32
        %parallel_loop3A_299 = arith.index_cast %parallel_loop3A_298 : i32 to index
        %parallel_loop3A_300 = arith.index_cast %parallel_loop3A_297 : i32 to index
        %parallel_loop3A_301 = tpu.vector_load %arg11[%parallel_loop3A_299, %parallel_loop3A_300] {strides = array<i32>} : memref<8x2048xf32, #tpu.memory_space<vmem>>, vector<16xf32>,
        tpu.vector_store %arg11[%parallel_loop3A_299, %parallel_loop3A_300], %parallel_loop3A_295 {strides = array<i32>} : memref<8x2048xf32, #tpu.memory_space<vmem>>, vector<16xf32>,
        %parallel_loop3A_302 = arith.constant 7 : i32
        %parallel_loop3A_303 = vector.broadcast %parallel_loop3A_302 : i32 to vector<16xi32>
        %parallel_loop3A_304 = tpu.vector_load_idx %arg8[%parallel_loop3A_303, %parallel_loop3A_238] : memref<8x2048xf32, #tpu.memory_space<vmem>>[vector<16xi32>, vector<16xi32>], vector<16xf32>,
        %parallel_loop3A_305 = arith.constant 16 : i32
        %parallel_loop3A_306 = arith.muli %parallel_loop3A_234, %parallel_loop3A_305 : i32
        %parallel_loop3A_307 = arith.constant 7 : i32
        %parallel_loop3A_308 = arith.index_cast %parallel_loop3A_307 : i32 to index
        %parallel_loop3A_309 = arith.index_cast %parallel_loop3A_306 : i32 to index
        %parallel_loop3A_310 = tpu.vector_load %arg11[%parallel_loop3A_308, %parallel_loop3A_309] {strides = array<i32>} : memref<8x2048xf32, #tpu.memory_space<vmem>>, vector<16xf32>,
        tpu.vector_store %arg11[%parallel_loop3A_308, %parallel_loop3A_309], %parallel_loop3A_304 {strides = array<i32>} : memref<8x2048xf32, #tpu.memory_space<vmem>>, vector<16xf32>,
      } {sc.loop_unroll_factor = 4 : i64, sc.parallel_access}
      %mul3A_220 = arith.constant 8 : i32
      %mul3A_221 = arith.muli %add3A_202, %mul3A_220 : i32
      %add3A_222 = arith.addi %mul3A_2, %mul3A_221 : i32
      %dma_start3A_223 = arith.constant 0 : i32
      %dma_start3A_224 = tpu.memref_slice %arg4[%add3A_222, %dma_start3A_223] : memref<16384x2048xf32, #tpu.memory_space<hbm>> -> memref<8x2048xf32, #tpu.memory_space<hbm>>
      %dma_start3A_225 = arith.constant 0 : i32
      %dma_start3A_226 = tpu.memref_slice %arg4[%add3A_222, %dma_start3A_225] : memref<16384x2048xf32, #tpu.memory_space<hbm>> -> memref<8x2048xf32, #tpu.memory_space<hbm>>
      tpu.enqueue_dma source(%arg11 : memref<8x2048xf32, #tpu.memory_space<vmem>>) target(%dma_start3A_226 : memref<8x2048xf32, #tpu.memory_space<hbm>>) target_semaphore(%arg17 : memref<!tpu.dma_semaphore, #tpu.memory_space<semaphore_mem>>)
      %add3A_227 = arith.constant 3 : i32
      %add3A_228 = arith.addi %add3A_202, %add3A_227 : i32
      %lt3A_229 = arith.constant 64 : i32
      %lt3A_230 = arith.cmpi slt, %add3A_228, %lt3A_229 : i32
      %convert_element_type3A_231 = arith.extui %lt3A_230 : i1 to i32
      %cond3A_232 = arith.constant 0 : i32
      %cond3A_233 = arith.cmpi ne, %convert_element_type3A_231, %cond3A_232 : i32
      scf.if %cond3A_233 {
        %add3A_234 = arith.constant 3 : i32
        %add3A_235 = arith.addi %add3A_202, %add3A_234 : i32
        %mul3A_236 = arith.constant 8 : i32
        %mul3A_237 = arith.muli %add3A_235, %mul3A_236 : i32
        %add3A_238 = arith.addi %mul3A_2, %mul3A_237 : i32
        %dma_start3A_239 = arith.constant 0 : i32
        %dma_start3A_240 = tpu.memref_slice %arg2[%add3A_238, %dma_start3A_239] : memref<16384x2048xf32, #tpu.memory_space<hbm>> -> memref<8x2048xf32, #tpu.memory_space<hbm>>
        %dma_start3A_241 = arith.constant 0 : i32
        %dma_start3A_242 = tpu.memref_slice %arg2[%add3A_238, %dma_start3A_241] : memref<16384x2048xf32, #tpu.memory_space<hbm>> -> memref<8x2048xf32, #tpu.memory_space<hbm>>
        tpu.enqueue_dma source(%dma_start3A_242 : memref<8x2048xf32, #tpu.memory_space<hbm>>) target(%arg8 : memref<8x2048xf32, #tpu.memory_space<vmem>>) target_semaphore(%arg14 : memref<!tpu.dma_semaphore, #tpu.memory_space<semaphore_mem>>)
      } else {
      }
    }
    %scan3A_85 = arith.constant 20 : i32
    %add3A_86 = arith.constant 504 : i32
    %add3A_87 = arith.addi %mul3A_2, %add3A_86 : i32
    %dma_wait3A_88 = arith.constant 0 : i32
    %dma_wait3A_89 = tpu.memref_slice %arg2[%add3A_87, %dma_wait3A_88] : memref<16384x2048xf32, #tpu.memory_space<hbm>> -> memref<8x2048xf32, #tpu.memory_space<hbm>>
    %dma_wait3A_90 = arith.constant 0 : i32
    %dma_wait3A_91 = tpu.memref_slice %arg2[%add3A_87, %dma_wait3A_90] : memref<16384x2048xf32, #tpu.memory_space<hbm>> -> memref<8x2048xf32, #tpu.memory_space<hbm>>
    tpu.wait_dma2 semaphore(%arg12 : memref<!tpu.dma_semaphore, #tpu.memory_space<semaphore_mem>>) src(%dma_wait3A_91 : memref<8x2048xf32, #tpu.memory_space<hbm>>) dst(%arg6 : memref<8x2048xf32, #tpu.memory_space<vmem>>)
    %add3A_92 = arith.constant 504 : i32
    %add3A_93 = arith.addi %mul3A_2, %add3A_92 : i32
    %dma_wait3A_94 = arith.constant 0 : i32
    %dma_wait3A_95 = tpu.memref_slice %arg4[%add3A_93, %dma_wait3A_94] : memref<16384x2048xf32, #tpu.memory_space<hbm>> -> memref<8x2048xf32, #tpu.memory_space<hbm>>
    %dma_wait3A_96 = arith.constant 0 : i32
    %dma_wait3A_97 = tpu.memref_slice %arg4[%add3A_93, %dma_wait3A_96] : memref<16384x2048xf32, #tpu.memory_space<hbm>> -> memref<8x2048xf32, #tpu.memory_space<hbm>>
    tpu.wait_dma2 semaphore(%arg15 : memref<!tpu.dma_semaphore, #tpu.memory_space<semaphore_mem>>) src(%arg9 : memref<8x2048xf32, #tpu.memory_space<vmem>>) dst(%dma_wait3A_97 : memref<8x2048xf32, #tpu.memory_space<hbm>>)
    %parallel_loop3A_98 = arith.constant 0 : i32
    %parallel_loop3A_99 = arith.constant 128 : i32
    %parallel_loop3A_100 = arith.constant 1 : i32
    scf.for %parallel_loop3A_125 = %parallel_loop3A_98 to %parallel_loop3A_99 step %parallel_loop3A_100  : i32 {
      %parallel_loop3A_126 = arith.constant 16 : i32
      %parallel_loop3A_127 = arith.muli %parallel_loop3A_125, %parallel_loop3A_126 : i32
      %parallel_loop3A_128 = arith.index_cast %parallel_loop3A_127 : i32 to index
      %parallel_loop3A_129 = tpu.vector_load %arg5[%parallel_loop3A_128] {strides = array<i32>} : memref<2048xi32, #tpu.memory_space<vmem>>, vector<16xi32>,
      %parallel_loop3A_130 = arith.constant 0 : i32
      %parallel_loop3A_131 = vector.broadcast %parallel_loop3A_130 : i32 to vector<16xi32>
      %parallel_loop3A_132 = tpu.vector_load_idx %arg6[%parallel_loop3A_131, %parallel_loop3A_129] : memref<8x2048xf32, #tpu.memory_space<vmem>>[vector<16xi32>, vector<16xi32>], vector<16xf32>,
      %parallel_loop3A_133 = arith.constant 16 : i32
      %parallel_loop3A_134 = arith.muli %parallel_loop3A_125, %parallel_loop3A_133 : i32
      %parallel_loop3A_135 = arith.constant 0 : i32
      %parallel_loop3A_136 = arith.index_cast %parallel_loop3A_135 : i32 to index
      %parallel_loop3A_137 = arith.index_cast %parallel_loop3A_134 : i32 to index
      %parallel_loop3A_138 = tpu.vector_load %arg9[%parallel_loop3A_136, %parallel_loop3A_137] {strides = array<i32>} : memref<8x2048xf32, #tpu.memory_space<vmem>>, vector<16xf32>,
      tpu.vector_store %arg9[%parallel_loop3A_136, %parallel_loop3A_137], %parallel_loop3A_132 {strides = array<i32>} : memref<8x2048xf32, #tpu.memory_space<vmem>>, vector<16xf32>,
      %parallel_loop3A_139 = arith.constant 1 : i32
      %parallel_loop3A_140 = vector.broadcast %parallel_loop3A_139 : i32 to vector<16xi32>
      %parallel_loop3A_141 = tpu.vector_load_idx %arg6[%parallel_loop3A_140, %parallel_loop3A_129] : memref<8x2048xf32, #tpu.memory_space<vmem>>[vector<16xi32>, vector<16xi32>], vector<16xf32>,
      %parallel_loop3A_142 = arith.constant 16 : i32
      %parallel_loop3A_143 = arith.muli %parallel_loop3A_125, %parallel_loop3A_142 : i32
      %parallel_loop3A_144 = arith.constant 1 : i32
      %parallel_loop3A_145 = arith.index_cast %parallel_loop3A_144 : i32 to index
      %parallel_loop3A_146 = arith.index_cast %parallel_loop3A_143 : i32 to index
      %parallel_loop3A_147 = tpu.vector_load %arg9[%parallel_loop3A_145, %parallel_loop3A_146] {strides = array<i32>} : memref<8x2048xf32, #tpu.memory_space<vmem>>, vector<16xf32>,
      tpu.vector_store %arg9[%parallel_loop3A_145, %parallel_loop3A_146], %parallel_loop3A_141 {strides = array<i32>} : memref<8x2048xf32, #tpu.memory_space<vmem>>, vector<16xf32>,
      %parallel_loop3A_148 = arith.constant 2 : i32
      %parallel_loop3A_149 = vector.broadcast %parallel_loop3A_148 : i32 to vector<16xi32>
      %parallel_loop3A_150 = tpu.vector_load_idx %arg6[%parallel_loop3A_149, %parallel_loop3A_129] : memref<8x2048xf32, #tpu.memory_space<vmem>>[vector<16xi32>, vector<16xi32>], vector<16xf32>,
      %parallel_loop3A_151 = arith.constant 16 : i32
      %parallel_loop3A_152 = arith.muli %parallel_loop3A_125, %parallel_loop3A_151 : i32
      %parallel_loop3A_153 = arith.constant 2 : i32
      %parallel_loop3A_154 = arith.index_cast %parallel_loop3A_153 : i32 to index
      %parallel_loop3A_155 = arith.index_cast %parallel_loop3A_152 : i32 to index
      %parallel_loop3A_156 = tpu.vector_load %arg9[%parallel_loop3A_154, %parallel_loop3A_155] {strides = array<i32>} : memref<8x2048xf32, #tpu.memory_space<vmem>>, vector<16xf32>,
      tpu.vector_store %arg9[%parallel_loop3A_154, %parallel_loop3A_155], %parallel_loop3A_150 {strides = array<i32>} : memref<8x2048xf32, #tpu.memory_space<vmem>>, vector<16xf32>,
      %parallel_loop3A_157 = arith.constant 3 : i32
      %parallel_loop3A_158 = vector.broadcast %parallel_loop3A_157 : i32 to vector<16xi32>
      %parallel_loop3A_159 = tpu.vector_load_idx %arg6[%parallel_loop3A_158, %parallel_loop3A_129] : memref<8x2048xf32, #tpu.memory_space<vmem>>[vector<16xi32>, vector<16xi32>], vector<16xf32>,
      %parallel_loop3A_160 = arith.constant 16 : i32
      %parallel_loop3A_161 = arith.muli %parallel_loop3A_125, %parallel_loop3A_160 : i32
      %parallel_loop3A_162 = arith.constant 3 : i32
      %parallel_loop3A_163 = arith.index_cast %parallel_loop3A_162 : i32 to index
      %parallel_loop3A_164 = arith.index_cast %parallel_loop3A_161 : i32 to index
      %parallel_loop3A_165 = tpu.vector_load %arg9[%parallel_loop3A_163, %parallel_loop3A_164] {strides = array<i32>} : memref<8x2048xf32, #tpu.memory_space<vmem>>, vector<16xf32>,
      tpu.vector_store %arg9[%parallel_loop3A_163, %parallel_loop3A_164], %parallel_loop3A_159 {strides = array<i32>} : memref<8x2048xf32, #tpu.memory_space<vmem>>, vector<16xf32>,
      %parallel_loop3A_166 = arith.constant 4 : i32
      %parallel_loop3A_167 = vector.broadcast %parallel_loop3A_166 : i32 to vector<16xi32>
      %parallel_loop3A_168 = tpu.vector_load_idx %arg6[%parallel_loop3A_167, %parallel_loop3A_129] : memref<8x2048xf32, #tpu.memory_space<vmem>>[vector<16xi32>, vector<16xi32>], vector<16xf32>,
      %parallel_loop3A_169 = arith.constant 16 : i32
      %parallel_loop3A_170 = arith.muli %parallel_loop3A_125, %parallel_loop3A_169 : i32
      %parallel_loop3A_171 = arith.constant 4 : i32
      %parallel_loop3A_172 = arith.index_cast %parallel_loop3A_171 : i32 to index
      %parallel_loop3A_173 = arith.index_cast %parallel_loop3A_170 : i32 to index
      %parallel_loop3A_174 = tpu.vector_load %arg9[%parallel_loop3A_172, %parallel_loop3A_173] {strides = array<i32>} : memref<8x2048xf32, #tpu.memory_space<vmem>>, vector<16xf32>,
      tpu.vector_store %arg9[%parallel_loop3A_172, %parallel_loop3A_173], %parallel_loop3A_168 {strides = array<i32>} : memref<8x2048xf32, #tpu.memory_space<vmem>>, vector<16xf32>,
      %parallel_loop3A_175 = arith.constant 5 : i32
      %parallel_loop3A_176 = vector.broadcast %parallel_loop3A_175 : i32 to vector<16xi32>
      %parallel_loop3A_177 = tpu.vector_load_idx %arg6[%parallel_loop3A_176, %parallel_loop3A_129] : memref<8x2048xf32, #tpu.memory_space<vmem>>[vector<16xi32>, vector<16xi32>], vector<16xf32>,
      %parallel_loop3A_178 = arith.constant 16 : i32
      %parallel_loop3A_179 = arith.muli %parallel_loop3A_125, %parallel_loop3A_178 : i32
      %parallel_loop3A_180 = arith.constant 5 : i32
      %parallel_loop3A_181 = arith.index_cast %parallel_loop3A_180 : i32 to index
      %parallel_loop3A_182 = arith.index_cast %parallel_loop3A_179 : i32 to index
      %parallel_loop3A_183 = tpu.vector_load %arg9[%parallel_loop3A_181, %parallel_loop3A_182] {strides = array<i32>} : memref<8x2048xf32, #tpu.memory_space<vmem>>, vector<16xf32>,
      tpu.vector_store %arg9[%parallel_loop3A_181, %parallel_loop3A_182], %parallel_loop3A_177 {strides = array<i32>} : memref<8x2048xf32, #tpu.memory_space<vmem>>, vector<16xf32>,
      %parallel_loop3A_184 = arith.constant 6 : i32
      %parallel_loop3A_185 = vector.broadcast %parallel_loop3A_184 : i32 to vector<16xi32>
      %parallel_loop3A_186 = tpu.vector_load_idx %arg6[%parallel_loop3A_185, %parallel_loop3A_129] : memref<8x2048xf32, #tpu.memory_space<vmem>>[vector<16xi32>, vector<16xi32>], vector<16xf32>,
      %parallel_loop3A_187 = arith.constant 16 : i32
      %parallel_loop3A_188 = arith.muli %parallel_loop3A_125, %parallel_loop3A_187 : i32
      %parallel_loop3A_189 = arith.constant 6 : i32
      %parallel_loop3A_190 = arith.index_cast %parallel_loop3A_189 : i32 to index
      %parallel_loop3A_191 = arith.index_cast %parallel_loop3A_188 : i32 to index
      %parallel_loop3A_192 = tpu.vector_load %arg9[%parallel_loop3A_190, %parallel_loop3A_191] {strides = array<i32>} : memref<8x2048xf32, #tpu.memory_space<vmem>>, vector<16xf32>,
      tpu.vector_store %arg9[%parallel_loop3A_190, %parallel_loop3A_191], %parallel_loop3A_186 {strides = array<i32>} : memref<8x2048xf32, #tpu.memory_space<vmem>>, vector<16xf32>,
      %parallel_loop3A_193 = arith.constant 7 : i32
      %parallel_loop3A_194 = vector.broadcast %parallel_loop3A_193 : i32 to vector<16xi32>
      %parallel_loop3A_195 = tpu.vector_load_idx %arg6[%parallel_loop3A_194, %parallel_loop3A_129] : memref<8x2048xf32, #tpu.memory_space<vmem>>[vector<16xi32>, vector<16xi32>], vector<16xf32>,
      %parallel_loop3A_196 = arith.constant 16 : i32
      %parallel_loop3A_197 = arith.muli %parallel_loop3A_125, %parallel_loop3A_196 : i32
      %parallel_loop3A_198 = arith.constant 7 : i32
      %parallel_loop3A_199 = arith.index_cast %parallel_loop3A_198 : i32 to index
      %parallel_loop3A_200 = arith.index_cast %parallel_loop3A_197 : i32 to index
      %parallel_loop3A_201 = tpu.vector_load %arg9[%parallel_loop3A_199, %parallel_loop3A_200] {strides = array<i32>} : memref<8x2048xf32, #tpu.memory_space<vmem>>, vector<16xf32>,
      tpu.vector_store %arg9[%parallel_loop3A_199, %parallel_loop3A_200], %parallel_loop3A_195 {strides = array<i32>} : memref<8x2048xf32, #tpu.memory_space<vmem>>, vector<16xf32>,
    } {sc.loop_unroll_factor = 4 : i64, sc.parallel_access}
    %add3A_101 = arith.constant 504 : i32
    %add3A_102 = arith.addi %mul3A_2, %add3A_101 : i32
    %dma_start3A_103 = arith.constant 0 : i32
    %dma_start3A_104 = tpu.memref_slice %arg4[%add3A_102, %dma_start3A_103] : memref<16384x2048xf32, #tpu.memory_space<hbm>> -> memref<8x2048xf32, #tpu.memory_space<hbm>>
    %dma_start3A_105 = arith.constant 0 : i32
    %dma_start3A_106 = tpu.memref_slice %arg4[%add3A_102, %dma_start3A_105] : memref<16384x2048xf32, #tpu.memory_space<hbm>> -> memref<8x2048xf32, #tpu.memory_space<hbm>>
    tpu.enqueue_dma source(%arg9 : memref<8x2048xf32, #tpu.memory_space<vmem>>) target(%dma_start3A_106 : memref<8x2048xf32, #tpu.memory_space<hbm>>) target_semaphore(%arg15 : memref<!tpu.dma_semaphore, #tpu.memory_space<semaphore_mem>>)
    %add3A_107 = arith.constant 488 : i32
    %add3A_108 = arith.addi %mul3A_2, %add3A_107 : i32
    %dma_wait3A_109 = arith.constant 0 : i32
    %dma_wait3A_110 = tpu.memref_slice %arg4[%add3A_108, %dma_wait3A_109] : memref<16384x2048xf32, #tpu.memory_space<hbm>> -> memref<8x2048xf32, #tpu.memory_space<hbm>>
    %dma_wait3A_111 = arith.constant 0 : i32
    %dma_wait3A_112 = tpu.memref_slice %arg4[%add3A_108, %dma_wait3A_111] : memref<16384x2048xf32, #tpu.memory_space<hbm>> -> memref<8x2048xf32, #tpu.memory_space<hbm>>
    tpu.wait_dma2 semaphore(%arg16 : memref<!tpu.dma_semaphore, #tpu.memory_space<semaphore_mem>>) src(%arg10 : memref<8x2048xf32, #tpu.memory_space<vmem>>) dst(%dma_wait3A_112 : memref<8x2048xf32, #tpu.memory_space<hbm>>)
    %add3A_113 = arith.constant 496 : i32
    %add3A_114 = arith.addi %mul3A_2, %add3A_113 : i32
    %dma_wait3A_115 = arith.constant 0 : i32
    %dma_wait3A_116 = tpu.memref_slice %arg4[%add3A_114, %dma_wait3A_115] : memref<16384x2048xf32, #tpu.memory_space<hbm>> -> memref<8x2048xf32, #tpu.memory_space<hbm>>
    %dma_wait3A_117 = arith.constant 0 : i32
    %dma_wait3A_118 = tpu.memref_slice %arg4[%add3A_114, %dma_wait3A_117] : memref<16384x2048xf32, #tpu.memory_space<hbm>> -> memref<8x2048xf32, #tpu.memory_space<hbm>>
    tpu.wait_dma2 semaphore(%arg17 : memref<!tpu.dma_semaphore, #tpu.memory_space<semaphore_mem>>) src(%arg11 : memref<8x2048xf32, #tpu.memory_space<vmem>>) dst(%dma_wait3A_118 : memref<8x2048xf32, #tpu.memory_space<hbm>>)
    %add3A_119 = arith.constant 504 : i32
    %add3A_120 = arith.addi %mul3A_2, %add3A_119 : i32
    %dma_wait3A_121 = arith.constant 0 : i32
    %dma_wait3A_122 = tpu.memref_slice %arg4[%add3A_120, %dma_wait3A_121] : memref<16384x2048xf32, #tpu.memory_space<hbm>> -> memref<8x2048xf32, #tpu.memory_space<hbm>>
    %dma_wait3A_123 = arith.constant 0 : i32
    %dma_wait3A_124 = tpu.memref_slice %arg4[%add3A_120, %dma_wait3A_123] : memref<16384x2048xf32, #tpu.memory_space<hbm>> -> memref<8x2048xf32, #tpu.memory_space<hbm>>
    tpu.wait_dma2 semaphore(%arg15 : memref<!tpu.dma_semaphore, #tpu.memory_space<semaphore_mem>>) src(%arg9 : memref<8x2048xf32, #tpu.memory_space<vmem>>) dst(%dma_wait3A_124 : memref<8x2048xf32, #tpu.memory_space<hbm>>)
    return
  }
}

</mosaic_0001>

<sc_bundles>
// kernel: kernel.3.cloned.1.call-start
scs
__scs_entry_jumppad:
0x0: {  	(pc) =	sbr.rel $0x88, $3  }
0x1: {  	(tag) =	ssettag $0x0;
	lr =	simm.s32 $0x1  }
0x2: {  	[smem:$0x3F9F] =	sst lr;
	_ =	strace $0xD0000000  }
0x3: {  	_ = 	snop  }
0x4: {  	_ = 	snop  }
0x5: {  	_ = 	snop  }
0x6: {  	_ = 	snop  }
0x7: {  	_ = 	snop  }
__scs_overlays_trampoline_lowered:
0x8: {  	[smem:$0x3FAE] =	sst s0  }
0x9: {  	[smem:$0x3FAF] =	sst s1  }
0xa: {  	[smem:$0x3FB0] =	sst s2  }
0xb: {  	[smem:$0x3FB1] =	sst s3  }
0xc: {  	[smem:$0x3FB2] =	sst s4  }
0xd: {  	[smem:$0x3FB3] =	sst s5  }
0xe: {  	[smem:$0x3FB4] =	sst s6  }
0xf: {  	[smem:$0x3FB5] =	sst s7  }
0x10: {  	[smem:$0x3FB6] =	sst s8  }
0x11: {  	[smem:$0x3FB7] =	sst s9;
	s0 =	simm.s32 @!p0 $0x0  }
0x12: {  	s1 =	sld [smem:$0x3F9D];
	s0 =	simm.s32 @p0 $0x1  }
0x13: {  	[smem:$0x3FB8] =	sst s0;
	s0 =	simm.s32 @!p1 $0x0  }
0x14: {  	s2 =	sld [smem:$0x3F9C];
	s0 =	simm.s32 @p1 $0x1  }
0x15: {  	[smem:$0x3FB9] =	sst s0;
	s0 =	simm.s32 @!p2 $0x0  }
0x16: {  	s3 =	sld [smem:$0x3FDB];
	s0 =	simm.s32 @p2 $0x1  }
0x17: {  	s4 =	simm.s32 $0x1BF5;
	[smem:$0x3FBB] =	sst s0  }
0x18: {  	s0 =	sld [smem:$0x3F9E];
	_ =	swait.ge [sflag:s4], $0x0  }
0x19: {  	s7 =	sld [smem:$0x3F9F]  }
0x1a: {  	s8 =	sadd.s32 $0xFFFFE003, lr  }
0x1b: {  	s9 =	sadd.s32 $0xFFFFFEF7, lr;
	s5 =	simm.s32 $0xFFFFFFFF;
	p2 =	slt.u32 s8, $0xFFFFF086  }
0x1c: {  	p1 =	slt.u32 s9, $0xF7A;
	s5 =	simm.s32 @!p2 $0x0  }
0x1d: {  	s5 =	simm.s32 @p1 $0x1;
	p0 =	seq.s32 s7, s2  }
0x1e: {  	s7 =	smul.u32 @!p0 $0xF7A, s2;
	p2 =	seq.s32 @!p0 s5, $0x0  }
0x1f: {  	s9 =	smul.u32 $0xF7A, s1;
	s8 =	simm.s32 @!p0 $0x1BF5;
	p2 =	por !p2, p0  }
0x20: {  	[sflag:s8] =	ssyncset.s32 @!p0 $0xFFFFF086;
	s6 =	sadd.s32 @!p0 s3, s7;
	s7 =	simm.s32 @!p0 $0x108  }
0x21: {  	s3 =	sadd.s32 s3, s9;
	s6 =	sadd.s32 @!p0 $0x88, s6;
	s7 =	simm.s32 @p2 $0x1082  }
0x22: {  	[simem:s7], [sflag:s8] =	dma.local @!p0 [hbm:s6], $0xF7A  }
0x23: {  	s9 =	sor.u32 $0xD0000000, s2;
	s6 =	simm.s32 $0x108;
	_ =	swait.ge @!p0 [sflag:s8], $0x0  }
0x24: {  	s3 =	sadd.s32 $0x88, s3;
	s6 =	simm.s32 @!p1 $0x1082;
	[sflag:s4] =	ssyncset.s32 $0xFFFFF086  }
0x25: {  	[simem:s6], [sflag:s4] =	dma.local [hbm:s3], $0xF7A  }
0x26: {  	[smem:$0x3F9F] =	sst s1;
	(tag) =	ssettag s2;
	_ =	strace s9  }
0x27: {  	s1 =	sld [smem:$0x3FAF]  }
0x28: {  	s2 =	sld [smem:$0x3FB0]  }
0x29: {  	s4 =	sld [smem:$0x3FB2]  }
0x2a: {  	p0 =	seq.s32 s5, $0x0;
	s5 =	sld [smem:$0x3FB3]  }
0x2b: {  	s6 =	sld [smem:$0x3FB4]  }
0x2c: {  	s7 =	sld [smem:$0x3FB5]  }
0x2d: {  	s3 =	simm.s32 $0x108;
	s8 =	sld [smem:$0x3FB6]  }
0x2e: {  	s3 =	simm.s32 @!p0 $0x1082;
	s9 =	sld [smem:$0x3FB7]  }
0x2f: {  	lr =	sadd.s32 s0, s3;
	s0 =	sld [smem:$0x3FAE]  }
0x30: {  	s3 =	sld [smem:$0x3FB1]  }
0x31: {  	[smem:$0x3FBA] =	sst s10  }
0x32: {  	s10 =	sld [smem:$0x3FB8];
	_ =	sdelay $0x3  }
0x33: {  	p0 =	seq.s32 s10, $0x1;
	s10 =	sld [smem:$0x3FBA];
	_ =	sdelay $0x3  }
0x34: {  	[smem:$0x3FBA] =	sst s10  }
0x35: {  	s10 =	sld [smem:$0x3FB9];
	_ =	sdelay $0x3  }
0x36: {  	p1 =	seq.s32 s10, $0x1;
	s10 =	sld [smem:$0x3FBA];
	_ =	sdelay $0x3  }
0x37: {  	[smem:$0x3FBA] =	sst s10  }
0x38: {  	s10 =	sld [smem:$0x3FBB]  }
0x39: {  	_ = 	snop;
	(pc) =	sbr.ind lr, $3  }
0x3a: {  	_ = 	snop  }
0x3b: {  	_ = 	snop  }
0x3c: {  	p2 =	seq.s32 s10, $0x1;
	s10 =	sld [smem:$0x3FBA]  }
0x3d: {  	_ =	shalt  }
0x3e: {  	_ =	shalt  }
0x3f: {  	_ =	shalt  }
0x40: {  	_ =	shalt  }
0x41: {  	_ =	shalt  }
0x42: {  	_ =	shalt  }
0x43: {  	_ =	shalt  }
0x44: {  	_ =	shalt  }
0x45: {  	_ =	shalt  }
0x46: {  	_ =	shalt  }
0x47: {  	_ =	shalt  }
0x48: {  	_ =	shalt  }
0x49: {  	_ =	shalt  }
0x4a: {  	_ =	shalt  }
0x4b: {  	_ =	shalt  }
0x4c: {  	_ =	shalt  }
0x4d: {  	_ =	shalt  }
0x4e: {  	_ =	shalt  }
0x4f: {  	_ =	shalt  }
0x50: {  	_ =	shalt  }
0x51: {  	_ =	shalt  }
0x52: {  	_ =	shalt  }
0x53: {  	_ =	shalt  }
0x54: {  	_ =	shalt  }
0x55: {  	_ =	shalt  }
0x56: {  	_ =	shalt  }
0x57: {  	_ =	shalt  }
0x58: {  	_ =	shalt  }
0x59: {  	_ =	shalt  }
0x5a: {  	_ =	shalt  }
0x5b: {  	_ =	shalt  }
0x5c: {  	_ =	shalt  }
0x5d: {  	_ =	shalt  }
0x5e: {  	_ =	shalt  }
0x5f: {  	_ =	shalt  }
0x60: {  	_ =	shalt  }
0x61: {  	_ =	shalt  }
0x62: {  	_ =	shalt  }
0x63: {  	_ =	shalt  }
0x64: {  	_ =	shalt  }
0x65: {  	_ =	shalt  }
0x66: {  	_ =	shalt  }
0x67: {  	_ =	shalt  }
0x68: {  	_ =	shalt  }
0x69: {  	_ =	shalt  }
0x6a: {  	_ =	shalt  }
0x6b: {  	_ =	shalt  }
0x6c: {  	_ =	shalt  }
0x6d: {  	_ =	shalt  }
0x6e: {  	_ =	shalt  }
0x6f: {  	_ =	shalt  }
0x70: {  	_ =	shalt  }
0x71: {  	_ =	shalt  }
0x72: {  	_ =	shalt  }
0x73: {  	_ =	shalt  }
0x74: {  	_ =	shalt  }
0x75: {  	_ =	shalt  }
0x76: {  	_ =	shalt  }
0x77: {  	_ =	shalt  }
0x78: {  	_ =	shalt  }
0x79: {  	_ =	shalt  }
0x7a: {  	_ =	shalt  }
0x7b: {  	_ =	shalt  }
0x7c: {  	_ =	shalt  }
0x7d: {  	_ =	shalt  }
0x7e: {  	_ =	shalt  }
0x7f: {  	_ =	shalt  }
0x80: {  	_ =	shalt  }
0x81: {  	_ =	shalt  }
0x82: {  	_ =	shalt  }
0x83: {  	_ =	shalt  }
0x84: {  	_ =	shalt  }
0x85: {  	_ =	shalt  }
0x86: {  	_ =	shalt  }
0x87: {  	_ =	shalt  }
.Lfunc_end0:
.L_simem_size_0:
called_computation_lowered:
.L_overlay_start_0:
0x88: {  	s2 =	sld [smem:$0x3FD9]  }
0x89: {  	s3 =	sld [smem:$0x3FFE];
	_ =	sdelay $0x1  }
0x8a: {  	s1 =	srdreg.scid  }
0x8b: {  	s0 =	sand.u32 $0x1, s1  }
0x8c: {  	s18 =	sshll.u32 s0, $0xA;
	s2 =	sadd.s32 s3, s2  }
0x8d: {  	s2 =	sadd.s32 s2, s18  }
0x8e: {  	[smem:$0x3FC6] =	sst s2  }
0x8f: {  	_ = 	snop  }
0x90: {  	s2 =	sld [smem:$0x3FC9]  }
0x91: {  	s19 =	sld [smem:$0x3FC8]  }
0x92: {  	s4 =	sld [smem:$0x3FD0];
	(tm) =	ssettm $0x1  }
0x93: {  	s5 =	sld [smem:$0x3FFB];
	_ =	sdelay $0x3  }
0x94: {  	_ =	strace s5  }
0x95: {  	s5 =	sld [smem:$0x3FFC];
	_ =	sdelay $0x3  }
0x96: {  	_ =	strace s5  }
0x97: {  	s5 =	sld [smem:$0x3FFD];
	_ =	sdelay $0x3  }
0x98: {  	_ =	strace s5  }
0x99: {  	_ =	strace $0x8FFFFFFF  }
0x9a: {  	s20 =	sld [smem:$0x3FDB];
	_ =	sdelay $0x1  }
0x9b: {  	s6 =	simm.s32 $_scs_section_size  }
0x9c: {  	s7 =	simm.s32 $_size__tile_overlayer_lowered;
	s8 =	simm.s32 $_tile_overlayer_lowered  }
0x9d: {  	s23 =	simm.s32 $0x1BFF;
	s22 =	sshll.u32 s8, $0x1;
	s5 =	sadd.s32 s6, s20  }
0x9e: {  	s9 =	simm.s32 $0x0;
	s21 =	sshll.u32 s7, $0x1;
	s7 =	sadd.s32 s22, s5  }
0x9f: {  	[timem:s9], [sflag:s23] =	dma.local [hbm:s7], s21  }
0xa0: {  	_ =	swait.ge [sflag:s23], s21  }
0xa1: {  	s6 =	ssub.s32 $0x0, s21;
	[sflag:s23] =	ssyncset.done $0x0  }
0xa2: {  	[sflag:s23] =	ssyncadd.s32 s6;
	_ =	sdelay $0x1  }
0xa3: {  	s24 =	simm.s32 $0x1B8B  }
0xa4: {  	_ =	swait.ge [sflag:s24], $0x1  }
0xa5: {  	[sflag:s24] =	ssyncset.done $0x0  }
0xa6: {  	s25 =	simm.s32 $0x1B8E;
	[sflag:s24] =	ssyncadd.s32 $0xFFFFFFFF  }
0xa7: {  	s26 =	simm.s32 $execute0_lowered;
	[smem:$0x3FD2] =	sst s25  }
0xa8: {  	s6 =	sshll.u32 s26, $0x1;
	_ =	strace $0x80000046;
	[dreg:$0x1] =	wrdreg $0xFFFFFFFF  }
0xa9: {  	s28 =	simm.s32 $_size_execute0_lowered;
	s5 =	sadd.s32 s5, s6;
	[dreg:$0x0] =	wrdreg $0x0  }
0xaa: {  	s6 =	sshll.u32 s28, $0x1;
	[dreg:$0x2] =	wrdreg s5  }
0xab: {  	[dreg:$0x3] =	wrdreg s6  }
0xac: {  	[dreg:$0x4] =	wrdreg $0xC0  }
0xad: {  	_ =	task [dreg:s9], $0x5FFFF  }
0xae: {  	[dreg:$0x1] =	wrdreg $0xFFFFFFFF  }
0xaf: {  	[dreg:$0x0] =	wrdreg $0x60  }
0xb0: {  	[dreg:$0x2] =	wrdreg s2  }
0xb1: {  	[dreg:$0x3] =	wrdreg s19  }
0xb2: {  	[dreg:$0x4] =	wrdreg s4  }
0xb3: {  	[dreg:$0x5] =	wrdreg $0x9  }
0xb4: {  	_ =	task.clear_ibuf [dreg:s9], $0x6FFFF;
	_ =	strace $0x90000046  }
0xb5: {  	s29 =	simm.s32 $0x9;
	_ =	strace $0x80000048  }
0xb6: {  	_ =	swait.ge [sflag:s29], $0x1  }
0xb7: {  	[sflag:s29] =	ssyncadd.s32 $0xFFFFFFFF  }
0xb8: {  	_ =	strace $0x90000048  }
0xb9: {  	_ =	sfence  }
0xba: {  	s30 =	sld [smem:$0x0];
	_ =	sdelay $0x2  }
0xbb: {  	s31 =	sshll.u32 s1, $0xD;
	s1 =	sshrl.u32 s1, $0x2  }
0xbc: {  	s3 =	sand.u32 $0x4000, s31;
	s1 =	sadd.s32 s1, s30  }
0xbd: {  	s0 =	sor.u32 s3, s0;
	s1 =	sshll.u32 s1, $0x11  }
0xbe: {  	s0 =	sor.u32 s1, s0  }
0xbf: {  	s0 =	sadd.s32 $0x8F2B, s0  }
0xc0: {  	[sflag:s0] =	ssyncadd.remote.s32 $0x1  }
0xc1: {  	_ =	sfence.sel $0xFFFF  }
0xc2: {  	[dreg:$0x0] =	wrdreg $0xFFFFFFFF;
	(pc) =	sbr.abs _section_cstart, $3  }
0xc3: {  	[dreg:$0x1] =	wrdreg $0xFFFFFFFF  }
0xc4: {  	_ =	task.clear_ibuf [dreg:s9], $0x2FFFF;
	_ =	strace $0x9FFFFFFF  }
0xc5: {  	(tm) =	ssettm $0x7FFFFFFF  }
tec
execute0_lowered:
.L_overlay_start_1:
0x0: {  	(tag) =	ssettag $0x1  }
0x1: {  	s31 =	rddreg [dreg:$0x0]  }
0x2: {  	s4 =	rddreg [dreg:$0x2];
	s0 =	srdreg.scid  }
0x3: {  	s26 =	simm.s32 $0x0;
	s2 =	stileid.u32;
	s0 =	sand.u32 $0x1, s0  }
0x4: {  	s2 =	sshll.u32 s2, $0xA;
	s1 =	ssub.s32 $0x2, s0;
	s0 =	sshll.u32 s0, $0x9  }
0x5: {  	[smem:$0x7FF] =	sst s26;
	s5 =	sor.u32 s0, s2  }
0x6: {  	_ =	strace $0x80000047;
	s25 =	sor.u32 $0x8, s5;
	[dreg:$0x4] =	wrdreg s5  }
0x7: {  	s13 =	sshll.u32 s5, $0x8;
	s29 =	sor.u32 $0x10, s5;
	[dreg:$0xf] =	wrdreg s25  }
0x8: {  	s23 =	sshrl.u32 s5, $0x3;
	s6 =	sadd.s32 s31, s13;
	[dreg:$0x11] =	wrdreg s29  }
0x9: {  	s24 =	sor.u32 $0x3, s23;
	[dreg:$0x5] =	wrdreg s6  }
0xa: {  	s3 =	sshrl.u32 s1, $0x1;
	s28 =	sor.u32 $0x4, s23;
	[dreg:$0xe] =	wrdreg s24  }
0xb: {  	s12 =	ssub.s32 s1, s3;
	s1 =	sor.u32 $0x5, s23;
	[dreg:$0x10] =	wrdreg s28  }
0xc: {  	s17 =	sadd.s32 s4, s13;
	[dreg:$0x12] =	wrdreg s1  }
0xd: {  	s14 =	sor.u32 $0x800, s13;
	s0 =	smax.u32 s12, $0x1;
	[dreg:$0x8] =	wrdreg s17  }
0xe: {  	s15 =	sor.u32 $0x1000, s13;
	s7 =	sadd.s32 s31, s14;
	[dreg:$0x14] =	wrdreg s0  }
0xf: {  	s16 =	sadd.s32 s31, s15;
	[dreg:$0x6] =	wrdreg s7  }
0x10: {  	s18 =	sadd.s32 $0x1800, s6;
	[dreg:$0x7] =	wrdreg s16  }
0x11: {  	s19 =	sadd.s32 s4, s14;
	[dreg:$0x9] =	wrdreg s18  }
0x12: {  	s20 =	sadd.s32 $0x2000, s6;
	[dreg:$0xa] =	wrdreg s19  }
0x13: {  	s21 =	sadd.s32 s4, s15;
	[dreg:$0xb] =	wrdreg s20  }
0x14: {  	s2 =	simm.s32 $0x0;
	s22 =	sadd.s32 $0x2800, s6;
	[dreg:$0xc] =	wrdreg s21  }
0x15: {  	s23 =	simm.s32 $0x800;
	s30 =	sadd.s32 $0x1F800, s17;
	[dreg:$0xd] =	wrdreg s22  }
0x16: {  	s25 =	simm.s32 $0x8800;
	s24 =	simm.s32 $0x4800;
	[dreg:$0x13] =	wrdreg s30  }
.LBB2_1:
0x17: {  	[dreg:$0x15] =	wrdreg s2  }
0x18: {  	s0 =	rddreg [dreg:$0x1]  }
0x19: {  	[tilespmem:s26], [sflag:$0x7] =	stream.linear.gather [hbm4b:s0+s26], $0x800, $0x38;
	[tilespmem:$0x18800] =	vst v63  }
0x1a: {  	s8 =	rddreg [dreg:$0x5]  }
0x1b: {  	[tilespmem:s23], [sflag:$0x1] =	stream.linear.gather [hbm4b:s8+s26], $0x4000, $0x38;
	[tilespmem:$0x18800] =	vst v63  }
0x1c: {  	s9 =	rddreg [dreg:$0x6]  }
0x1d: {  	[tilespmem:s24], [sflag:$0x2] =	stream.linear.gather [hbm4b:s9+s26], $0x4000, $0x38;
	[tilespmem:$0x18800] =	vst v63  }
0x1e: {  	s10 =	rddreg [dreg:$0x7];
	s11 =	simm.s32 $0x7  }
0x1f: {  	[tilespmem:s25], [sflag:$0x3] =	stream.linear.gather [hbm4b:s10+s26], $0x4000, $0x38;
	[tilespmem:$0x18800] =	vst v63  }
0x20: {  	_ =	swait.ge [sflag:s11], $0x800  }
0x21: {  	[sflag:s11] =	ssyncset.done $0x0  }
0x22: {  	s12 =	simm.s32 $0x1;
	[sflag:s11] =	ssyncadd.s32 $0xFFFFF800  }
0x23: {  	s13 =	sand.u32 $0x40, s26;
	_ =	swait.ge [sflag:s12], $0x4000  }
0x24: {  	s1 =	sand.u32 $0x780, s26;
	s3 =	sor.u32 $0x30, s13;
	[sflag:s12] =	ssyncset.done $0x0  }
0x25: {  	s4 =	sor.u32 s3, s1;
	[sflag:s12] =	ssyncadd.s32 $0xFFFFC000  }
0x26: {  	v0 =	vld [tilespmem:s4+$0x0]  }
0x27: {  	s14 =	sor.u32 $0x10, s13;
	v1 =	vld [tilespmem:s26+$0x0]  }
0x28: {  	s5 =	sor.u32 $0x20, s13;
	s6 =	sor.u32 s14, s1  }
0x29: {  	s1 =	sor.u32 s5, s1;
	v2 =	vld [tilespmem:s6+$0x0]  }
0x2a: {  	v3 =	vld [tilespmem:s1+$0x0]  }
0x2b: {  	v4 =	vshll.u32 v0, $0x3  }
0x2c: {  	v5 =	vshll.u32 v1, $0x3;
	v0 =	vand.u32 $0x7F, v0;
	v4 =	vand.u32 $0xFFFFFC00, v4  }
0x2d: {  	v1 =	vand.u32 $0x7F, v1;
	v6 =	vand.u32 $0xFFFFFC00, v5;
	v5 =	vor.u32 v0, v4  }
0x2e: {  	v0 =	vor.u32 v1, v6;
	v1 =	vshll.u32 v2, $0x3  }
0x2f: {  	v4 =	vshll.u32 v3, $0x3;
	v2 =	vand.u32 $0x7F, v2;
	v1 =	vand.u32 $0xFFFFFC00, v1  }
0x30: {  	v6 =	vand.u32 $0xFFFFFC00, v4;
	v4 =	vor.u32 v2, v1;
	v1 =	vand.u32 $0x7F, v3  }
0x31: {  	v3 =	vor.u32 v1, v6  }
0x32: {  	v1 =	vld.idx.msk [tilespmem:v5+s23+$0x0], $0xffff  }
0x33: {  	v6 =	vor.u32 $0x80, v5;
	v2 =	vld.idx.msk [tilespmem:v0+s23+$0x0], $0xffff  }
0x34: {  	s15 =	sand.u32 $0x3C00, s26;
	v7 =	vor.u32 $0x80, v0  }
0x35: {  	s1 =	sadd.s32 $0xC800, s15;
	v8 =	vld.idx.msk [tilespmem:v4+s23+$0x0], $0xffff  }
0x36: {  	s8 =	sor.u32 s3, s1;
	v9 =	vor.u32 $0x80, v4;
	v10 =	vld.idx.msk [tilespmem:v3+s23+$0x0], $0xffff  }
0x37: {  	s0 =	sor.u32 s13, s1;
	v11 =	vor.u32 $0x80, v3;
	[tilespmem:s8+$0x0] =	vst v1  }
0x38: {  	[tilespmem:s0+$0x0] =	vst v2;
	v1 =	vld.idx.msk [tilespmem:v6+s23+$0x0], $0xffff  }
0x39: {  	s9 =	sor.u32 s14, s1;
	v2 =	vld.idx.msk [tilespmem:v7+s23+$0x0], $0xffff;
	v6 =	vor.u32 $0x100, v5  }
0x3a: {  	s16 =	sor.u32 s5, s1;
	v7 =	vor.u32 $0x100, v0;
	[tilespmem:s9+$0x0] =	vst v8  }
0x3b: {  	v8 =	vld.idx.msk [tilespmem:v9+s23+$0x0], $0xffff;
	[tilespmem:s16+$0x0] =	vst v10  }
0x3c: {  	v9 =	vor.u32 $0x100, v4;
	v10 =	vld.idx.msk [tilespmem:v11+s23+$0x0], $0xffff  }
0x3d: {  	v11 =	vor.u32 $0x100, v3;
	[tilespmem:s8+$0x80] =	vst v1  }
0x3e: {  	[tilespmem:s0+$0x80] =	vst v2;
	v1 =	vld.idx.msk [tilespmem:v6+s23+$0x0], $0xffff  }
0x3f: {  	v2 =	vld.idx.msk [tilespmem:v7+s23+$0x0], $0xffff;
	v6 =	vor.u32 $0x180, v5  }
0x40: {  	v7 =	vor.u32 $0x180, v0;
	[tilespmem:s9+$0x80] =	vst v8  }
0x41: {  	v8 =	vld.idx.msk [tilespmem:v9+s23+$0x0], $0xffff;
	[tilespmem:s16+$0x80] =	vst v10  }
0x42: {  	s12 =	simm.s32 $0x40;
	v9 =	vor.u32 $0x180, v4;
	v10 =	vld.idx.msk [tilespmem:v11+s23+$0x0], $0xffff  }
0x43: {  	s17 =	sand.u32 $0x40, s12;
	v11 =	vld [tilespmem:s12+$0x0];
	[tilespmem:s8+$0x100] =	vst v1  }
0x44: {  	s22 =	sand.u32 $0x780, s12;
	s26 =	sor.u32 $0x30, s17;
	[tilespmem:s0+$0x100] =	vst v2;
	v1 =	vld.idx.msk [tilespmem:v6+s23+$0x0], $0xffff  }
0x45: {  	s7 =	sor.u32 s26, s22;
	v2 =	vor.u32 $0x180, v3;
	v6 =	vld.idx.msk [tilespmem:v7+s23+$0x0], $0xffff  }
0x46: {  	s28 =	sor.u32 $0x10, s17;
	v7 =	vor.u32 $0x200, v5;
	[tilespmem:s9+$0x100] =	vst v8;
	v8 =	vld [tilespmem:s7+$0x0]  }
0x47: {  	s29 =	sor.u32 $0x20, s17;
	s10 =	sor.u32 s28, s22;
	v9 =	vld.idx.msk [tilespmem:v9+s23+$0x0], $0xffff  }
0x48: {  	s1 =	sor.u32 s29, s22;
	v13 =	vld [tilespmem:s10+$0x0];
	v12 =	vor.u32 $0x200, v4;
	v14 =	vshll.u32 v11, $0x3  }
0x49: {  	v15 =	vld [tilespmem:s1+$0x0];
	[tilespmem:s16+$0x100] =	vst v10;
	v10 =	vor.u32 $0x200, v0;
	v11 =	vand.u32 $0x7F, v11;
	v14 =	vand.u32 $0xFFFFFC00, v14  }
0x4a: {  	p0 =	por $0x0, $0x0;
	s1 =	simm.s32 $0x1;
	v16 =	vld.idx.msk [tilespmem:v2+s23+$0x0], $0xffff;
	[tilespmem:s8+$0x180] =	vst v1;
	v1 =	vor.u32 v11, v14  }
0x4b: {  	s1 =	simm.s32 @!p0 $0x0;
	v11 =	vor.u32 $0x200, v3;
	v7 =	vld.idx.msk [tilespmem:v7+s23+$0x0], $0xffff;
	v2 =	vshll.u32 v8, $0x3  }
0x4c: {  	s1 =	sshll.u32 s1, $0x6;
	v8 =	vand.u32 $0x7F, v8;
	[tilespmem:s9+$0x180] =	vst v9;
	v2 =	vand.u32 $0xFFFFFC00, v2;
	v9 =	vor.u32 $0x280, v5  }
0x4d: {  	s1 =	sadd.s32 $0x0, s1;
	v14 =	vor.u32 $0x280, v4;
	[tilespmem:s0+$0x180] =	vst v6;
	v6 =	vld.idx.msk [tilespmem:v12+s23+$0x0], $0xffff;
	v12 =	vshll.u32 v13, $0x3;
	v2 =	vor.u32 v8, v2  }
0x4e: {  	s0 =	sadd.s32 $0x30, s1;
	v8 =	vld.idx.msk [tilespmem:v10+s23+$0x0], $0xffff;
	v10 =	vshll.u32 v15, $0x3;
	v13 =	vand.u32 $0x7F, v13;
	v12 =	vand.u32 $0xFFFFFC00, v12  }
0x4f: {  	s30 =	sor.u32 $0x200, s0;
	v10 =	vand.u32 $0xFFFFFC00, v10;
	[tilespmem:s16+$0x180] =	vst v16;
	v17 =	vld.idx.msk [tilespmem:v1+s23+$0x0], $0xffff;
	v21 =	vor.u32 v13, v12;
	v12 =	vand.u32 $0x7F, v15  }
0x50: {  	s2 =	sadd.s32 $0x10, s1;
	v11 =	vld.idx.msk [tilespmem:v11+s23+$0x0], $0xffff;
	v10 =	vor.u32 v12, v10;
	[tilespmem:s30+$0xC800] =	vst v7  }
0x51: {  	s14 =	sor.u32 $0x200, s2;
	v7 =	vor.u32 $0x280, v0;
	v9 =	vld.idx.msk [tilespmem:v9+s23+$0x0], $0xffff  }
0x52: {  	s13 =	simm.s32 $0x200;
	s18 =	sor.u32 $0x200, s1;
	v12 =	vor.u32 $0x280, v3;
	v13 =	vld.idx.msk [tilespmem:v2+s23+$0x0], $0xffff;
	[tilespmem:s14+$0xC800] =	vst v6  }
0x53: {  	s20 =	sand.u32 $0x3C00, s13;
	s15 =	sadd.s32 $0x20, s1;
	[tilespmem:s18+$0xC800] =	vst v8;
	v8 =	vor.u32 $0x80, v1;
	v6 =	vld.idx.msk [tilespmem:v14+s23+$0x0], $0xffff  }
0x54: {  	s19 =	sor.u32 $0x200, s15;
	s9 =	sadd.s32 $0xC800, s20;
	v14 =	vor.u32 $0x300, v5;
	v15 =	vld.idx.msk [tilespmem:v21+s23+$0x0], $0xffff  }
0x55: {  	s6 =	sor.u32 s17, s9;
	v16 =	vor.u32 $0x80, v2;
	[tilespmem:s19+$0xC800] =	vst v11;
	v18 =	vld.idx.msk [tilespmem:v10+s23+$0x0], $0xffff  }
0x56: {  	s21 =	sor.u32 $0x280, s0;
	v19 =	vor.u32 $0x80, v21;
	[tilespmem:s6+$0x0] =	vst v17;
	v7 =	vld.idx.msk [tilespmem:v7+s23+$0x0], $0xffff  }
0x57: {  	s18 =	sor.u32 s26, s9;
	v11 =	vor.u32 $0x80, v10;
	v12 =	vld.idx.msk [tilespmem:v12+s23+$0x0], $0xffff;
	[tilespmem:s21+$0xC800] =	vst v9  }
0x58: {  	s22 =	sor.u32 $0x280, s2;
	v9 =	vor.u32 $0x300, v4;
	[tilespmem:s18+$0x0] =	vst v13;
	v8 =	vld.idx.msk [tilespmem:v8+s23+$0x0], $0xffff  }
0x59: {  	s17 =	sor.u32 s28, s9;
	v13 =	vld.idx.msk [tilespmem:v14+s23+$0x0], $0xffff;
	v14 =	vor.u32 $0x300, v3;
	[tilespmem:s22+$0xC800] =	vst v6  }
0x5a: {  	s11 =	sor.u32 s29, s9;
	v5 =	vor.u32 $0x380, v5;
	v16 =	vld.idx.msk [tilespmem:v16+s23+$0x0], $0xffff;
	[tilespmem:s17+$0x0] =	vst v15  }
0x5b: {  	s26 =	sor.u32 $0x280, s15;
	v17 =	vor.u32 $0x100, v2;
	v15 =	vld.idx.msk [tilespmem:v19+s23+$0x0], $0xffff;
	[tilespmem:s11+$0x0] =	vst v18  }
0x5c: {  	v18 =	vor.u32 $0x100, v1;
	[tilespmem:s26+$0xC800] =	vst v12;
	v20 =	vld.idx.msk [tilespmem:v11+s23+$0x0], $0xffff  }
0x5d: {  	s28 =	sor.u32 $0x300, s0;
	v6 =	vor.u32 $0x100, v21;
	v22 =	vld.idx.msk [tilespmem:v9+s23+$0x0], $0xffff;
	[tilespmem:s6+$0x80] =	vst v8  }
0x5e: {  	v23 =	vor.u32 $0x100, v10;
	v14 =	vld.idx.msk [tilespmem:v14+s23+$0x0], $0xffff;
	[tilespmem:s28+$0xC800] =	vst v13  }
0x5f: {  	[tilespmem:s18+$0x80] =	vst v16;
	v16 =	vor.u32 $0x300, v0;
	v24 =	vld.idx.msk [tilespmem:v5+s23+$0x0], $0xffff  }
0x60: {  	v25 =	vor.u32 $0x380, v4;
	v19 =	vld.idx.msk [tilespmem:v17+s23+$0x0], $0xffff;
	[tilespmem:s17+$0x80] =	vst v15  }
0x61: {  	s30 =	sor.u32 $0x300, s2;
	v4 =	vor.u32 $0x380, v21;
	v17 =	vld.idx.msk [tilespmem:v18+s23+$0x0], $0xffff;
	[tilespmem:s11+$0x80] =	vst v20  }
0x62: {  	s29 =	sor.u32 $0x280, s1;
	v11 =	vor.u32 $0x200, v21;
	v8 =	vor.u32 $0x280, v21;
	v18 =	vld.idx.msk [tilespmem:v6+s23+$0x0], $0xffff;
	[tilespmem:s30+$0xC800] =	vst v22;
	v22 =	vor.u32 $0x180, v2  }
0x63: {  	s10 =	sor.u32 $0x380, s1;
	s3 =	sor.u32 $0x380, s2;
	[tilespmem:s29+$0xC800] =	vst v7;
	v13 =	vor.u32 $0x180, v21;
	v6 =	vor.u32 $0x300, v21;
	v21 =	vor.u32 $0x180, v1;
	v20 =	vld.idx.msk [tilespmem:v23+s23+$0x0], $0xffff  }
0x64: {  	s7 =	sor.u32 $0x380, s15;
	s0 =	sor.u32 $0x380, s0;
	s16 =	sor.u32 $0x300, s15;
	v3 =	vor.u32 $0x380, v3;
	v12 =	vor.u32 $0x180, v10;
	v7 =	vor.u32 $0x280, v10;
	v15 =	vld.idx.msk [tilespmem:v16+s23+$0x0], $0xffff  }
0x65: {  	s14 =	simm.s32 $0x4;
	s15 =	simm.s32 $0x80;
	s21 =	sor.u32 $0x300, s1;
	v9 =	vor.u32 $0x200, v10;
	v5 =	vor.u32 $0x300, v10;
	v10 =	vor.u32 $0x380, v10;
	v16 =	vld.idx.msk [tilespmem:v25+s23+$0x0], $0xffff;
	[tilespmem:s0+$0xC800] =	vst v24  }
.LBB2_2:
0x66: {  	v23 =	vld [tilespmem:s15+$0x0];
	[tilespmem:s18+$0x100] =	vst v19;
	s12 =	sadd.s32 $0x40, s12  }
0x67: {  	s14 =	sadd.s32 $0x4, s14;
	s19 =	sand.u32 $0x40, s12;
	[tilespmem:s6+$0x100] =	vst v17;
	v17 =	vld.idx.msk [tilespmem:v22+s23+$0x0], $0xffff  }
0x68: {  	s0 =	sand.u32 $0x780, s12;
	p1 =	slt.u32 s14, $0x7C;
	s20 =	sor.u32 $0x30, s19;
	v19 =	vld.idx.msk [tilespmem:v21+s23+$0x0], $0xffff;
	[tilespmem:s17+$0x100] =	vst v18  }
0x69: {  	s1 =	sor.u32 $0x10, s19;
	s5 =	sor.u32 $0x20, s19;
	v18 =	vor.u32 $0x200, v2;
	s4 =	sor.u32 s20, s0;
	v13 =	vld.idx.msk [tilespmem:v13+s23+$0x0], $0xffff;
	[tilespmem:s11+$0x100] =	vst v20  }
0x6a: {  	v21 =	vor.u32 $0x200, v1;
	s8 =	sor.u32 s1, s0;
	s0 =	sor.u32 s5, s0;
	v20 =	vld [tilespmem:s4+$0x0];
	[tilespmem:s16+$0xC800] =	vst v14  }
0x6b: {  	v14 =	vld [tilespmem:s8+$0x0];
	[tilespmem:s21+$0xC800] =	vst v15  }
0x6c: {  	v15 =	vshll.u32 v23, $0x3;
	v22 =	vld [tilespmem:s0+$0x0];
	[tilespmem:s3+$0xC800] =	vst v16  }
0x6d: {  	v16 =	vand.u32 $0x7F, v23;
	v15 =	vand.u32 $0xFFFFFC00, v15;
	v12 =	vld.idx.msk [tilespmem:v12+s23+$0x0], $0xffff;
	[tilespmem:s18+$0x180] =	vst v17;
	v17 =	vor.u32 $0x380, v0;
	v0 =	vmovc v1  }
0x6e: {  	p0 =	por !p0, !p0;
	s0 =	simm.s32 $0x1;
	v1 =	vor.u32 v16, v15;
	[tilespmem:s6+$0x180] =	vst v19;
	v15 =	vld.idx.msk [tilespmem:v18+s23+$0x0], $0xffff  }
0x6f: {  	s0 =	simm.s32 @!p0 $0x0;
	v16 =	vshll.u32 v20, $0x3;
	v18 =	vld.idx.msk [tilespmem:v21+s23+$0x0], $0xffff;
	[tilespmem:s17+$0x180] =	vst v13  }
0x70: {  	s0 =	sshll.u32 s0, $0x6;
	v13 =	vand.u32 $0x7F, v20;
	v16 =	vand.u32 $0xFFFFFC00, v16;
	v19 =	vld.idx.msk [tilespmem:v11+s23+$0x0], $0xffff;
	v11 =	vor.u32 $0x280, v2  }
0x71: {  	s6 =	sadd.s32 s0, s13;
	v20 =	vshll.u32 v14, $0x3;
	v21 =	vshll.u32 v22, $0x3;
	v16 =	vor.u32 v13, v16;
	v23 =	vld.idx.msk [tilespmem:v3+s23+$0x0], $0xffff;
	v3 =	vmovc v10  }
0x72: {  	s3 =	sadd.s32 $0x10, s6;
	s17 =	sadd.s32 $0x20, s6;
	s4 =	sadd.s32 $0x30, s6;
	v10 =	vand.u32 $0x7F, v14;
	v13 =	vand.u32 $0xFFFFFC00, v20;
	v14 =	vand.u32 $0xFFFFFC00, v21;
	v17 =	vld.idx.msk [tilespmem:v17+s23+$0x0], $0xffff  }
0x73: {  	s18 =	sor.u32 $0x200, s3;
	s0 =	sor.u32 $0x200, s4;
	v10 =	vor.u32 v10, v13;
	v13 =	vand.u32 $0x7F, v22;
	v21 =	vor.u32 $0x280, v0;
	v20 =	vld.idx.msk [tilespmem:v1+s23+$0x0], $0xffff;
	[tilespmem:s11+$0x180] =	vst v12;
	s11 =	sor.u32 $0x200, s17  }
0x74: {  	s16 =	sor.u32 $0x200, s6;
	s9 =	sor.u32 $0x280, s3;
	s8 =	sor.u32 $0x280, s17;
	v22 =	vor.u32 $0x80, v10;
	v24 =	vor.u32 $0x100, v10;
	v14 =	vor.u32 v13, v14;
	v25 =	vld.idx.msk [tilespmem:v9+s23+$0x0], $0xffff;
	[tilespmem:s0+$0xC800] =	vst v15  }
0x75: {  	s22 =	sor.u32 $0x300, s3;
	v13 =	vor.u32 $0x180, v10;
	v15 =	vor.u32 $0x80, v14;
	v26 =	vor.u32 $0x100, v14;
	s0 =	sor.u32 $0x280, s6;
	[tilespmem:s16+$0xC800] =	vst v18;
	s16 =	sor.u32 $0x300, s17;
	v18 =	vld.idx.msk [tilespmem:v11+s23+$0x0], $0xffff  }
0x76: {  	s21 =	sor.u32 $0x300, s6;
	s3 =	sor.u32 $0x380, s3;
	v12 =	vor.u32 $0x180, v14;
	v9 =	vor.u32 $0x200, v14;
	v11 =	vor.u32 $0x200, v10;
	s17 =	sor.u32 $0x380, s17;
	v27 =	vld.idx.msk [tilespmem:v16+s23+$0x0], $0xffff;
	[tilespmem:s18+$0xC800] =	vst v19  }
0x77: {  	v29 =	vor.u32 $0x300, v2;
	s6 =	sor.u32 $0x380, s6;
	v19 =	vor.u32 $0x280, v14;
	v28 =	vld.idx.msk [tilespmem:v8+s23+$0x0], $0xffff;
	v8 =	vor.u32 $0x280, v10;
	[tilespmem:s7+$0xC800] =	vst v23;
	s7 =	smov.u32 s17  }
0x78: {  	s13 =	sadd.s32 $0x200, s13;
	v32 =	vor.u32 $0x80, v16;
	v30 =	vor.u32 $0x300, v10;
	v31 =	vor.u32 $0x300, v14;
	v23 =	vld.idx.msk [tilespmem:v10+s23+$0x0], $0xffff;
	[tilespmem:s10+$0xC800] =	vst v17;
	s10 =	smov.u32 s6  }
0x79: {  	v33 =	vor.u32 $0x380, v10;
	s6 =	sand.u32 $0x3C00, s13;
	v17 =	vor.u32 $0x80, v1;
	v10 =	vor.u32 $0x380, v14;
	v34 =	vld.idx.msk [tilespmem:v14+s23+$0x0], $0xffff  }
0x7a: {  	s26 =	sadd.s32 $0xC800, s6;
	v35 =	vld.idx.msk [tilespmem:v21+s23+$0x0], $0xffff;
	[tilespmem:s11+$0xC800] =	vst v25;
	s11 =	sor.u32 $0x280, s4  }
0x7b: {  	s6 =	sor.u32 s19, s26;
	s17 =	sor.u32 s1, s26;
	s18 =	sor.u32 s20, s26;
	v14 =	vld.idx.msk [tilespmem:v7+s23+$0x0], $0xffff;
	[tilespmem:s11+$0xC800] =	vst v18;
	v7 =	vmov v19  }
0x7c: {  	s11 =	sor.u32 s5, s26;
	[tilespmem:s18+$0x0] =	vst v27;
	v18 =	vld.idx.msk [tilespmem:v29+s23+$0x0], $0xffff  }
0x7d: {  	[tilespmem:s6+$0x0] =	vst v20;
	v19 =	vld.idx.msk [tilespmem:v32+s23+$0x0], $0xffff  }
0x7e: {  	v20 =	vor.u32 $0x380, v2;
	v2 =	vmov v16;
	v17 =	vld.idx.msk [tilespmem:v17+s23+$0x0], $0xffff;
	[tilespmem:s17+$0x0] =	vst v23  }
0x7f: {  	v21 =	vor.u32 $0x100, v2;
	v16 =	vld.idx.msk [tilespmem:v22+s23+$0x0], $0xffff;
	[tilespmem:s11+$0x0] =	vst v34  }
0x80: {  	v22 =	vor.u32 $0x100, v1;
	v15 =	vld.idx.msk [tilespmem:v15+s23+$0x0], $0xffff;
	[tilespmem:s9+$0xC800] =	vst v28  }
0x81: {  	s1 =	sor.u32 $0x300, s4;
	v23 =	vld.idx.msk [tilespmem:v6+s23+$0x0], $0xffff;
	[tilespmem:s8+$0xC800] =	vst v14;
	v6 =	vmov v30  }
0x82: {  	v14 =	vld.idx.msk [tilespmem:v5+s23+$0x0], $0xffff;
	[tilespmem:s1+$0xC800] =	vst v18;
	v5 =	vmov v31  }
0x83: {  	v25 =	vor.u32 $0x300, v0;
	[tilespmem:s18+$0x80] =	vst v19;
	v27 =	vld.idx.msk [tilespmem:v20+s23+$0x0], $0xffff  }
0x84: {  	[tilespmem:s6+$0x80] =	vst v17;
	v19 =	vld.idx.msk [tilespmem:v21+s23+$0x0], $0xffff  }
.Ltmp0:
0x85: {  	v17 =	vld.idx.msk [tilespmem:v22+s23+$0x0], $0xffff;
	[tilespmem:s17+$0x80] =	vst v16;
	(pc) =	sbr.rel @p1 .LBB2_2-.Ltmp0, $4  }
0x86: {  	v22 =	vor.u32 $0x180, v2;
	v18 =	vld.idx.msk [tilespmem:v24+s23+$0x0], $0xffff;
	[tilespmem:s11+$0x80] =	vst v15  }
0x87: {  	v21 =	vor.u32 $0x180, v1;
	v20 =	vld.idx.msk [tilespmem:v26+s23+$0x0], $0xffff;
	[tilespmem:s0+$0xC800] =	vst v35  }
0x88: {  	s0 =	sor.u32 $0x380, s4;
	v15 =	vld.idx.msk [tilespmem:v25+s23+$0x0], $0xffff;
	[tilespmem:s22+$0xC800] =	vst v23  }
0x89: {  	s15 =	sadd.s32 $0x40, s15;
	v16 =	vld.idx.msk [tilespmem:v4+s23+$0x0], $0xffff;
	[tilespmem:s0+$0xC800] =	vst v27;
	v4 =	vmov v33  }
0x8a: {  	_ =	sdelay $0x2  }
0x8b: {  	[tilespmem:s18+$0x100] =	vst v19  }
0x8c: {  	v19 =	vld.idx.msk [tilespmem:v22+s23+$0x0], $0xffff;
	[tilespmem:s17+$0x100] =	vst v18  }
0x8d: {  	[tilespmem:s6+$0x100] =	vst v17;
	v18 =	vor.u32 $0x200, v2;
	v13 =	vld.idx.msk [tilespmem:v13+s23+$0x0], $0xffff  }
0x8e: {  	v17 =	vld.idx.msk [tilespmem:v21+s23+$0x0], $0xffff;
	[tilespmem:s11+$0x100] =	vst v20  }
0x8f: {  	v20 =	vor.u32 $0x200, v1;
	v12 =	vld.idx.msk [tilespmem:v12+s23+$0x0], $0xffff;
	_ =	sdelay $0x1  }
0x90: {  	p0 =	por !p0, !p0;
	s0 =	simm.s32 $0x1;
	[tilespmem:s18+$0x180] =	vst v19  }
0x91: {  	s0 =	simm.s32 @!p0 $0x0;
	v18 =	vld.idx.msk [tilespmem:v18+s23+$0x0], $0xffff;
	[tilespmem:s17+$0x180] =	vst v13  }
0x92: {  	s0 =	sshll.u32 s0, $0x6;
	[tilespmem:s6+$0x180] =	vst v17;
	v13 =	vor.u32 $0x280, v2;
	v11 =	vld.idx.msk [tilespmem:v11+s23+$0x0], $0xffff  }
0x93: {  	s0 =	sadd.s32 s0, s13;
	[tilespmem:s11+$0x180] =	vst v12;
	v12 =	vld.idx.msk [tilespmem:v20+s23+$0x0], $0xffff  }
0x94: {  	s1 =	sadd.s32 $0x30, s0;
	v17 =	vor.u32 $0x280, v1;
	v9 =	vld.idx.msk [tilespmem:v9+s23+$0x0], $0xffff  }
0x95: {  	s4 =	sadd.s32 $0x10, s0;
	s5 =	sor.u32 $0x200, s1  }
0x96: {  	s8 =	sor.u32 $0x200, s4;
	[tilespmem:s5+$0xC800] =	vst v18  }
0x97: {  	s9 =	sadd.s32 $0x20, s0;
	s12 =	sor.u32 $0x200, s0;
	v13 =	vld.idx.msk [tilespmem:v13+s23+$0x0], $0xffff;
	[tilespmem:s8+$0xC800] =	vst v11  }
0x98: {  	s11 =	sor.u32 $0x200, s9;
	v11 =	vor.u32 $0x300, v2;
	[tilespmem:s12+$0xC800] =	vst v12;
	v8 =	vld.idx.msk [tilespmem:v8+s23+$0x0], $0xffff  }
0x99: {  	[tilespmem:s11+$0xC800] =	vst v9;
	v9 =	vld.idx.msk [tilespmem:v17+s23+$0x0], $0xffff  }
0x9a: {  	v12 =	vor.u32 $0x300, v1;
	v7 =	vld.idx.msk [tilespmem:v7+s23+$0x0], $0xffff  }
0x9b: {  	[tilespmem:s16+$0xC800] =	vst v14;
	s13 =	sor.u32 $0x280, s1  }
0x9c: {  	s14 =	sor.u32 $0x280, s4;
	[tilespmem:s13+$0xC800] =	vst v13  }
0x9d: {  	v0 =	vor.u32 $0x380, v0;
	s16 =	sor.u32 $0x280, s0;
	v11 =	vld.idx.msk [tilespmem:v11+s23+$0x0], $0xffff;
	[tilespmem:s14+$0xC800] =	vst v8  }
0x9e: {  	s15 =	sor.u32 $0x280, s9;
	v2 =	vor.u32 $0x380, v2;
	[tilespmem:s16+$0xC800] =	vst v9;
	v6 =	vld.idx.msk [tilespmem:v6+s23+$0x0], $0xffff  }
0x9f: {  	[tilespmem:s15+$0xC800] =	vst v7;
	v7 =	vld.idx.msk [tilespmem:v12+s23+$0x0], $0xffff  }
0xa0: {  	[tilespmem:s21+$0xC800] =	vst v15;
	v1 =	vor.u32 $0x380, v1;
	v5 =	vld.idx.msk [tilespmem:v5+s23+$0x0], $0xffff  }
0xa1: {  	v3 =	vld.idx.msk [tilespmem:v3+s23+$0x0], $0xffff;
	[tilespmem:s3+$0xC800] =	vst v16;
	s17 =	sor.u32 $0x300, s1  }
0xa2: {  	v0 =	vld.idx.msk [tilespmem:v0+s23+$0x0], $0xffff;
	s18 =	sor.u32 $0x300, s4;
	[tilespmem:s17+$0xC800] =	vst v11  }
0xa3: {  	s20 =	sor.u32 $0x300, s0;
	v2 =	vld.idx.msk [tilespmem:v2+s23+$0x0], $0xffff;
	[tilespmem:s18+$0xC800] =	vst v6  }
0xa4: {  	s19 =	sor.u32 $0x300, s9;
	[tilespmem:s20+$0xC800] =	vst v7;
	v4 =	vld.idx.msk [tilespmem:v4+s23+$0x0], $0xffff  }
0xa5: {  	[tilespmem:s19+$0xC800] =	vst v5;
	v1 =	vld.idx.msk [tilespmem:v1+s23+$0x0], $0xffff  }
0xa6: {  	[tilespmem:s7+$0xC800] =	vst v3;
	v5 =	vld.idx.msk [tilespmem:v10+s23+$0x0], $0xffff  }
0xa7: {  	s1 =	sor.u32 $0x380, s1;
	[tilespmem:s10+$0xC800] =	vst v0  }
0xa8: {  	s21 =	sor.u32 $0x380, s4;
	[tilespmem:s1+$0xC800] =	vst v2  }
0xa9: {  	s0 =	sor.u32 $0x380, s0;
	[tilespmem:s21+$0xC800] =	vst v4  }
0xaa: {  	s22 =	sor.u32 $0x380, s9;
	[tilespmem:s0+$0xC800] =	vst v1  }
0xab: {  	[tilespmem:s22+$0xC800] =	vst v5  }
0xac: {  	s26 =	simm.s32 $0x0;
	s2 =	simm.s32 $0xC800;
	s1 =	rddreg [dreg:$0x8]  }
0xad: {  	[hbm4b:s1+s26] =	stream.linear.scatter [tilespmem:s2], [sflag:$0x4], $0x4000, $0x38;
	[tilespmem:$0x18800] =	vst v63  }
0xae: {  	s29 =	simm.s32 $0x2;
	s28 =	rddreg [dreg:$0x9]  }
0xaf: {  	[tilespmem:s23], [sflag:$0x1] =	stream.linear.gather [hbm4b:s28+s26], $0x4000, $0x38;
	[tilespmem:$0x18800] =	vst v63  }
0xb0: {  	s30 =	sand.u32 $0x40, s26;
	_ =	swait.ge [sflag:s29], $0x4000  }
0xb1: {  	s4 =	sand.u32 $0x780, s26;
	s6 =	sor.u32 $0x30, s30;
	[sflag:s29] =	ssyncset.done $0x0  }
0xb2: {  	s8 =	sor.u32 s6, s4;
	[sflag:s29] =	ssyncadd.s32 $0xFFFFC000  }
0xb3: {  	v0 =	vld [tilespmem:s8+$0x0]  }
0xb4: {  	s9 =	sor.u32 $0x10, s30;
	v1 =	vld [tilespmem:s26+$0x0]  }
0xb5: {  	s10 =	sor.u32 $0x20, s30;
	s11 =	sor.u32 s9, s4  }
0xb6: {  	s3 =	sor.u32 s10, s4;
	v2 =	vld [tilespmem:s11+$0x0]  }
0xb7: {  	v3 =	vld [tilespmem:s3+$0x0]  }
0xb8: {  	v4 =	vshll.u32 v0, $0x3  }
0xb9: {  	v5 =	vshll.u32 v1, $0x3;
	v0 =	vand.u32 $0x7F, v0;
	v4 =	vand.u32 $0xFFFFFC00, v4  }
0xba: {  	v1 =	vand.u32 $0x7F, v1;
	v6 =	vand.u32 $0xFFFFFC00, v5;
	v5 =	vor.u32 v0, v4  }
0xbb: {  	v0 =	vor.u32 v1, v6;
	v1 =	vshll.u32 v2, $0x3  }
0xbc: {  	v4 =	vshll.u32 v3, $0x3;
	v2 =	vand.u32 $0x7F, v2;
	v1 =	vand.u32 $0xFFFFFC00, v1  }
0xbd: {  	v6 =	vand.u32 $0xFFFFFC00, v4;
	v4 =	vor.u32 v2, v1;
	v1 =	vand.u32 $0x7F, v3  }
0xbe: {  	v3 =	vor.u32 v1, v6  }
0xbf: {  	v1 =	vld.idx.msk [tilespmem:v5+s24+$0x0], $0xffff  }
0xc0: {  	v6 =	vor.u32 $0x80, v5;
	v2 =	vld.idx.msk [tilespmem:v0+s24+$0x0], $0xffff  }
0xc1: {  	s0 =	sand.u32 $0x3C00, s26;
	v7 =	vor.u32 $0x80, v0  }
0xc2: {  	s12 =	sadd.s32 $0x10800, s0;
	v8 =	vld.idx.msk [tilespmem:v4+s24+$0x0], $0xffff  }
0xc3: {  	s13 =	sor.u32 s6, s12;
	v9 =	vor.u32 $0x80, v4;
	v10 =	vld.idx.msk [tilespmem:v3+s24+$0x0], $0xffff  }
0xc4: {  	s0 =	sor.u32 s30, s12;
	v11 =	vor.u32 $0x80, v3;
	[tilespmem:s13+$0x0] =	vst v1  }
0xc5: {  	[tilespmem:s0+$0x0] =	vst v2;
	v1 =	vld.idx.msk [tilespmem:v6+s24+$0x0], $0xffff  }
0xc6: {  	s14 =	sor.u32 s9, s12;
	v2 =	vld.idx.msk [tilespmem:v7+s24+$0x0], $0xffff;
	v6 =	vor.u32 $0x100, v5  }
0xc7: {  	s15 =	sor.u32 s10, s12;
	v7 =	vor.u32 $0x100, v0;
	[tilespmem:s14+$0x0] =	vst v8  }
0xc8: {  	v8 =	vld.idx.msk [tilespmem:v9+s24+$0x0], $0xffff;
	[tilespmem:s15+$0x0] =	vst v10  }
0xc9: {  	v9 =	vor.u32 $0x100, v4;
	v10 =	vld.idx.msk [tilespmem:v11+s24+$0x0], $0xffff  }
0xca: {  	v11 =	vor.u32 $0x100, v3;
	[tilespmem:s13+$0x80] =	vst v1  }
0xcb: {  	[tilespmem:s0+$0x80] =	vst v2;
	v1 =	vld.idx.msk [tilespmem:v6+s24+$0x0], $0xffff  }
0xcc: {  	v2 =	vld.idx.msk [tilespmem:v7+s24+$0x0], $0xffff;
	v6 =	vor.u32 $0x180, v5  }
0xcd: {  	v7 =	vor.u32 $0x180, v0;
	[tilespmem:s14+$0x80] =	vst v8  }
0xce: {  	v8 =	vld.idx.msk [tilespmem:v9+s24+$0x0], $0xffff;
	[tilespmem:s15+$0x80] =	vst v10  }
0xcf: {  	s12 =	simm.s32 $0x40;
	v9 =	vor.u32 $0x180, v4;
	v10 =	vld.idx.msk [tilespmem:v11+s24+$0x0], $0xffff  }
0xd0: {  	s16 =	sand.u32 $0x40, s12;
	v11 =	vld [tilespmem:s12+$0x0];
	[tilespmem:s13+$0x100] =	vst v1  }
0xd1: {  	s9 =	sand.u32 $0x780, s12;
	s17 =	sor.u32 $0x30, s16;
	[tilespmem:s0+$0x100] =	vst v2;
	v1 =	vld.idx.msk [tilespmem:v6+s24+$0x0], $0xffff  }
0xd2: {  	s21 =	sor.u32 s17, s9;
	v2 =	vor.u32 $0x180, v3;
	v6 =	vld.idx.msk [tilespmem:v7+s24+$0x0], $0xffff  }
0xd3: {  	s22 =	sor.u32 $0x10, s16;
	v7 =	vor.u32 $0x200, v5;
	[tilespmem:s14+$0x100] =	vst v8;
	v8 =	vld [tilespmem:s21+$0x0]  }
0xd4: {  	s28 =	sor.u32 s22, s9;
	s26 =	sor.u32 $0x20, s16;
	v9 =	vld.idx.msk [tilespmem:v9+s24+$0x0], $0xffff  }
0xd5: {  	v13 =	vld [tilespmem:s28+$0x0];
	s9 =	sor.u32 s26, s9;
	v12 =	vor.u32 $0x200, v4;
	v14 =	vshll.u32 v11, $0x3  }
0xd6: {  	v15 =	vld [tilespmem:s9+$0x0];
	[tilespmem:s15+$0x100] =	vst v10;
	v10 =	vor.u32 $0x200, v0;
	v11 =	vand.u32 $0x7F, v11;
	v14 =	vand.u32 $0xFFFFFC00, v14  }
0xd7: {  	p0 =	por $0x0, $0x0;
	s8 =	simm.s32 $0x1;
	v16 =	vld.idx.msk [tilespmem:v2+s24+$0x0], $0xffff;
	[tilespmem:s13+$0x180] =	vst v1;
	v1 =	vor.u32 v11, v14  }
0xd8: {  	s8 =	simm.s32 @!p0 $0x0;
	v11 =	vor.u32 $0x200, v3;
	v7 =	vld.idx.msk [tilespmem:v7+s24+$0x0], $0xffff;
	v2 =	vshll.u32 v8, $0x3  }
0xd9: {  	s29 =	sshll.u32 s8, $0x6;
	v8 =	vand.u32 $0x7F, v8;
	[tilespmem:s14+$0x180] =	vst v9;
	v2 =	vand.u32 $0xFFFFFC00, v2;
	v9 =	vor.u32 $0x280, v5  }
0xda: {  	s1 =	sadd.s32 $0x0, s29;
	v14 =	vor.u32 $0x280, v4;
	[tilespmem:s0+$0x180] =	vst v6;
	v6 =	vld.idx.msk [tilespmem:v12+s24+$0x0], $0xffff;
	v12 =	vshll.u32 v13, $0x3;
	v2 =	vor.u32 v8, v2  }
0xdb: {  	s0 =	sadd.s32 $0x30, s1;
	v8 =	vld.idx.msk [tilespmem:v10+s24+$0x0], $0xffff;
	v10 =	vshll.u32 v15, $0x3;
	v13 =	vand.u32 $0x7F, v13;
	v12 =	vand.u32 $0xFFFFFC00, v12  }
0xdc: {  	s30 =	sor.u32 $0x200, s0;
	v10 =	vand.u32 $0xFFFFFC00, v10;
	[tilespmem:s15+$0x180] =	vst v16;
	v17 =	vld.idx.msk [tilespmem:v1+s24+$0x0], $0xffff;
	v21 =	vor.u32 v13, v12;
	v12 =	vand.u32 $0x7F, v15  }
0xdd: {  	s2 =	sadd.s32 $0x10, s1;
	v11 =	vld.idx.msk [tilespmem:v11+s24+$0x0], $0xffff;
	v10 =	vor.u32 v12, v10;
	[tilespmem:s30+$0x10800] =	vst v7  }
0xde: {  	s14 =	sor.u32 $0x200, s2;
	v7 =	vor.u32 $0x280, v0;
	v9 =	vld.idx.msk [tilespmem:v9+s24+$0x0], $0xffff  }
0xdf: {  	s18 =	sor.u32 $0x200, s1;
	s13 =	simm.s32 $0x200;
	v12 =	vor.u32 $0x280, v3;
	v13 =	vld.idx.msk [tilespmem:v2+s24+$0x0], $0xffff;
	[tilespmem:s14+$0x10800] =	vst v6  }
0xe0: {  	s20 =	sand.u32 $0x3C00, s13;
	s15 =	sadd.s32 $0x20, s1;
	[tilespmem:s18+$0x10800] =	vst v8;
	v8 =	vor.u32 $0x80, v1;
	v6 =	vld.idx.msk [tilespmem:v14+s24+$0x0], $0xffff  }
0xe1: {  	s9 =	sadd.s32 $0x10800, s20;
	s19 =	sor.u32 $0x200, s15;
	v14 =	vor.u32 $0x300, v5;
	v15 =	vld.idx.msk [tilespmem:v21+s24+$0x0], $0xffff  }
0xe2: {  	s6 =	sor.u32 s16, s9;
	v16 =	vor.u32 $0x80, v2;
	[tilespmem:s19+$0x10800] =	vst v11;
	v18 =	vld.idx.msk [tilespmem:v10+s24+$0x0], $0xffff  }
0xe3: {  	s21 =	sor.u32 $0x280, s0;
	v19 =	vor.u32 $0x80, v21;
	[tilespmem:s6+$0x0] =	vst v17;
	v22 =	vld.idx.msk [tilespmem:v7+s24+$0x0], $0xffff  }
0xe4: {  	s17 =	sor.u32 s17, s9;
	v7 =	vor.u32 $0x80, v10;
	v11 =	vld.idx.msk [tilespmem:v12+s24+$0x0], $0xffff;
	[tilespmem:s21+$0x10800] =	vst v9  }
0xe5: {  	s16 =	sor.u32 s22, s9;
	s22 =	sor.u32 $0x280, s2;
	v9 =	vor.u32 $0x300, v4;
	[tilespmem:s17+$0x0] =	vst v13;
	v8 =	vld.idx.msk [tilespmem:v8+s24+$0x0], $0xffff  }
0xe6: {  	v13 =	vor.u32 $0x300, v3;
	v12 =	vld.idx.msk [tilespmem:v14+s24+$0x0], $0xffff;
	[tilespmem:s22+$0x10800] =	vst v6  }
0xe7: {  	s11 =	sor.u32 s26, s9;
	v5 =	vor.u32 $0x380, v5;
	v16 =	vld.idx.msk [tilespmem:v16+s24+$0x0], $0xffff;
	[tilespmem:s16+$0x0] =	vst v15  }
0xe8: {  	s26 =	sor.u32 $0x280, s15;
	v17 =	vor.u32 $0x100, v2;
	v15 =	vld.idx.msk [tilespmem:v19+s24+$0x0], $0xffff;
	[tilespmem:s11+$0x0] =	vst v18  }
0xe9: {  	s29 =	sor.u32 $0x280, s1;
	v18 =	vor.u32 $0x100, v1;
	[tilespmem:s26+$0x10800] =	vst v11;
	v7 =	vld.idx.msk [tilespmem:v7+s24+$0x0], $0xffff  }
0xea: {  	s28 =	sor.u32 $0x300, s0;
	v6 =	vor.u32 $0x100, v21;
	[tilespmem:s29+$0x10800] =	vst v22;
	v23 =	vld.idx.msk [tilespmem:v9+s24+$0x0], $0xffff  }
0xeb: {  	v20 =	vor.u32 $0x100, v10;
	v14 =	vld.idx.msk [tilespmem:v13+s24+$0x0], $0xffff;
	[tilespmem:s28+$0x10800] =	vst v12  }
0xec: {  	[tilespmem:s17+$0x80] =	vst v16;
	v16 =	vor.u32 $0x300, v0;
	v24 =	vld.idx.msk [tilespmem:v5+s24+$0x0], $0xffff  }
0xed: {  	v25 =	vor.u32 $0x380, v4;
	[tilespmem:s6+$0x80] =	vst v8;
	v19 =	vld.idx.msk [tilespmem:v17+s24+$0x0], $0xffff  }
0xee: {  	v4 =	vor.u32 $0x380, v21;
	v17 =	vld.idx.msk [tilespmem:v18+s24+$0x0], $0xffff;
	[tilespmem:s16+$0x80] =	vst v15  }
0xef: {  	v11 =	vor.u32 $0x200, v21;
	v22 =	vor.u32 $0x180, v2;
	v13 =	vor.u32 $0x180, v21;
	v18 =	vld.idx.msk [tilespmem:v6+s24+$0x0], $0xffff;
	[tilespmem:s11+$0x80] =	vst v7  }
0xf0: {  	s10 =	sor.u32 $0x380, s1;
	s3 =	sor.u32 $0x380, s2;
	s30 =	sor.u32 $0x300, s2;
	v8 =	vor.u32 $0x280, v21;
	v6 =	vor.u32 $0x300, v21;
	v21 =	vor.u32 $0x180, v1;
	v20 =	vld.idx.msk [tilespmem:v20+s24+$0x0], $0xffff  }
0xf1: {  	s0 =	sor.u32 $0x380, s0;
	s7 =	sor.u32 $0x380, s15;
	s14 =	simm.s32 $0x4;
	v3 =	vor.u32 $0x380, v3;
	v9 =	vor.u32 $0x200, v10;
	v12 =	vor.u32 $0x180, v10;
	[tilespmem:s30+$0x10800] =	vst v23;
	v15 =	vld.idx.msk [tilespmem:v16+s24+$0x0], $0xffff  }
0xf2: {  	s21 =	sor.u32 $0x300, s1;
	s22 =	sor.u32 $0x300, s15;
	s15 =	simm.s32 $0x80;
	v5 =	vor.u32 $0x300, v10;
	v7 =	vor.u32 $0x280, v10;
	v10 =	vor.u32 $0x380, v10;
	v16 =	vld.idx.msk [tilespmem:v25+s24+$0x0], $0xffff;
	[tilespmem:s0+$0x10800] =	vst v24  }
.LBB2_4:
0xf3: {  	v23 =	vld [tilespmem:s15+$0x0];
	[tilespmem:s17+$0x100] =	vst v19;
	s12 =	sadd.s32 $0x40, s12  }
0xf4: {  	s14 =	sadd.s32 $0x4, s14;
	s18 =	sand.u32 $0x40, s12;
	[tilespmem:s6+$0x100] =	vst v17;
	v17 =	vld.idx.msk [tilespmem:v22+s24+$0x0], $0xffff  }
0xf5: {  	s0 =	sand.u32 $0x780, s12;
	p1 =	slt.u32 s14, $0x7C;
	s19 =	sor.u32 $0x30, s18;
	v19 =	vld.idx.msk [tilespmem:v21+s24+$0x0], $0xffff;
	[tilespmem:s16+$0x100] =	vst v18  }
0xf6: {  	s1 =	sor.u32 $0x10, s18;
	s5 =	sor.u32 $0x20, s18;
	v18 =	vor.u32 $0x200, v2;
	s4 =	sor.u32 s19, s0;
	v13 =	vld.idx.msk [tilespmem:v13+s24+$0x0], $0xffff;
	[tilespmem:s11+$0x100] =	vst v20  }
0xf7: {  	v21 =	vor.u32 $0x200, v1;
	s8 =	sor.u32 s1, s0;
	s0 =	sor.u32 s5, s0;
	v20 =	vld [tilespmem:s4+$0x0];
	[tilespmem:s22+$0x10800] =	vst v14  }
0xf8: {  	v14 =	vld [tilespmem:s8+$0x0];
	[tilespmem:s21+$0x10800] =	vst v15  }
0xf9: {  	v15 =	vshll.u32 v23, $0x3;
	v22 =	vld [tilespmem:s0+$0x0];
	[tilespmem:s3+$0x10800] =	vst v16  }
0xfa: {  	v16 =	vand.u32 $0x7F, v23;
	v15 =	vand.u32 $0xFFFFFC00, v15;
	v12 =	vld.idx.msk [tilespmem:v12+s24+$0x0], $0xffff;
	[tilespmem:s17+$0x180] =	vst v17;
	v17 =	vor.u32 $0x380, v0;
	v0 =	vmovc v1  }
0xfb: {  	p0 =	por !p0, !p0;
	s0 =	simm.s32 $0x1;
	v1 =	vor.u32 v16, v15;
	[tilespmem:s6+$0x180] =	vst v19;
	v15 =	vld.idx.msk [tilespmem:v18+s24+$0x0], $0xffff  }
0xfc: {  	s0 =	simm.s32 @!p0 $0x0;
	v16 =	vshll.u32 v20, $0x3;
	v18 =	vld.idx.msk [tilespmem:v21+s24+$0x0], $0xffff;
	[tilespmem:s16+$0x180] =	vst v13  }
0xfd: {  	s0 =	sshll.u32 s0, $0x6;
	v13 =	vand.u32 $0x7F, v20;
	v16 =	vand.u32 $0xFFFFFC00, v16;
	v19 =	vld.idx.msk [tilespmem:v11+s24+$0x0], $0xffff;
	v11 =	vor.u32 $0x280, v2  }
0xfe: {  	s6 =	sadd.s32 s0, s13;
	v20 =	vshll.u32 v14, $0x3;
	v21 =	vshll.u32 v22, $0x3;
	v16 =	vor.u32 v13, v16;
	v23 =	vld.idx.msk [tilespmem:v3+s24+$0x0], $0xffff;
	v3 =	vmovc v10  }
0xff: {  	s3 =	sadd.s32 $0x10, s6;
	s16 =	sadd.s32 $0x20, s6;
	s4 =	sadd.s32 $0x30, s6;
	v10 =	vand.u32 $0x7F, v14;
	v13 =	vand.u32 $0xFFFFFC00, v20;
	v14 =	vand.u32 $0xFFFFFC00, v21;
	v17 =	vld.idx.msk [tilespmem:v17+s24+$0x0], $0xffff  }
0x100: {  	s17 =	sor.u32 $0x200, s3;
	s0 =	sor.u32 $0x200, s4;
	v10 =	vor.u32 v10, v13;
	v13 =	vand.u32 $0x7F, v22;
	v21 =	vor.u32 $0x280, v0;
	v20 =	vld.idx.msk [tilespmem:v1+s24+$0x0], $0xffff;
	[tilespmem:s11+$0x180] =	vst v12;
	s11 =	sor.u32 $0x200, s16  }
0x101: {  	s20 =	sor.u32 $0x200, s6;
	s9 =	sor.u32 $0x280, s3;
	s8 =	sor.u32 $0x280, s16;
	v22 =	vor.u32 $0x80, v10;
	v24 =	vor.u32 $0x100, v10;
	v14 =	vor.u32 v13, v14;
	v25 =	vld.idx.msk [tilespmem:v9+s24+$0x0], $0xffff;
	[tilespmem:s0+$0x10800] =	vst v15  }
0x102: {  	s22 =	sor.u32 $0x300, s16;
	v13 =	vor.u32 $0x180, v10;
	v15 =	vor.u32 $0x80, v14;
	v26 =	vor.u32 $0x100, v14;
	s0 =	sor.u32 $0x280, s6;
	[tilespmem:s20+$0x10800] =	vst v18;
	s20 =	sor.u32 $0x300, s3;
	v18 =	vld.idx.msk [tilespmem:v11+s24+$0x0], $0xffff  }
0x103: {  	s21 =	sor.u32 $0x300, s6;
	s16 =	sor.u32 $0x380, s16;
	v12 =	vor.u32 $0x180, v14;
	v9 =	vor.u32 $0x200, v14;
	v11 =	vor.u32 $0x200, v10;
	s3 =	sor.u32 $0x380, s3;
	v27 =	vld.idx.msk [tilespmem:v16+s24+$0x0], $0xffff;
	[tilespmem:s17+$0x10800] =	vst v19  }
0x104: {  	v29 =	vor.u32 $0x300, v2;
	s6 =	sor.u32 $0x380, s6;
	v19 =	vor.u32 $0x280, v14;
	v28 =	vld.idx.msk [tilespmem:v8+s24+$0x0], $0xffff;
	v8 =	vor.u32 $0x280, v10;
	[tilespmem:s7+$0x10800] =	vst v23;
	s7 =	smov.u32 s16  }
0x105: {  	s13 =	sadd.s32 $0x200, s13;
	v32 =	vor.u32 $0x80, v16;
	v30 =	vor.u32 $0x300, v10;
	v31 =	vor.u32 $0x300, v14;
	v23 =	vld.idx.msk [tilespmem:v10+s24+$0x0], $0xffff;
	[tilespmem:s10+$0x10800] =	vst v17;
	s10 =	smov.u32 s6  }
0x106: {  	v33 =	vor.u32 $0x380, v10;
	s6 =	sand.u32 $0x3C00, s13;
	v17 =	vor.u32 $0x80, v1;
	v10 =	vor.u32 $0x380, v14;
	v34 =	vld.idx.msk [tilespmem:v14+s24+$0x0], $0xffff  }
0x107: {  	s26 =	sadd.s32 $0x10800, s6;
	v35 =	vld.idx.msk [tilespmem:v21+s24+$0x0], $0xffff;
	[tilespmem:s11+$0x10800] =	vst v25;
	s11 =	sor.u32 $0x280, s4  }
0x108: {  	s6 =	sor.u32 s18, s26;
	s16 =	sor.u32 s1, s26;
	s17 =	sor.u32 s19, s26;
	v14 =	vld.idx.msk [tilespmem:v7+s24+$0x0], $0xffff;
	[tilespmem:s11+$0x10800] =	vst v18;
	v7 =	vmov v19  }
0x109: {  	s11 =	sor.u32 s5, s26;
	[tilespmem:s17+$0x0] =	vst v27;
	v18 =	vld.idx.msk [tilespmem:v29+s24+$0x0], $0xffff  }
0x10a: {  	[tilespmem:s6+$0x0] =	vst v20;
	v19 =	vld.idx.msk [tilespmem:v32+s24+$0x0], $0xffff  }
0x10b: {  	v20 =	vor.u32 $0x380, v2;
	v2 =	vmov v16;
	v17 =	vld.idx.msk [tilespmem:v17+s24+$0x0], $0xffff;
	[tilespmem:s16+$0x0] =	vst v23  }
0x10c: {  	v21 =	vor.u32 $0x100, v2;
	v16 =	vld.idx.msk [tilespmem:v22+s24+$0x0], $0xffff;
	[tilespmem:s11+$0x0] =	vst v34  }
0x10d: {  	v22 =	vor.u32 $0x100, v1;
	v15 =	vld.idx.msk [tilespmem:v15+s24+$0x0], $0xffff;
	[tilespmem:s9+$0x10800] =	vst v28  }
0x10e: {  	s1 =	sor.u32 $0x300, s4;
	v23 =	vld.idx.msk [tilespmem:v6+s24+$0x0], $0xffff;
	[tilespmem:s8+$0x10800] =	vst v14;
	v6 =	vmov v30  }
0x10f: {  	v14 =	vld.idx.msk [tilespmem:v5+s24+$0x0], $0xffff;
	[tilespmem:s1+$0x10800] =	vst v18;
	v5 =	vmov v31  }
0x110: {  	v25 =	vor.u32 $0x300, v0;
	[tilespmem:s17+$0x80] =	vst v19;
	v27 =	vld.idx.msk [tilespmem:v20+s24+$0x0], $0xffff  }
0x111: {  	[tilespmem:s6+$0x80] =	vst v17;
	v19 =	vld.idx.msk [tilespmem:v21+s24+$0x0], $0xffff  }
.Ltmp1:
0x112: {  	v17 =	vld.idx.msk [tilespmem:v22+s24+$0x0], $0xffff;
	[tilespmem:s16+$0x80] =	vst v16;
	(pc) =	sbr.rel @p1 .LBB2_4-.Ltmp1, $4  }
0x113: {  	v22 =	vor.u32 $0x180, v2;
	v18 =	vld.idx.msk [tilespmem:v24+s24+$0x0], $0xffff;
	[tilespmem:s11+$0x80] =	vst v15  }
0x114: {  	v21 =	vor.u32 $0x180, v1;
	v20 =	vld.idx.msk [tilespmem:v26+s24+$0x0], $0xffff;
	[tilespmem:s0+$0x10800] =	vst v35  }
0x115: {  	s0 =	sor.u32 $0x380, s4;
	v15 =	vld.idx.msk [tilespmem:v25+s24+$0x0], $0xffff;
	[tilespmem:s20+$0x10800] =	vst v23  }
0x116: {  	s15 =	sadd.s32 $0x40, s15;
	v16 =	vld.idx.msk [tilespmem:v4+s24+$0x0], $0xffff;
	[tilespmem:s0+$0x10800] =	vst v27;
	v4 =	vmov v33  }
0x117: {  	_ =	sdelay $0x2  }
0x118: {  	[tilespmem:s17+$0x100] =	vst v19  }
0x119: {  	v19 =	vld.idx.msk [tilespmem:v22+s24+$0x0], $0xffff;
	[tilespmem:s16+$0x100] =	vst v18  }
0x11a: {  	[tilespmem:s6+$0x100] =	vst v17;
	v18 =	vor.u32 $0x200, v2;
	v13 =	vld.idx.msk [tilespmem:v13+s24+$0x0], $0xffff  }
0x11b: {  	v17 =	vld.idx.msk [tilespmem:v21+s24+$0x0], $0xffff;
	[tilespmem:s11+$0x100] =	vst v20  }
0x11c: {  	v20 =	vor.u32 $0x200, v1;
	v12 =	vld.idx.msk [tilespmem:v12+s24+$0x0], $0xffff;
	_ =	sdelay $0x1  }
0x11d: {  	p0 =	por !p0, !p0;
	s0 =	simm.s32 $0x1;
	[tilespmem:s17+$0x180] =	vst v19  }
0x11e: {  	s0 =	simm.s32 @!p0 $0x0;
	v18 =	vld.idx.msk [tilespmem:v18+s24+$0x0], $0xffff;
	[tilespmem:s16+$0x180] =	vst v13  }
0x11f: {  	s0 =	sshll.u32 s0, $0x6;
	[tilespmem:s6+$0x180] =	vst v17;
	v13 =	vor.u32 $0x280, v2;
	v11 =	vld.idx.msk [tilespmem:v11+s24+$0x0], $0xffff  }
0x120: {  	s0 =	sadd.s32 s0, s13;
	[tilespmem:s11+$0x180] =	vst v12;
	v12 =	vld.idx.msk [tilespmem:v20+s24+$0x0], $0xffff  }
0x121: {  	s1 =	sadd.s32 $0x30, s0;
	v17 =	vor.u32 $0x280, v1;
	v9 =	vld.idx.msk [tilespmem:v9+s24+$0x0], $0xffff  }
0x122: {  	s4 =	sadd.s32 $0x10, s0;
	s5 =	sor.u32 $0x200, s1  }
0x123: {  	s8 =	sor.u32 $0x200, s4;
	[tilespmem:s5+$0x10800] =	vst v18  }
0x124: {  	s9 =	sadd.s32 $0x20, s0;
	s12 =	sor.u32 $0x200, s0;
	v13 =	vld.idx.msk [tilespmem:v13+s24+$0x0], $0xffff;
	[tilespmem:s8+$0x10800] =	vst v11  }
0x125: {  	s11 =	sor.u32 $0x200, s9;
	v11 =	vor.u32 $0x300, v2;
	[tilespmem:s12+$0x10800] =	vst v12;
	v8 =	vld.idx.msk [tilespmem:v8+s24+$0x0], $0xffff  }
0x126: {  	[tilespmem:s11+$0x10800] =	vst v9;
	v9 =	vld.idx.msk [tilespmem:v17+s24+$0x0], $0xffff  }
0x127: {  	v12 =	vor.u32 $0x300, v1;
	v7 =	vld.idx.msk [tilespmem:v7+s24+$0x0], $0xffff  }
0x128: {  	[tilespmem:s22+$0x10800] =	vst v14;
	s13 =	sor.u32 $0x280, s1  }
0x129: {  	s14 =	sor.u32 $0x280, s4;
	[tilespmem:s13+$0x10800] =	vst v13  }
0x12a: {  	v0 =	vor.u32 $0x380, v0;
	s16 =	sor.u32 $0x280, s0;
	v11 =	vld.idx.msk [tilespmem:v11+s24+$0x0], $0xffff;
	[tilespmem:s14+$0x10800] =	vst v8  }
0x12b: {  	s15 =	sor.u32 $0x280, s9;
	v2 =	vor.u32 $0x380, v2;
	[tilespmem:s16+$0x10800] =	vst v9;
	v6 =	vld.idx.msk [tilespmem:v6+s24+$0x0], $0xffff  }
0x12c: {  	[tilespmem:s15+$0x10800] =	vst v7;
	v7 =	vld.idx.msk [tilespmem:v12+s24+$0x0], $0xffff  }
0x12d: {  	[tilespmem:s21+$0x10800] =	vst v15;
	v1 =	vor.u32 $0x380, v1;
	v5 =	vld.idx.msk [tilespmem:v5+s24+$0x0], $0xffff  }
0x12e: {  	v3 =	vld.idx.msk [tilespmem:v3+s24+$0x0], $0xffff;
	[tilespmem:s3+$0x10800] =	vst v16;
	s17 =	sor.u32 $0x300, s1  }
0x12f: {  	v0 =	vld.idx.msk [tilespmem:v0+s24+$0x0], $0xffff;
	s18 =	sor.u32 $0x300, s4;
	[tilespmem:s17+$0x10800] =	vst v11  }
0x130: {  	s20 =	sor.u32 $0x300, s0;
	v2 =	vld.idx.msk [tilespmem:v2+s24+$0x0], $0xffff;
	[tilespmem:s18+$0x10800] =	vst v6  }
0x131: {  	s19 =	sor.u32 $0x300, s9;
	[tilespmem:s20+$0x10800] =	vst v7;
	v4 =	vld.idx.msk [tilespmem:v4+s24+$0x0], $0xffff  }
0x132: {  	[tilespmem:s19+$0x10800] =	vst v5;
	v1 =	vld.idx.msk [tilespmem:v1+s24+$0x0], $0xffff  }
0x133: {  	[tilespmem:s7+$0x10800] =	vst v3;
	v5 =	vld.idx.msk [tilespmem:v10+s24+$0x0], $0xffff  }
0x134: {  	s1 =	sor.u32 $0x380, s1;
	[tilespmem:s10+$0x10800] =	vst v0  }
0x135: {  	s21 =	sor.u32 $0x380, s4;
	[tilespmem:s1+$0x10800] =	vst v2  }
0x136: {  	s0 =	sor.u32 $0x380, s0;
	[tilespmem:s21+$0x10800] =	vst v4  }
0x137: {  	s22 =	sor.u32 $0x380, s9;
	[tilespmem:s0+$0x10800] =	vst v1  }
0x138: {  	[tilespmem:s22+$0x10800] =	vst v5  }
0x139: {  	s26 =	simm.s32 $0x0;
	s2 =	simm.s32 $0x10800;
	s1 =	rddreg [dreg:$0xa]  }
0x13a: {  	[hbm4b:s1+s26] =	stream.linear.scatter [tilespmem:s2], [sflag:$0x5], $0x4000, $0x38;
	[tilespmem:$0x18800] =	vst v63  }
0x13b: {  	s29 =	simm.s32 $0x3;
	s28 =	rddreg [dreg:$0xb]  }
0x13c: {  	[tilespmem:s24], [sflag:$0x2] =	stream.linear.gather [hbm4b:s28+s26], $0x4000, $0x38;
	[tilespmem:$0x18800] =	vst v63  }
0x13d: {  	s30 =	sand.u32 $0x40, s26;
	_ =	swait.ge [sflag:s29], $0x4000  }
0x13e: {  	s4 =	sand.u32 $0x780, s26;
	s6 =	sor.u32 $0x30, s30;
	[sflag:s29] =	ssyncset.done $0x0  }
0x13f: {  	s8 =	sor.u32 s6, s4;
	[sflag:s29] =	ssyncadd.s32 $0xFFFFC000  }
0x140: {  	v0 =	vld [tilespmem:s8+$0x0]  }
0x141: {  	s9 =	sor.u32 $0x10, s30;
	v1 =	vld [tilespmem:s26+$0x0]  }
0x142: {  	s10 =	sor.u32 $0x20, s30;
	s11 =	sor.u32 s9, s4  }
0x143: {  	s3 =	sor.u32 s10, s4;
	v2 =	vld [tilespmem:s11+$0x0]  }
0x144: {  	v3 =	vld [tilespmem:s3+$0x0]  }
0x145: {  	v4 =	vshll.u32 v0, $0x3  }
0x146: {  	v5 =	vshll.u32 v1, $0x3;
	v0 =	vand.u32 $0x7F, v0;
	v4 =	vand.u32 $0xFFFFFC00, v4  }
0x147: {  	v1 =	vand.u32 $0x7F, v1;
	v6 =	vand.u32 $0xFFFFFC00, v5;
	v5 =	vor.u32 v0, v4  }
0x148: {  	v0 =	vor.u32 v1, v6;
	v1 =	vshll.u32 v2, $0x3  }
0x149: {  	v4 =	vshll.u32 v3, $0x3;
	v2 =	vand.u32 $0x7F, v2;
	v1 =	vand.u32 $0xFFFFFC00, v1  }
0x14a: {  	v6 =	vand.u32 $0xFFFFFC00, v4;
	v4 =	vor.u32 v2, v1;
	v1 =	vand.u32 $0x7F, v3  }
0x14b: {  	v3 =	vor.u32 v1, v6  }
0x14c: {  	v1 =	vld.idx.msk [tilespmem:v5+s25+$0x0], $0xffff  }
0x14d: {  	v6 =	vor.u32 $0x80, v5;
	v2 =	vld.idx.msk [tilespmem:v0+s25+$0x0], $0xffff  }
0x14e: {  	s0 =	sand.u32 $0x3C00, s26;
	v7 =	vor.u32 $0x80, v0  }
0x14f: {  	s12 =	sadd.s32 $0x14800, s0;
	v8 =	vld.idx.msk [tilespmem:v4+s25+$0x0], $0xffff  }
0x150: {  	s13 =	sor.u32 s6, s12;
	v9 =	vor.u32 $0x80, v4;
	v10 =	vld.idx.msk [tilespmem:v3+s25+$0x0], $0xffff  }
0x151: {  	s0 =	sor.u32 s30, s12;
	v11 =	vor.u32 $0x80, v3;
	[tilespmem:s13+$0x0] =	vst v1  }
0x152: {  	[tilespmem:s0+$0x0] =	vst v2;
	v1 =	vld.idx.msk [tilespmem:v6+s25+$0x0], $0xffff  }
0x153: {  	s14 =	sor.u32 s9, s12;
	v2 =	vld.idx.msk [tilespmem:v7+s25+$0x0], $0xffff;
	v6 =	vor.u32 $0x100, v5  }
0x154: {  	s15 =	sor.u32 s10, s12;
	v7 =	vor.u32 $0x100, v0;
	[tilespmem:s14+$0x0] =	vst v8  }
0x155: {  	v8 =	vld.idx.msk [tilespmem:v9+s25+$0x0], $0xffff;
	[tilespmem:s15+$0x0] =	vst v10  }
0x156: {  	v9 =	vor.u32 $0x100, v4;
	v10 =	vld.idx.msk [tilespmem:v11+s25+$0x0], $0xffff  }
0x157: {  	v11 =	vor.u32 $0x100, v3;
	[tilespmem:s13+$0x80] =	vst v1  }
0x158: {  	[tilespmem:s0+$0x80] =	vst v2;
	v1 =	vld.idx.msk [tilespmem:v6+s25+$0x0], $0xffff  }
0x159: {  	v2 =	vld.idx.msk [tilespmem:v7+s25+$0x0], $0xffff;
	v6 =	vor.u32 $0x180, v5  }
0x15a: {  	v7 =	vor.u32 $0x180, v0;
	[tilespmem:s14+$0x80] =	vst v8  }
0x15b: {  	v8 =	vld.idx.msk [tilespmem:v9+s25+$0x0], $0xffff;
	[tilespmem:s15+$0x80] =	vst v10  }
0x15c: {  	s12 =	simm.s32 $0x40;
	v9 =	vor.u32 $0x180, v4;
	v10 =	vld.idx.msk [tilespmem:v11+s25+$0x0], $0xffff  }
0x15d: {  	s16 =	sand.u32 $0x40, s12;
	v11 =	vld [tilespmem:s12+$0x0];
	[tilespmem:s13+$0x100] =	vst v1  }
0x15e: {  	s9 =	sand.u32 $0x780, s12;
	s17 =	sor.u32 $0x30, s16;
	[tilespmem:s0+$0x100] =	vst v2;
	v1 =	vld.idx.msk [tilespmem:v6+s25+$0x0], $0xffff  }
0x15f: {  	s21 =	sor.u32 s17, s9;
	v2 =	vor.u32 $0x180, v3;
	v6 =	vld.idx.msk [tilespmem:v7+s25+$0x0], $0xffff  }
0x160: {  	s22 =	sor.u32 $0x10, s16;
	v7 =	vor.u32 $0x200, v5;
	[tilespmem:s14+$0x100] =	vst v8;
	v8 =	vld [tilespmem:s21+$0x0]  }
0x161: {  	s28 =	sor.u32 s22, s9;
	s26 =	sor.u32 $0x20, s16;
	v9 =	vld.idx.msk [tilespmem:v9+s25+$0x0], $0xffff  }
0x162: {  	v13 =	vld [tilespmem:s28+$0x0];
	s9 =	sor.u32 s26, s9;
	v12 =	vor.u32 $0x200, v4;
	v14 =	vshll.u32 v11, $0x3  }
0x163: {  	v15 =	vld [tilespmem:s9+$0x0];
	[tilespmem:s15+$0x100] =	vst v10;
	v10 =	vor.u32 $0x200, v0;
	v11 =	vand.u32 $0x7F, v11;
	v14 =	vand.u32 $0xFFFFFC00, v14  }
0x164: {  	p0 =	por $0x0, $0x0;
	s8 =	simm.s32 $0x1;
	v16 =	vld.idx.msk [tilespmem:v2+s25+$0x0], $0xffff;
	[tilespmem:s13+$0x180] =	vst v1;
	v1 =	vor.u32 v11, v14  }
0x165: {  	s8 =	simm.s32 @!p0 $0x0;
	v11 =	vor.u32 $0x200, v3;
	v7 =	vld.idx.msk [tilespmem:v7+s25+$0x0], $0xffff;
	v2 =	vshll.u32 v8, $0x3  }
0x166: {  	s29 =	sshll.u32 s8, $0x6;
	v8 =	vand.u32 $0x7F, v8;
	[tilespmem:s14+$0x180] =	vst v9;
	v2 =	vand.u32 $0xFFFFFC00, v2;
	v9 =	vor.u32 $0x280, v5  }
0x167: {  	s1 =	sadd.s32 $0x0, s29;
	v14 =	vor.u32 $0x280, v4;
	[tilespmem:s0+$0x180] =	vst v6;
	v6 =	vld.idx.msk [tilespmem:v12+s25+$0x0], $0xffff;
	v12 =	vshll.u32 v13, $0x3;
	v2 =	vor.u32 v8, v2  }
0x168: {  	s0 =	sadd.s32 $0x30, s1;
	v8 =	vld.idx.msk [tilespmem:v10+s25+$0x0], $0xffff;
	v10 =	vshll.u32 v15, $0x3;
	v13 =	vand.u32 $0x7F, v13;
	v12 =	vand.u32 $0xFFFFFC00, v12  }
0x169: {  	s30 =	sor.u32 $0x200, s0;
	v10 =	vand.u32 $0xFFFFFC00, v10;
	[tilespmem:s15+$0x180] =	vst v16;
	v17 =	vld.idx.msk [tilespmem:v1+s25+$0x0], $0xffff;
	v21 =	vor.u32 v13, v12;
	v12 =	vand.u32 $0x7F, v15  }
0x16a: {  	s2 =	sadd.s32 $0x10, s1;
	v11 =	vld.idx.msk [tilespmem:v11+s25+$0x0], $0xffff;
	v10 =	vor.u32 v12, v10;
	[tilespmem:s30+$0x14800] =	vst v7  }
0x16b: {  	s14 =	sor.u32 $0x200, s2;
	v7 =	vor.u32 $0x280, v0;
	v9 =	vld.idx.msk [tilespmem:v9+s25+$0x0], $0xffff  }
0x16c: {  	s18 =	sor.u32 $0x200, s1;
	s13 =	simm.s32 $0x200;
	v12 =	vor.u32 $0x280, v3;
	v13 =	vld.idx.msk [tilespmem:v2+s25+$0x0], $0xffff;
	[tilespmem:s14+$0x14800] =	vst v6  }
0x16d: {  	s20 =	sand.u32 $0x3C00, s13;
	s15 =	sadd.s32 $0x20, s1;
	[tilespmem:s18+$0x14800] =	vst v8;
	v8 =	vor.u32 $0x80, v1;
	v6 =	vld.idx.msk [tilespmem:v14+s25+$0x0], $0xffff  }
0x16e: {  	s9 =	sadd.s32 $0x14800, s20;
	s19 =	sor.u32 $0x200, s15;
	v14 =	vor.u32 $0x300, v5;
	v15 =	vld.idx.msk [tilespmem:v21+s25+$0x0], $0xffff  }
0x16f: {  	s6 =	sor.u32 s16, s9;
	v16 =	vor.u32 $0x80, v2;
	[tilespmem:s19+$0x14800] =	vst v11;
	v18 =	vld.idx.msk [tilespmem:v10+s25+$0x0], $0xffff  }
0x170: {  	s21 =	sor.u32 $0x280, s0;
	v19 =	vor.u32 $0x80, v21;
	[tilespmem:s6+$0x0] =	vst v17;
	v22 =	vld.idx.msk [tilespmem:v7+s25+$0x0], $0xffff  }
0x171: {  	s17 =	sor.u32 s17, s9;
	v7 =	vor.u32 $0x80, v10;
	v11 =	vld.idx.msk [tilespmem:v12+s25+$0x0], $0xffff;
	[tilespmem:s21+$0x14800] =	vst v9  }
0x172: {  	s16 =	sor.u32 s22, s9;
	s22 =	sor.u32 $0x280, s2;
	v9 =	vor.u32 $0x300, v4;
	[tilespmem:s17+$0x0] =	vst v13;
	v8 =	vld.idx.msk [tilespmem:v8+s25+$0x0], $0xffff  }
0x173: {  	v13 =	vor.u32 $0x300, v3;
	v12 =	vld.idx.msk [tilespmem:v14+s25+$0x0], $0xffff;
	[tilespmem:s22+$0x14800] =	vst v6  }
0x174: {  	s11 =	sor.u32 s26, s9;
	v5 =	vor.u32 $0x380, v5;
	v16 =	vld.idx.msk [tilespmem:v16+s25+$0x0], $0xffff;
	[tilespmem:s16+$0x0] =	vst v15  }
0x175: {  	s26 =	sor.u32 $0x280, s15;
	v17 =	vor.u32 $0x100, v2;
	v15 =	vld.idx.msk [tilespmem:v19+s25+$0x0], $0xffff;
	[tilespmem:s11+$0x0] =	vst v18  }
0x176: {  	s29 =	sor.u32 $0x280, s1;
	v18 =	vor.u32 $0x100, v1;
	[tilespmem:s26+$0x14800] =	vst v11;
	v7 =	vld.idx.msk [tilespmem:v7+s25+$0x0], $0xffff  }
0x177: {  	s28 =	sor.u32 $0x300, s0;
	v6 =	vor.u32 $0x100, v21;
	[tilespmem:s29+$0x14800] =	vst v22;
	v23 =	vld.idx.msk [tilespmem:v9+s25+$0x0], $0xffff  }
0x178: {  	v20 =	vor.u32 $0x100, v10;
	v14 =	vld.idx.msk [tilespmem:v13+s25+$0x0], $0xffff;
	[tilespmem:s28+$0x14800] =	vst v12  }
0x179: {  	[tilespmem:s17+$0x80] =	vst v16;
	v16 =	vor.u32 $0x300, v0;
	v24 =	vld.idx.msk [tilespmem:v5+s25+$0x0], $0xffff  }
0x17a: {  	v25 =	vor.u32 $0x380, v4;
	[tilespmem:s6+$0x80] =	vst v8;
	v19 =	vld.idx.msk [tilespmem:v17+s25+$0x0], $0xffff  }
0x17b: {  	v4 =	vor.u32 $0x380, v21;
	v17 =	vld.idx.msk [tilespmem:v18+s25+$0x0], $0xffff;
	[tilespmem:s16+$0x80] =	vst v15  }
0x17c: {  	v11 =	vor.u32 $0x200, v21;
	v22 =	vor.u32 $0x180, v2;
	v13 =	vor.u32 $0x180, v21;
	v18 =	vld.idx.msk [tilespmem:v6+s25+$0x0], $0xffff;
	[tilespmem:s11+$0x80] =	vst v7  }
0x17d: {  	s10 =	sor.u32 $0x380, s1;
	s3 =	sor.u32 $0x380, s2;
	s30 =	sor.u32 $0x300, s2;
	v8 =	vor.u32 $0x280, v21;
	v6 =	vor.u32 $0x300, v21;
	v21 =	vor.u32 $0x180, v1;
	v20 =	vld.idx.msk [tilespmem:v20+s25+$0x0], $0xffff  }
0x17e: {  	s0 =	sor.u32 $0x380, s0;
	s7 =	sor.u32 $0x380, s15;
	s14 =	simm.s32 $0x4;
	v3 =	vor.u32 $0x380, v3;
	v9 =	vor.u32 $0x200, v10;
	v12 =	vor.u32 $0x180, v10;
	[tilespmem:s30+$0x14800] =	vst v23;
	v15 =	vld.idx.msk [tilespmem:v16+s25+$0x0], $0xffff  }
0x17f: {  	s21 =	sor.u32 $0x300, s1;
	s22 =	sor.u32 $0x300, s15;
	s15 =	simm.s32 $0x80;
	v5 =	vor.u32 $0x300, v10;
	v7 =	vor.u32 $0x280, v10;
	v10 =	vor.u32 $0x380, v10;
	v16 =	vld.idx.msk [tilespmem:v25+s25+$0x0], $0xffff;
	[tilespmem:s0+$0x14800] =	vst v24  }
.LBB2_6:
0x180: {  	v23 =	vld [tilespmem:s15+$0x0];
	[tilespmem:s17+$0x100] =	vst v19;
	s12 =	sadd.s32 $0x40, s12  }
0x181: {  	s14 =	sadd.s32 $0x4, s14;
	s18 =	sand.u32 $0x40, s12;
	[tilespmem:s6+$0x100] =	vst v17;
	v17 =	vld.idx.msk [tilespmem:v22+s25+$0x0], $0xffff  }
0x182: {  	s0 =	sand.u32 $0x780, s12;
	p1 =	slt.u32 s14, $0x7C;
	s19 =	sor.u32 $0x30, s18;
	v19 =	vld.idx.msk [tilespmem:v21+s25+$0x0], $0xffff;
	[tilespmem:s16+$0x100] =	vst v18  }
0x183: {  	s1 =	sor.u32 $0x10, s18;
	s5 =	sor.u32 $0x20, s18;
	v18 =	vor.u32 $0x200, v2;
	s4 =	sor.u32 s19, s0;
	v13 =	vld.idx.msk [tilespmem:v13+s25+$0x0], $0xffff;
	[tilespmem:s11+$0x100] =	vst v20  }
0x184: {  	v21 =	vor.u32 $0x200, v1;
	s8 =	sor.u32 s1, s0;
	s0 =	sor.u32 s5, s0;
	v20 =	vld [tilespmem:s4+$0x0];
	[tilespmem:s22+$0x14800] =	vst v14  }
0x185: {  	v14 =	vld [tilespmem:s8+$0x0];
	[tilespmem:s21+$0x14800] =	vst v15  }
0x186: {  	v15 =	vshll.u32 v23, $0x3;
	v22 =	vld [tilespmem:s0+$0x0];
	[tilespmem:s3+$0x14800] =	vst v16  }
0x187: {  	v16 =	vand.u32 $0x7F, v23;
	v15 =	vand.u32 $0xFFFFFC00, v15;
	v12 =	vld.idx.msk [tilespmem:v12+s25+$0x0], $0xffff;
	[tilespmem:s17+$0x180] =	vst v17;
	v17 =	vor.u32 $0x380, v0;
	v0 =	vmovc v1  }
0x188: {  	p0 =	por !p0, !p0;
	s0 =	simm.s32 $0x1;
	v1 =	vor.u32 v16, v15;
	[tilespmem:s6+$0x180] =	vst v19;
	v15 =	vld.idx.msk [tilespmem:v18+s25+$0x0], $0xffff  }
0x189: {  	s0 =	simm.s32 @!p0 $0x0;
	v16 =	vshll.u32 v20, $0x3;
	v18 =	vld.idx.msk [tilespmem:v21+s25+$0x0], $0xffff;
	[tilespmem:s16+$0x180] =	vst v13  }
0x18a: {  	s0 =	sshll.u32 s0, $0x6;
	v13 =	vand.u32 $0x7F, v20;
	v16 =	vand.u32 $0xFFFFFC00, v16;
	v19 =	vld.idx.msk [tilespmem:v11+s25+$0x0], $0xffff;
	v11 =	vor.u32 $0x280, v2  }
0x18b: {  	s6 =	sadd.s32 s0, s13;
	v20 =	vshll.u32 v14, $0x3;
	v21 =	vshll.u32 v22, $0x3;
	v16 =	vor.u32 v13, v16;
	v23 =	vld.idx.msk [tilespmem:v3+s25+$0x0], $0xffff;
	v3 =	vmovc v10  }
0x18c: {  	s3 =	sadd.s32 $0x10, s6;
	s16 =	sadd.s32 $0x20, s6;
	s4 =	sadd.s32 $0x30, s6;
	v10 =	vand.u32 $0x7F, v14;
	v13 =	vand.u32 $0xFFFFFC00, v20;
	v14 =	vand.u32 $0xFFFFFC00, v21;
	v17 =	vld.idx.msk [tilespmem:v17+s25+$0x0], $0xffff  }
0x18d: {  	s17 =	sor.u32 $0x200, s3;
	s0 =	sor.u32 $0x200, s4;
	v10 =	vor.u32 v10, v13;
	v13 =	vand.u32 $0x7F, v22;
	v21 =	vor.u32 $0x280, v0;
	v20 =	vld.idx.msk [tilespmem:v1+s25+$0x0], $0xffff;
	[tilespmem:s11+$0x180] =	vst v12;
	s11 =	sor.u32 $0x200, s16  }
0x18e: {  	s20 =	sor.u32 $0x200, s6;
	s9 =	sor.u32 $0x280, s3;
	s8 =	sor.u32 $0x280, s16;
	v22 =	vor.u32 $0x80, v10;
	v24 =	vor.u32 $0x100, v10;
	v14 =	vor.u32 v13, v14;
	v25 =	vld.idx.msk [tilespmem:v9+s25+$0x0], $0xffff;
	[tilespmem:s0+$0x14800] =	vst v15  }
0x18f: {  	s22 =	sor.u32 $0x300, s16;
	v13 =	vor.u32 $0x180, v10;
	v15 =	vor.u32 $0x80, v14;
	v26 =	vor.u32 $0x100, v14;
	s0 =	sor.u32 $0x280, s6;
	[tilespmem:s20+$0x14800] =	vst v18;
	s20 =	sor.u32 $0x300, s3;
	v18 =	vld.idx.msk [tilespmem:v11+s25+$0x0], $0xffff  }
0x190: {  	s21 =	sor.u32 $0x300, s6;
	s16 =	sor.u32 $0x380, s16;
	v12 =	vor.u32 $0x180, v14;
	v9 =	vor.u32 $0x200, v14;
	v11 =	vor.u32 $0x200, v10;
	s3 =	sor.u32 $0x380, s3;
	v27 =	vld.idx.msk [tilespmem:v16+s25+$0x0], $0xffff;
	[tilespmem:s17+$0x14800] =	vst v19  }
0x191: {  	v29 =	vor.u32 $0x300, v2;
	s6 =	sor.u32 $0x380, s6;
	v19 =	vor.u32 $0x280, v14;
	v28 =	vld.idx.msk [tilespmem:v8+s25+$0x0], $0xffff;
	v8 =	vor.u32 $0x280, v10;
	[tilespmem:s7+$0x14800] =	vst v23;
	s7 =	smov.u32 s16  }
0x192: {  	s13 =	sadd.s32 $0x200, s13;
	v32 =	vor.u32 $0x80, v16;
	v30 =	vor.u32 $0x300, v10;
	v31 =	vor.u32 $0x300, v14;
	v23 =	vld.idx.msk [tilespmem:v10+s25+$0x0], $0xffff;
	[tilespmem:s10+$0x14800] =	vst v17;
	s10 =	smov.u32 s6  }
0x193: {  	v33 =	vor.u32 $0x380, v10;
	s6 =	sand.u32 $0x3C00, s13;
	v17 =	vor.u32 $0x80, v1;
	v10 =	vor.u32 $0x380, v14;
	v34 =	vld.idx.msk [tilespmem:v14+s25+$0x0], $0xffff  }
0x194: {  	s26 =	sadd.s32 $0x14800, s6;
	v35 =	vld.idx.msk [tilespmem:v21+s25+$0x0], $0xffff;
	[tilespmem:s11+$0x14800] =	vst v25;
	s11 =	sor.u32 $0x280, s4  }
0x195: {  	s6 =	sor.u32 s18, s26;
	s16 =	sor.u32 s1, s26;
	s17 =	sor.u32 s19, s26;
	v14 =	vld.idx.msk [tilespmem:v7+s25+$0x0], $0xffff;
	[tilespmem:s11+$0x14800] =	vst v18;
	v7 =	vmov v19  }
0x196: {  	s11 =	sor.u32 s5, s26;
	[tilespmem:s17+$0x0] =	vst v27;
	v18 =	vld.idx.msk [tilespmem:v29+s25+$0x0], $0xffff  }
0x197: {  	[tilespmem:s6+$0x0] =	vst v20;
	v19 =	vld.idx.msk [tilespmem:v32+s25+$0x0], $0xffff  }
0x198: {  	v20 =	vor.u32 $0x380, v2;
	v2 =	vmov v16;
	v17 =	vld.idx.msk [tilespmem:v17+s25+$0x0], $0xffff;
	[tilespmem:s16+$0x0] =	vst v23  }
0x199: {  	v21 =	vor.u32 $0x100, v2;
	v16 =	vld.idx.msk [tilespmem:v22+s25+$0x0], $0xffff;
	[tilespmem:s11+$0x0] =	vst v34  }
0x19a: {  	v22 =	vor.u32 $0x100, v1;
	v15 =	vld.idx.msk [tilespmem:v15+s25+$0x0], $0xffff;
	[tilespmem:s9+$0x14800] =	vst v28  }
0x19b: {  	s1 =	sor.u32 $0x300, s4;
	v23 =	vld.idx.msk [tilespmem:v6+s25+$0x0], $0xffff;
	[tilespmem:s8+$0x14800] =	vst v14;
	v6 =	vmov v30  }
0x19c: {  	v14 =	vld.idx.msk [tilespmem:v5+s25+$0x0], $0xffff;
	[tilespmem:s1+$0x14800] =	vst v18;
	v5 =	vmov v31  }
0x19d: {  	v25 =	vor.u32 $0x300, v0;
	[tilespmem:s17+$0x80] =	vst v19;
	v27 =	vld.idx.msk [tilespmem:v20+s25+$0x0], $0xffff  }
0x19e: {  	[tilespmem:s6+$0x80] =	vst v17;
	v19 =	vld.idx.msk [tilespmem:v21+s25+$0x0], $0xffff  }
.Ltmp2:
0x19f: {  	v17 =	vld.idx.msk [tilespmem:v22+s25+$0x0], $0xffff;
	[tilespmem:s16+$0x80] =	vst v16;
	(pc) =	sbr.rel @p1 .LBB2_6-.Ltmp2, $4  }
0x1a0: {  	v22 =	vor.u32 $0x180, v2;
	v18 =	vld.idx.msk [tilespmem:v24+s25+$0x0], $0xffff;
	[tilespmem:s11+$0x80] =	vst v15  }
0x1a1: {  	v21 =	vor.u32 $0x180, v1;
	v20 =	vld.idx.msk [tilespmem:v26+s25+$0x0], $0xffff;
	[tilespmem:s0+$0x14800] =	vst v35  }
0x1a2: {  	s0 =	sor.u32 $0x380, s4;
	v15 =	vld.idx.msk [tilespmem:v25+s25+$0x0], $0xffff;
	[tilespmem:s20+$0x14800] =	vst v23  }
0x1a3: {  	s15 =	sadd.s32 $0x40, s15;
	v16 =	vld.idx.msk [tilespmem:v4+s25+$0x0], $0xffff;
	[tilespmem:s0+$0x14800] =	vst v27;
	v4 =	vmov v33  }
0x1a4: {  	_ =	sdelay $0x2  }
0x1a5: {  	[tilespmem:s17+$0x100] =	vst v19  }
0x1a6: {  	[tilespmem:s6+$0x100] =	vst v17;
	v19 =	vld.idx.msk [tilespmem:v22+s25+$0x0], $0xffff  }
0x1a7: {  	v53 =	vor.u32 $0x200, v2;
	[tilespmem:s16+$0x100] =	vst v18;
	v17 =	vld.idx.msk [tilespmem:v21+s25+$0x0], $0xffff  }
0x1a8: {  	v54 =	vor.u32 $0x200, v1;
	v13 =	vld.idx.msk [tilespmem:v13+s25+$0x0], $0xffff;
	[tilespmem:s11+$0x100] =	vst v20  }
0x1a9: {  	v12 =	vld.idx.msk [tilespmem:v12+s25+$0x0], $0xffff;
	_ =	sdelay $0x1  }
0x1aa: {  	p0 =	por !p0, !p0;
	s0 =	simm.s32 $0x1;
	[tilespmem:s17+$0x180] =	vst v19  }
0x1ab: {  	s0 =	simm.s32 @!p0 $0x0;
	[tilespmem:s6+$0x180] =	vst v17;
	v18 =	vld.idx.msk [tilespmem:v53+s25+$0x0], $0xffff  }
0x1ac: {  	v55 =	vor.u32 $0x280, v2;
	s0 =	sshll.u32 s0, $0x6;
	[tilespmem:s16+$0x180] =	vst v13;
	v56 =	vld.idx.msk [tilespmem:v54+s25+$0x0], $0xffff  }
0x1ad: {  	v57 =	vor.u32 $0x280, v1;
	s0 =	sadd.s32 s0, s13;
	v11 =	vld.idx.msk [tilespmem:v11+s25+$0x0], $0xffff;
	[tilespmem:s11+$0x180] =	vst v12  }
0x1ae: {  	s1 =	sadd.s32 $0x30, s0;
	v9 =	vld.idx.msk [tilespmem:v9+s25+$0x0], $0xffff  }
0x1af: {  	s5 =	sor.u32 $0x200, s1  }
0x1b0: {  	s4 =	sadd.s32 $0x10, s0;
	s14 =	sor.u32 $0x200, s0;
	[tilespmem:s5+$0x14800] =	vst v18  }
0x1b1: {  	s12 =	sadd.s32 $0x20, s0;
	s8 =	sor.u32 $0x200, s4;
	[tilespmem:s14+$0x14800] =	vst v56;
	v13 =	vld.idx.msk [tilespmem:v55+s25+$0x0], $0xffff  }
0x1b2: {  	v58 =	vor.u32 $0x300, v2;
	s13 =	sor.u32 $0x200, s12;
	[tilespmem:s8+$0x14800] =	vst v11;
	v59 =	vld.idx.msk [tilespmem:v57+s25+$0x0], $0xffff  }
0x1b3: {  	v60 =	vor.u32 $0x300, v1;
	v8 =	vld.idx.msk [tilespmem:v8+s25+$0x0], $0xffff;
	[tilespmem:s13+$0x14800] =	vst v9  }
0x1b4: {  	v7 =	vld.idx.msk [tilespmem:v7+s25+$0x0], $0xffff  }
0x1b5: {  	[tilespmem:s22+$0x14800] =	vst v14;
	s15 =	sor.u32 $0x280, s1  }
0x1b6: {  	s18 =	sor.u32 $0x280, s0;
	[tilespmem:s15+$0x14800] =	vst v13  }
0x1b7: {  	v0 =	vor.u32 $0x380, v0;
	s16 =	sor.u32 $0x280, s4;
	[tilespmem:s18+$0x14800] =	vst v59;
	v11 =	vld.idx.msk [tilespmem:v58+s25+$0x0], $0xffff  }
0x1b8: {  	v61 =	vor.u32 $0x380, v2;
	s17 =	sor.u32 $0x280, s12;
	[tilespmem:s16+$0x14800] =	vst v8;
	v62 =	vld.idx.msk [tilespmem:v60+s25+$0x0], $0xffff  }
0x1b9: {  	v63 =	vor.u32 $0x380, v1;
	v6 =	vld.idx.msk [tilespmem:v6+s25+$0x0], $0xffff;
	[tilespmem:s17+$0x14800] =	vst v7  }
0x1ba: {  	[tilespmem:s21+$0x14800] =	vst v15;
	v5 =	vld.idx.msk [tilespmem:v5+s25+$0x0], $0xffff  }
0x1bb: {  	v3 =	vld.idx.msk [tilespmem:v3+s25+$0x0], $0xffff;
	[tilespmem:s3+$0x14800] =	vst v16;
	s19 =	sor.u32 $0x300, s1  }
0x1bc: {  	s22 =	sor.u32 $0x300, s0;
	v0 =	vld.idx.msk [tilespmem:v0+s25+$0x0], $0xffff;
	[tilespmem:s19+$0x14800] =	vst v11  }
0x1bd: {  	s20 =	sor.u32 $0x300, s4;
	[tilespmem:s22+$0x14800] =	vst v62;
	v2 =	vld.idx.msk [tilespmem:v61+s25+$0x0], $0xffff  }
0x1be: {  	s21 =	sor.u32 $0x300, s12;
	[tilespmem:s20+$0x14800] =	vst v6;
	v1 =	vld.idx.msk [tilespmem:v63+s25+$0x0], $0xffff  }
0x1bf: {  	v4 =	vld.idx.msk [tilespmem:v4+s25+$0x0], $0xffff;
	[tilespmem:s21+$0x14800] =	vst v5  }
0x1c0: {  	[tilespmem:s7+$0x14800] =	vst v3;
	v5 =	vld.idx.msk [tilespmem:v10+s25+$0x0], $0xffff  }
0x1c1: {  	s1 =	sor.u32 $0x380, s1;
	[tilespmem:s10+$0x14800] =	vst v0  }
0x1c2: {  	s0 =	sor.u32 $0x380, s0;
	[tilespmem:s1+$0x14800] =	vst v2  }
0x1c3: {  	s26 =	sor.u32 $0x380, s4;
	[tilespmem:s0+$0x14800] =	vst v1  }
0x1c4: {  	s28 =	sor.u32 $0x380, s12;
	[tilespmem:s26+$0x14800] =	vst v4  }
0x1c5: {  	[tilespmem:s28+$0x14800] =	vst v5  }
0x1c6: {  	s2 =	simm.s32 $0x0;
	s29 =	simm.s32 $0x14800;
	s0 =	rddreg [dreg:$0xc]  }
0x1c7: {  	[hbm4b:s0+s2] =	stream.linear.scatter [tilespmem:s29], [sflag:$0x6], $0x4000, $0x38;
	[tilespmem:$0x18800] =	vst v63  }
0x1c8: {  	s13 =	simm.s32 $0x0;
	s30 =	rddreg [dreg:$0xd]  }
0x1c9: {  	[tilespmem:s25], [sflag:$0x3] =	stream.linear.gather [hbm4b:s30+s2], $0x4000, $0x38;
	[tilespmem:$0x18800] =	vst v63  }
.LBB2_8:
0x1ca: {  	s0 =	simm.s32 $0x1  }
0x1cb: {  	_ =	swait.ge [sflag:s0], $0x4000  }
0x1cc: {  	[sflag:s0] =	ssyncset.done $0x0  }
0x1cd: {  	s2 =	simm.s32 $0x4;
	s7 =	simm.s32 $0x0;
	[sflag:s0] =	ssyncadd.s32 $0xFFFFC000  }
0x1ce: {  	s11 =	sand.u32 $0x40, s7;
	_ =	swait.ge [sflag:s2], $0x4000  }
0x1cf: {  	s1 =	sand.u32 $0x780, s7;
	s3 =	sor.u32 $0x30, s11;
	[sflag:s2] =	ssyncset.done $0x0  }
0x1d0: {  	s4 =	sor.u32 s3, s1;
	[sflag:s2] =	ssyncadd.s32 $0xFFFFC000  }
0x1d1: {  	v0 =	vld [tilespmem:s4+$0x0]  }
0x1d2: {  	s12 =	sor.u32 $0x10, s11;
	v1 =	vld [tilespmem:s7+$0x0]  }
0x1d3: {  	s5 =	sor.u32 $0x20, s11;
	s6 =	sor.u32 s12, s1  }
0x1d4: {  	s1 =	sor.u32 s5, s1;
	v2 =	vld [tilespmem:s6+$0x0]  }
0x1d5: {  	v3 =	vld [tilespmem:s1+$0x0]  }
0x1d6: {  	v4 =	vshll.u32 v0, $0x3  }
0x1d7: {  	v5 =	vshll.u32 v1, $0x3;
	v0 =	vand.u32 $0x7F, v0;
	v4 =	vand.u32 $0xFFFFFC00, v4  }
0x1d8: {  	v1 =	vand.u32 $0x7F, v1;
	v6 =	vand.u32 $0xFFFFFC00, v5;
	v5 =	vor.u32 v0, v4  }
0x1d9: {  	v0 =	vor.u32 v1, v6;
	v1 =	vshll.u32 v2, $0x3  }
0x1da: {  	v4 =	vshll.u32 v3, $0x3;
	v2 =	vand.u32 $0x7F, v2;
	v1 =	vand.u32 $0xFFFFFC00, v1  }
0x1db: {  	v6 =	vand.u32 $0xFFFFFC00, v4;
	v4 =	vor.u32 v2, v1;
	v1 =	vand.u32 $0x7F, v3  }
0x1dc: {  	v3 =	vor.u32 v1, v6  }
0x1dd: {  	v1 =	vld.idx.msk [tilespmem:v5+s23+$0x0], $0xffff  }
0x1de: {  	v6 =	vor.u32 $0x80, v5;
	v2 =	vld.idx.msk [tilespmem:v0+s23+$0x0], $0xffff  }
0x1df: {  	s14 =	sand.u32 $0x3C00, s7;
	v7 =	vor.u32 $0x80, v0  }
0x1e0: {  	s1 =	sadd.s32 $0xC800, s14;
	v8 =	vld.idx.msk [tilespmem:v4+s23+$0x0], $0xffff  }
0x1e1: {  	s8 =	sor.u32 s3, s1;
	v9 =	vor.u32 $0x80, v4;
	v10 =	vld.idx.msk [tilespmem:v3+s23+$0x0], $0xffff  }
0x1e2: {  	s0 =	sor.u32 s11, s1;
	v11 =	vor.u32 $0x80, v3;
	[tilespmem:s8+$0x0] =	vst v1  }
0x1e3: {  	[tilespmem:s0+$0x0] =	vst v2;
	v1 =	vld.idx.msk [tilespmem:v6+s23+$0x0], $0xffff  }
0x1e4: {  	s9 =	sor.u32 s12, s1;
	v2 =	vld.idx.msk [tilespmem:v7+s23+$0x0], $0xffff;
	v6 =	vor.u32 $0x100, v5  }
0x1e5: {  	s15 =	sor.u32 s5, s1;
	v7 =	vor.u32 $0x100, v0;
	[tilespmem:s9+$0x0] =	vst v8  }
0x1e6: {  	v8 =	vld.idx.msk [tilespmem:v9+s23+$0x0], $0xffff;
	[tilespmem:s15+$0x0] =	vst v10  }
0x1e7: {  	v9 =	vor.u32 $0x100, v4;
	v10 =	vld.idx.msk [tilespmem:v11+s23+$0x0], $0xffff  }
0x1e8: {  	v11 =	vor.u32 $0x100, v3;
	[tilespmem:s8+$0x80] =	vst v1  }
0x1e9: {  	[tilespmem:s0+$0x80] =	vst v2;
	v1 =	vld.idx.msk [tilespmem:v6+s23+$0x0], $0xffff  }
0x1ea: {  	v2 =	vld.idx.msk [tilespmem:v7+s23+$0x0], $0xffff;
	v6 =	vor.u32 $0x180, v5  }
0x1eb: {  	v7 =	vor.u32 $0x180, v0;
	[tilespmem:s9+$0x80] =	vst v8  }
0x1ec: {  	v8 =	vld.idx.msk [tilespmem:v9+s23+$0x0], $0xffff;
	[tilespmem:s15+$0x80] =	vst v10  }
0x1ed: {  	s14 =	simm.s32 $0x40;
	v9 =	vor.u32 $0x180, v4;
	v10 =	vld.idx.msk [tilespmem:v11+s23+$0x0], $0xffff  }
0x1ee: {  	s16 =	sand.u32 $0x40, s14;
	v11 =	vld [tilespmem:s14+$0x0];
	[tilespmem:s8+$0x100] =	vst v1  }
0x1ef: {  	s20 =	sand.u32 $0x780, s14;
	s21 =	sor.u32 $0x30, s16;
	[tilespmem:s0+$0x100] =	vst v2;
	v1 =	vld.idx.msk [tilespmem:v6+s23+$0x0], $0xffff  }
0x1f0: {  	s22 =	sor.u32 s21, s20;
	v2 =	vor.u32 $0x180, v3;
	v6 =	vld.idx.msk [tilespmem:v7+s23+$0x0], $0xffff  }
0x1f1: {  	s26 =	sor.u32 $0x10, s16;
	v7 =	vor.u32 $0x200, v5;
	[tilespmem:s9+$0x100] =	vst v8;
	v8 =	vld [tilespmem:s22+$0x0]  }
0x1f2: {  	s28 =	sor.u32 $0x20, s16;
	s10 =	sor.u32 s26, s20;
	v9 =	vld.idx.msk [tilespmem:v9+s23+$0x0], $0xffff  }
0x1f3: {  	s1 =	sor.u32 s28, s20;
	v13 =	vld [tilespmem:s10+$0x0];
	v12 =	vor.u32 $0x200, v4;
	v14 =	vshll.u32 v11, $0x3  }
0x1f4: {  	v15 =	vld [tilespmem:s1+$0x0];
	[tilespmem:s15+$0x100] =	vst v10;
	v10 =	vor.u32 $0x200, v0;
	v11 =	vand.u32 $0x7F, v11;
	v14 =	vand.u32 $0xFFFFFC00, v14  }
0x1f5: {  	p0 =	por $0x0, $0x0;
	s1 =	simm.s32 $0x1;
	v16 =	vld.idx.msk [tilespmem:v2+s23+$0x0], $0xffff;
	[tilespmem:s8+$0x180] =	vst v1;
	v1 =	vor.u32 v11, v14  }
0x1f6: {  	s1 =	simm.s32 @!p0 $0x0;
	v11 =	vor.u32 $0x200, v3;
	v7 =	vld.idx.msk [tilespmem:v7+s23+$0x0], $0xffff;
	v2 =	vshll.u32 v8, $0x3  }
0x1f7: {  	s1 =	sshll.u32 s1, $0x6;
	v8 =	vand.u32 $0x7F, v8;
	[tilespmem:s9+$0x180] =	vst v9;
	v2 =	vand.u32 $0xFFFFFC00, v2;
	v9 =	vor.u32 $0x280, v5  }
0x1f8: {  	s1 =	sadd.s32 $0x0, s1;
	v14 =	vor.u32 $0x280, v4;
	[tilespmem:s0+$0x180] =	vst v6;
	v6 =	vld.idx.msk [tilespmem:v12+s23+$0x0], $0xffff;
	v12 =	vshll.u32 v13, $0x3;
	v2 =	vor.u32 v8, v2  }
0x1f9: {  	s0 =	sadd.s32 $0x30, s1;
	v8 =	vld.idx.msk [tilespmem:v10+s23+$0x0], $0xffff;
	v10 =	vshll.u32 v15, $0x3;
	v13 =	vand.u32 $0x7F, v13;
	v12 =	vand.u32 $0xFFFFFC00, v12  }
0x1fa: {  	s30 =	sor.u32 $0x200, s0;
	v10 =	vand.u32 $0xFFFFFC00, v10;
	[tilespmem:s15+$0x180] =	vst v16;
	v17 =	vld.idx.msk [tilespmem:v1+s23+$0x0], $0xffff;
	v21 =	vor.u32 v13, v12;
	v12 =	vand.u32 $0x7F, v15  }
0x1fb: {  	s2 =	sadd.s32 $0x10, s1;
	v11 =	vld.idx.msk [tilespmem:v11+s23+$0x0], $0xffff;
	v10 =	vor.u32 v12, v10;
	[tilespmem:s30+$0xC800] =	vst v7  }
0x1fc: {  	s11 =	sor.u32 $0x200, s2;
	v7 =	vor.u32 $0x280, v0;
	v9 =	vld.idx.msk [tilespmem:v9+s23+$0x0], $0xffff  }
0x1fd: {  	s17 =	sor.u32 $0x200, s1;
	s15 =	simm.s32 $0x200;
	v12 =	vor.u32 $0x280, v3;
	v13 =	vld.idx.msk [tilespmem:v2+s23+$0x0], $0xffff;
	[tilespmem:s11+$0xC800] =	vst v6  }
0x1fe: {  	s12 =	sadd.s32 $0x20, s1;
	s19 =	sand.u32 $0x3C00, s15;
	[tilespmem:s17+$0xC800] =	vst v8;
	v8 =	vor.u32 $0x80, v1;
	v6 =	vld.idx.msk [tilespmem:v14+s23+$0x0], $0xffff  }
0x1ff: {  	s18 =	sor.u32 $0x200, s12;
	s9 =	sadd.s32 $0xC800, s19;
	v14 =	vor.u32 $0x300, v5;
	v15 =	vld.idx.msk [tilespmem:v21+s23+$0x0], $0xffff  }
0x200: {  	v16 =	vor.u32 $0x80, v2;
	s6 =	sor.u32 s16, s9;
	[tilespmem:s18+$0xC800] =	vst v11;
	v18 =	vld.idx.msk [tilespmem:v10+s23+$0x0], $0xffff  }
0x201: {  	s20 =	sor.u32 $0x280, s0;
	v19 =	vor.u32 $0x80, v21;
	[tilespmem:s6+$0x0] =	vst v17;
	v22 =	vld.idx.msk [tilespmem:v7+s23+$0x0], $0xffff  }
0x202: {  	s17 =	sor.u32 s21, s9;
	v7 =	vor.u32 $0x80, v10;
	v11 =	vld.idx.msk [tilespmem:v12+s23+$0x0], $0xffff;
	[tilespmem:s20+$0xC800] =	vst v9  }
0x203: {  	s21 =	sor.u32 $0x280, s2;
	v9 =	vor.u32 $0x300, v4;
	[tilespmem:s17+$0x0] =	vst v13;
	v8 =	vld.idx.msk [tilespmem:v8+s23+$0x0], $0xffff  }
0x204: {  	s16 =	sor.u32 s26, s9;
	v13 =	vor.u32 $0x300, v3;
	v12 =	vld.idx.msk [tilespmem:v14+s23+$0x0], $0xffff;
	[tilespmem:s21+$0xC800] =	vst v6  }
0x205: {  	s11 =	sor.u32 s28, s9;
	v5 =	vor.u32 $0x380, v5;
	v16 =	vld.idx.msk [tilespmem:v16+s23+$0x0], $0xffff;
	[tilespmem:s16+$0x0] =	vst v15  }
0x206: {  	s22 =	sor.u32 $0x280, s12;
	v17 =	vor.u32 $0x100, v2;
	v15 =	vld.idx.msk [tilespmem:v19+s23+$0x0], $0xffff;
	[tilespmem:s11+$0x0] =	vst v18  }
0x207: {  	s28 =	sor.u32 $0x280, s1;
	v18 =	vor.u32 $0x100, v1;
	[tilespmem:s22+$0xC800] =	vst v11;
	v7 =	vld.idx.msk [tilespmem:v7+s23+$0x0], $0xffff  }
0x208: {  	s26 =	sor.u32 $0x300, s0;
	v6 =	vor.u32 $0x100, v21;
	[tilespmem:s28+$0xC800] =	vst v22;
	v23 =	vld.idx.msk [tilespmem:v9+s23+$0x0], $0xffff  }
0x209: {  	v20 =	vor.u32 $0x100, v10;
	v14 =	vld.idx.msk [tilespmem:v13+s23+$0x0], $0xffff;
	[tilespmem:s26+$0xC800] =	vst v12  }
0x20a: {  	[tilespmem:s17+$0x80] =	vst v16;
	v16 =	vor.u32 $0x300, v0;
	v24 =	vld.idx.msk [tilespmem:v5+s23+$0x0], $0xffff  }
0x20b: {  	v25 =	vor.u32 $0x380, v4;
	[tilespmem:s6+$0x80] =	vst v8;
	v19 =	vld.idx.msk [tilespmem:v17+s23+$0x0], $0xffff  }
0x20c: {  	v4 =	vor.u32 $0x380, v21;
	v17 =	vld.idx.msk [tilespmem:v18+s23+$0x0], $0xffff;
	[tilespmem:s16+$0x80] =	vst v15  }
0x20d: {  	v11 =	vor.u32 $0x200, v21;
	v22 =	vor.u32 $0x180, v2;
	v13 =	vor.u32 $0x180, v21;
	v18 =	vld.idx.msk [tilespmem:v6+s23+$0x0], $0xffff;
	[tilespmem:s11+$0x80] =	vst v7  }
0x20e: {  	s10 =	sor.u32 $0x380, s1;
	s29 =	sor.u32 $0x300, s12;
	s30 =	sor.u32 $0x300, s2;
	v8 =	vor.u32 $0x280, v21;
	v6 =	vor.u32 $0x300, v21;
	v21 =	vor.u32 $0x180, v1;
	v20 =	vld.idx.msk [tilespmem:v20+s23+$0x0], $0xffff  }
0x20f: {  	s3 =	sor.u32 $0x380, s2;
	s7 =	sor.u32 $0x380, s12;
	s0 =	sor.u32 $0x380, s0;
	v3 =	vor.u32 $0x380, v3;
	v9 =	vor.u32 $0x200, v10;
	v12 =	vor.u32 $0x180, v10;
	[tilespmem:s30+$0xC800] =	vst v23;
	v15 =	vld.idx.msk [tilespmem:v16+s23+$0x0], $0xffff  }
0x210: {  	s21 =	simm.s32 $0x4;
	s22 =	simm.s32 $0x80;
	s26 =	sor.u32 $0x300, s1;
	v5 =	vor.u32 $0x300, v10;
	v7 =	vor.u32 $0x280, v10;
	v10 =	vor.u32 $0x380, v10;
	v16 =	vld.idx.msk [tilespmem:v25+s23+$0x0], $0xffff;
	[tilespmem:s0+$0xC800] =	vst v24  }
.LBB2_9:
0x211: {  	v23 =	vld [tilespmem:s22+$0x0];
	[tilespmem:s17+$0x100] =	vst v19;
	s14 =	sadd.s32 $0x40, s14  }
0x212: {  	s21 =	sadd.s32 $0x4, s21;
	s18 =	sand.u32 $0x40, s14;
	[tilespmem:s6+$0x100] =	vst v17;
	v17 =	vld.idx.msk [tilespmem:v22+s23+$0x0], $0xffff  }
0x213: {  	s0 =	sand.u32 $0x780, s14;
	p1 =	slt.u32 s21, $0x7C;
	s19 =	sor.u32 $0x30, s18;
	v19 =	vld.idx.msk [tilespmem:v21+s23+$0x0], $0xffff;
	[tilespmem:s16+$0x100] =	vst v18  }
0x214: {  	s1 =	sor.u32 $0x10, s18;
	s5 =	sor.u32 $0x20, s18;
	v18 =	vor.u32 $0x200, v2;
	s4 =	sor.u32 s19, s0;
	v13 =	vld.idx.msk [tilespmem:v13+s23+$0x0], $0xffff;
	[tilespmem:s11+$0x100] =	vst v20  }
0x215: {  	v21 =	vor.u32 $0x200, v1;
	s8 =	sor.u32 s1, s0;
	s0 =	sor.u32 s5, s0;
	v20 =	vld [tilespmem:s4+$0x0];
	[tilespmem:s29+$0xC800] =	vst v14  }
0x216: {  	v14 =	vld [tilespmem:s8+$0x0];
	[tilespmem:s26+$0xC800] =	vst v15  }
0x217: {  	v15 =	vshll.u32 v23, $0x3;
	v22 =	vld [tilespmem:s0+$0x0];
	[tilespmem:s3+$0xC800] =	vst v16  }
0x218: {  	v16 =	vand.u32 $0x7F, v23;
	v15 =	vand.u32 $0xFFFFFC00, v15;
	v12 =	vld.idx.msk [tilespmem:v12+s23+$0x0], $0xffff;
	[tilespmem:s17+$0x180] =	vst v17;
	v17 =	vor.u32 $0x380, v0;
	v0 =	vmovc v1  }
0x219: {  	p0 =	por !p0, !p0;
	s0 =	simm.s32 $0x1;
	v1 =	vor.u32 v16, v15;
	[tilespmem:s6+$0x180] =	vst v19;
	v15 =	vld.idx.msk [tilespmem:v18+s23+$0x0], $0xffff  }
0x21a: {  	s0 =	simm.s32 @!p0 $0x0;
	v16 =	vshll.u32 v20, $0x3;
	v18 =	vld.idx.msk [tilespmem:v21+s23+$0x0], $0xffff;
	[tilespmem:s16+$0x180] =	vst v13  }
0x21b: {  	s0 =	sshll.u32 s0, $0x6;
	v13 =	vand.u32 $0x7F, v20;
	v16 =	vand.u32 $0xFFFFFC00, v16;
	v19 =	vld.idx.msk [tilespmem:v11+s23+$0x0], $0xffff;
	v11 =	vor.u32 $0x280, v2  }
0x21c: {  	s6 =	sadd.s32 s0, s15;
	v20 =	vshll.u32 v14, $0x3;
	v21 =	vshll.u32 v22, $0x3;
	v16 =	vor.u32 v13, v16;
	v23 =	vld.idx.msk [tilespmem:v3+s23+$0x0], $0xffff;
	v3 =	vmovc v10  }
0x21d: {  	s3 =	sadd.s32 $0x10, s6;
	s16 =	sadd.s32 $0x20, s6;
	s4 =	sadd.s32 $0x30, s6;
	v10 =	vand.u32 $0x7F, v14;
	v13 =	vand.u32 $0xFFFFFC00, v20;
	v14 =	vand.u32 $0xFFFFFC00, v21;
	v17 =	vld.idx.msk [tilespmem:v17+s23+$0x0], $0xffff  }
0x21e: {  	s17 =	sor.u32 $0x200, s3;
	s0 =	sor.u32 $0x200, s4;
	v10 =	vor.u32 v10, v13;
	v13 =	vand.u32 $0x7F, v22;
	v21 =	vor.u32 $0x280, v0;
	v20 =	vld.idx.msk [tilespmem:v1+s23+$0x0], $0xffff;
	[tilespmem:s11+$0x180] =	vst v12;
	s11 =	sor.u32 $0x200, s16  }
0x21f: {  	s20 =	sor.u32 $0x200, s6;
	s9 =	sor.u32 $0x280, s3;
	s8 =	sor.u32 $0x280, s16;
	v22 =	vor.u32 $0x80, v10;
	v24 =	vor.u32 $0x100, v10;
	v14 =	vor.u32 v13, v14;
	v25 =	vld.idx.msk [tilespmem:v9+s23+$0x0], $0xffff;
	[tilespmem:s0+$0xC800] =	vst v15  }
0x220: {  	s29 =	sor.u32 $0x300, s16;
	v13 =	vor.u32 $0x180, v10;
	v15 =	vor.u32 $0x80, v14;
	v26 =	vor.u32 $0x100, v14;
	s0 =	sor.u32 $0x280, s6;
	[tilespmem:s20+$0xC800] =	vst v18;
	s20 =	sor.u32 $0x300, s3;
	v18 =	vld.idx.msk [tilespmem:v11+s23+$0x0], $0xffff  }
0x221: {  	s26 =	sor.u32 $0x300, s6;
	s16 =	sor.u32 $0x380, s16;
	v12 =	vor.u32 $0x180, v14;
	v9 =	vor.u32 $0x200, v14;
	v11 =	vor.u32 $0x200, v10;
	s3 =	sor.u32 $0x380, s3;
	v27 =	vld.idx.msk [tilespmem:v16+s23+$0x0], $0xffff;
	[tilespmem:s17+$0xC800] =	vst v19  }
0x222: {  	v29 =	vor.u32 $0x300, v2;
	s6 =	sor.u32 $0x380, s6;
	v19 =	vor.u32 $0x280, v14;
	v28 =	vld.idx.msk [tilespmem:v8+s23+$0x0], $0xffff;
	v8 =	vor.u32 $0x280, v10;
	[tilespmem:s7+$0xC800] =	vst v23;
	s7 =	smov.u32 s16  }
0x223: {  	s15 =	sadd.s32 $0x200, s15;
	v32 =	vor.u32 $0x80, v16;
	v30 =	vor.u32 $0x300, v10;
	v31 =	vor.u32 $0x300, v14;
	v23 =	vld.idx.msk [tilespmem:v10+s23+$0x0], $0xffff;
	[tilespmem:s10+$0xC800] =	vst v17;
	s10 =	smov.u32 s6  }
0x224: {  	v33 =	vor.u32 $0x380, v10;
	s6 =	sand.u32 $0x3C00, s15;
	v17 =	vor.u32 $0x80, v1;
	v10 =	vor.u32 $0x380, v14;
	v34 =	vld.idx.msk [tilespmem:v14+s23+$0x0], $0xffff  }
0x225: {  	s28 =	sadd.s32 $0xC800, s6;
	v35 =	vld.idx.msk [tilespmem:v21+s23+$0x0], $0xffff;
	[tilespmem:s11+$0xC800] =	vst v25;
	s11 =	sor.u32 $0x280, s4  }
0x226: {  	s6 =	sor.u32 s18, s28;
	s16 =	sor.u32 s1, s28;
	s17 =	sor.u32 s19, s28;
	v14 =	vld.idx.msk [tilespmem:v7+s23+$0x0], $0xffff;
	[tilespmem:s11+$0xC800] =	vst v18;
	v7 =	vmov v19  }
0x227: {  	s11 =	sor.u32 s5, s28;
	[tilespmem:s17+$0x0] =	vst v27;
	v18 =	vld.idx.msk [tilespmem:v29+s23+$0x0], $0xffff  }
0x228: {  	[tilespmem:s6+$0x0] =	vst v20;
	v19 =	vld.idx.msk [tilespmem:v32+s23+$0x0], $0xffff  }
0x229: {  	v20 =	vor.u32 $0x380, v2;
	v2 =	vmov v16;
	v17 =	vld.idx.msk [tilespmem:v17+s23+$0x0], $0xffff;
	[tilespmem:s16+$0x0] =	vst v23  }
0x22a: {  	v21 =	vor.u32 $0x100, v2;
	v16 =	vld.idx.msk [tilespmem:v22+s23+$0x0], $0xffff;
	[tilespmem:s11+$0x0] =	vst v34  }
0x22b: {  	v22 =	vor.u32 $0x100, v1;
	v15 =	vld.idx.msk [tilespmem:v15+s23+$0x0], $0xffff;
	[tilespmem:s9+$0xC800] =	vst v28  }
0x22c: {  	s1 =	sor.u32 $0x300, s4;
	v23 =	vld.idx.msk [tilespmem:v6+s23+$0x0], $0xffff;
	[tilespmem:s8+$0xC800] =	vst v14;
	v6 =	vmov v30  }
0x22d: {  	v14 =	vld.idx.msk [tilespmem:v5+s23+$0x0], $0xffff;
	[tilespmem:s1+$0xC800] =	vst v18;
	v5 =	vmov v31  }
0x22e: {  	v25 =	vor.u32 $0x300, v0;
	[tilespmem:s17+$0x80] =	vst v19;
	v27 =	vld.idx.msk [tilespmem:v20+s23+$0x0], $0xffff  }
0x22f: {  	[tilespmem:s6+$0x80] =	vst v17;
	v19 =	vld.idx.msk [tilespmem:v21+s23+$0x0], $0xffff  }
.Ltmp3:
0x230: {  	v17 =	vld.idx.msk [tilespmem:v22+s23+$0x0], $0xffff;
	[tilespmem:s16+$0x80] =	vst v16;
	(pc) =	sbr.rel @p1 .LBB2_9-.Ltmp3, $4  }
0x231: {  	v22 =	vor.u32 $0x180, v2;
	v18 =	vld.idx.msk [tilespmem:v24+s23+$0x0], $0xffff;
	[tilespmem:s11+$0x80] =	vst v15  }
0x232: {  	v21 =	vor.u32 $0x180, v1;
	v20 =	vld.idx.msk [tilespmem:v26+s23+$0x0], $0xffff;
	[tilespmem:s0+$0xC800] =	vst v35  }
0x233: {  	s0 =	sor.u32 $0x380, s4;
	v15 =	vld.idx.msk [tilespmem:v25+s23+$0x0], $0xffff;
	[tilespmem:s20+$0xC800] =	vst v23  }
0x234: {  	s22 =	sadd.s32 $0x40, s22;
	v16 =	vld.idx.msk [tilespmem:v4+s23+$0x0], $0xffff;
	[tilespmem:s0+$0xC800] =	vst v27;
	v4 =	vmov v33  }
0x235: {  	_ =	sdelay $0x2  }
0x236: {  	[tilespmem:s17+$0x100] =	vst v19  }
0x237: {  	v19 =	vld.idx.msk [tilespmem:v22+s23+$0x0], $0xffff;
	[tilespmem:s16+$0x100] =	vst v18  }
0x238: {  	v18 =	vor.u32 $0x200, v2;
	v13 =	vld.idx.msk [tilespmem:v13+s23+$0x0], $0xffff  }
0x239: {  	[tilespmem:s11+$0x100] =	vst v20  }
0x23a: {  	[tilespmem:s6+$0x100] =	vst v17;
	v12 =	vld.idx.msk [tilespmem:v12+s23+$0x0], $0xffff  }
0x23b: {  	v17 =	vld.idx.msk [tilespmem:v21+s23+$0x0], $0xffff  }
0x23c: {  	p0 =	por !p0, !p0;
	s0 =	simm.s32 $0x1;
	v20 =	vor.u32 $0x200, v1;
	[tilespmem:s17+$0x180] =	vst v19  }
0x23d: {  	s0 =	simm.s32 @!p0 $0x0;
	v18 =	vld.idx.msk [tilespmem:v18+s23+$0x0], $0xffff;
	[tilespmem:s16+$0x180] =	vst v13  }
0x23e: {  	s0 =	sshll.u32 s0, $0x6;
	v13 =	vor.u32 $0x280, v2;
	v11 =	vld.idx.msk [tilespmem:v11+s23+$0x0], $0xffff  }
0x23f: {  	s0 =	sadd.s32 s0, s15;
	[tilespmem:s11+$0x180] =	vst v12  }
0x240: {  	s1 =	sadd.s32 $0x30, s0;
	[tilespmem:s6+$0x180] =	vst v17;
	v9 =	vld.idx.msk [tilespmem:v9+s23+$0x0], $0xffff  }
0x241: {  	s4 =	sadd.s32 $0x10, s0;
	s5 =	sor.u32 $0x200, s1;
	v12 =	vld.idx.msk [tilespmem:v20+s23+$0x0], $0xffff  }
0x242: {  	s8 =	sor.u32 $0x200, s4;
	v17 =	vor.u32 $0x280, v1;
	[tilespmem:s5+$0xC800] =	vst v18  }
0x243: {  	s12 =	sadd.s32 $0x20, s0;
	v13 =	vld.idx.msk [tilespmem:v13+s23+$0x0], $0xffff;
	[tilespmem:s8+$0xC800] =	vst v11  }
0x244: {  	s14 =	sor.u32 $0x200, s12;
	v11 =	vor.u32 $0x300, v2;
	v8 =	vld.idx.msk [tilespmem:v8+s23+$0x0], $0xffff  }
0x245: {  	s15 =	sor.u32 $0x200, s0;
	[tilespmem:s14+$0xC800] =	vst v9  }
0x246: {  	[tilespmem:s15+$0xC800] =	vst v12;
	v7 =	vld.idx.msk [tilespmem:v7+s23+$0x0], $0xffff  }
0x247: {  	[tilespmem:s29+$0xC800] =	vst v14;
	s16 =	sor.u32 $0x280, s1;
	v9 =	vld.idx.msk [tilespmem:v17+s23+$0x0], $0xffff  }
0x248: {  	s17 =	sor.u32 $0x280, s4;
	v12 =	vor.u32 $0x300, v1;
	[tilespmem:s16+$0xC800] =	vst v13  }
0x249: {  	v0 =	vor.u32 $0x380, v0;
	v11 =	vld.idx.msk [tilespmem:v11+s23+$0x0], $0xffff;
	[tilespmem:s17+$0xC800] =	vst v8  }
0x24a: {  	[tilespmem:s26+$0xC800] =	vst v15;
	s18 =	sor.u32 $0x280, s12;
	v2 =	vor.u32 $0x380, v2;
	v6 =	vld.idx.msk [tilespmem:v6+s23+$0x0], $0xffff  }
0x24b: {  	v3 =	vld.idx.msk [tilespmem:v3+s23+$0x0], $0xffff;
	s19 =	sor.u32 $0x280, s0;
	[tilespmem:s18+$0xC800] =	vst v7  }
0x24c: {  	[tilespmem:s19+$0xC800] =	vst v9;
	v5 =	vld.idx.msk [tilespmem:v5+s23+$0x0], $0xffff  }
0x24d: {  	[tilespmem:s3+$0xC800] =	vst v16;
	s20 =	sor.u32 $0x300, s1;
	v7 =	vld.idx.msk [tilespmem:v12+s23+$0x0], $0xffff  }
0x24e: {  	v0 =	vld.idx.msk [tilespmem:v0+s23+$0x0], $0xffff;
	s21 =	sor.u32 $0x300, s4;
	v1 =	vor.u32 $0x380, v1;
	[tilespmem:s20+$0xC800] =	vst v11  }
0x24f: {  	v2 =	vld.idx.msk [tilespmem:v2+s23+$0x0], $0xffff;
	[tilespmem:s21+$0xC800] =	vst v6  }
0x250: {  	s22 =	sor.u32 $0x300, s12;
	[tilespmem:s7+$0xC800] =	vst v3;
	v4 =	vld.idx.msk [tilespmem:v4+s23+$0x0], $0xffff  }
0x251: {  	s26 =	sor.u32 $0x300, s0;
	[tilespmem:s22+$0xC800] =	vst v5  }
0x252: {  	[tilespmem:s26+$0xC800] =	vst v7;
	v5 =	vld.idx.msk [tilespmem:v10+s23+$0x0], $0xffff  }
0x253: {  	s1 =	sor.u32 $0x380, s1;
	[tilespmem:s10+$0xC800] =	vst v0;
	v1 =	vld.idx.msk [tilespmem:v1+s23+$0x0], $0xffff  }
0x254: {  	s28 =	sor.u32 $0x380, s4;
	s21 =	sadd.s32 $0x1, s13;
	[tilespmem:s1+$0xC800] =	vst v2  }
0x255: {  	s14 =	smul.u32 $0x18, s21;
	[tilespmem:s28+$0xC800] =	vst v4  }
0x256: {  	s30 =	sor.u32 $0x380, s12;
	s2 =	rddreg [dreg:$0x4]  }
0x257: {  	s0 =	sor.u32 $0x380, s0;
	s6 =	simm.s32 $0x0;
	[tilespmem:s30+$0xC800] =	vst v5;
	s2 =	sadd.s32 s2, s14  }
0x258: {  	s5 =	rddreg [dreg:$0x2];
	s8 =	simm.s32 $0xC800;
	[tilespmem:s0+$0xC800] =	vst v1;
	s4 =	sshll.u32 s2, $0x8  }
0x259: {  	s15 =	smul.u32 $0x3, s21;
	s9 =	rddreg [dreg:$0xe];
	s0 =	sadd.s32 s5, s4  }
0x25a: {  	[hbm4b:s0+s6] =	stream.linear.scatter [tilespmem:s8], [sflag:$0x4], $0x4000, $0x38;
	[tilespmem:$0x18800] =	vst v63  }
0x25b: {  	s0 =	sadd.s32 s15, s9  }
0x25c: {  	s0 =	sshll.u32 s0, $0xB  }
0x25d: {  	s10 =	simm.s32 $0x2;
	s0 =	sadd.s32 s31, s0  }
0x25e: {  	[tilespmem:s23], [sflag:$0x1] =	stream.linear.gather [hbm4b:s0+s6], $0x4000, $0x38;
	[tilespmem:$0x18800] =	vst v63  }
0x25f: {  	_ =	swait.ge [sflag:s10], $0x4000  }
0x260: {  	[sflag:s10] =	ssyncset.done $0x0  }
0x261: {  	s11 =	simm.s32 $0x5;
	[sflag:s10] =	ssyncadd.s32 $0xFFFFC000  }
0x262: {  	s16 =	sand.u32 $0x40, s6;
	_ =	swait.ge [sflag:s11], $0x4000  }
0x263: {  	s17 =	sand.u32 $0x780, s6;
	s18 =	sor.u32 $0x30, s16;
	[sflag:s11] =	ssyncset.done $0x0  }
0x264: {  	s19 =	sor.u32 s18, s17;
	[sflag:s11] =	ssyncadd.s32 $0xFFFFC000  }
0x265: {  	v0 =	vld [tilespmem:s19+$0x0]  }
0x266: {  	s20 =	sor.u32 $0x10, s16;
	v1 =	vld [tilespmem:s6+$0x0]  }
0x267: {  	s26 =	sor.u32 s20, s17;
	s22 =	sor.u32 $0x20, s16  }
0x268: {  	s3 =	sor.u32 s22, s17;
	v2 =	vld [tilespmem:s26+$0x0]  }
0x269: {  	v3 =	vld [tilespmem:s3+$0x0]  }
0x26a: {  	v4 =	vshll.u32 v0, $0x3  }
0x26b: {  	v5 =	vshll.u32 v1, $0x3;
	v0 =	vand.u32 $0x7F, v0;
	v4 =	vand.u32 $0xFFFFFC00, v4  }
0x26c: {  	v1 =	vand.u32 $0x7F, v1;
	v6 =	vand.u32 $0xFFFFFC00, v5;
	v5 =	vor.u32 v0, v4  }
0x26d: {  	v0 =	vor.u32 v1, v6;
	v1 =	vshll.u32 v2, $0x3  }
0x26e: {  	v4 =	vshll.u32 v3, $0x3;
	v2 =	vand.u32 $0x7F, v2;
	v1 =	vand.u32 $0xFFFFFC00, v1  }
0x26f: {  	v6 =	vand.u32 $0xFFFFFC00, v4;
	v4 =	vor.u32 v2, v1;
	v1 =	vand.u32 $0x7F, v3  }
0x270: {  	v3 =	vor.u32 v1, v6  }
0x271: {  	v1 =	vld.idx.msk [tilespmem:v5+s24+$0x0], $0xffff  }
0x272: {  	v6 =	vor.u32 $0x80, v5;
	v2 =	vld.idx.msk [tilespmem:v0+s24+$0x0], $0xffff  }
0x273: {  	s1 =	sand.u32 $0x3C00, s6;
	v7 =	vor.u32 $0x80, v0  }
0x274: {  	s1 =	sadd.s32 $0x10800, s1;
	v8 =	vld.idx.msk [tilespmem:v4+s24+$0x0], $0xffff  }
0x275: {  	s28 =	sor.u32 s18, s1;
	v9 =	vor.u32 $0x80, v4;
	v10 =	vld.idx.msk [tilespmem:v3+s24+$0x0], $0xffff  }
0x276: {  	s0 =	sor.u32 s16, s1;
	v11 =	vor.u32 $0x80, v3;
	[tilespmem:s28+$0x0] =	vst v1  }
0x277: {  	[tilespmem:s0+$0x0] =	vst v2;
	v1 =	vld.idx.msk [tilespmem:v6+s24+$0x0], $0xffff  }
0x278: {  	s9 =	sor.u32 s20, s1;
	v2 =	vld.idx.msk [tilespmem:v7+s24+$0x0], $0xffff;
	v6 =	vor.u32 $0x100, v5  }
0x279: {  	s30 =	sor.u32 s22, s1;
	v7 =	vor.u32 $0x100, v0;
	[tilespmem:s9+$0x0] =	vst v8  }
0x27a: {  	v8 =	vld.idx.msk [tilespmem:v9+s24+$0x0], $0xffff;
	[tilespmem:s30+$0x0] =	vst v10  }
0x27b: {  	v9 =	vor.u32 $0x100, v4;
	v10 =	vld.idx.msk [tilespmem:v11+s24+$0x0], $0xffff  }
0x27c: {  	v11 =	vor.u32 $0x100, v3;
	[tilespmem:s28+$0x80] =	vst v1  }
0x27d: {  	[tilespmem:s0+$0x80] =	vst v2;
	v1 =	vld.idx.msk [tilespmem:v6+s24+$0x0], $0xffff  }
0x27e: {  	v2 =	vld.idx.msk [tilespmem:v7+s24+$0x0], $0xffff;
	v6 =	vor.u32 $0x180, v5  }
0x27f: {  	v7 =	vor.u32 $0x180, v0;
	[tilespmem:s9+$0x80] =	vst v8  }
0x280: {  	v8 =	vld.idx.msk [tilespmem:v9+s24+$0x0], $0xffff;
	[tilespmem:s30+$0x80] =	vst v10  }
0x281: {  	s22 =	simm.s32 $0x40;
	v9 =	vor.u32 $0x180, v4;
	v10 =	vld.idx.msk [tilespmem:v11+s24+$0x0], $0xffff  }
0x282: {  	s3 =	sand.u32 $0x40, s22;
	v11 =	vld [tilespmem:s22+$0x0];
	[tilespmem:s28+$0x100] =	vst v1  }
0x283: {  	s2 =	sand.u32 $0x780, s22;
	s5 =	sor.u32 $0x30, s3;
	[tilespmem:s0+$0x100] =	vst v2;
	v1 =	vld.idx.msk [tilespmem:v6+s24+$0x0], $0xffff  }
0x284: {  	s17 =	sor.u32 s5, s2;
	v2 =	vor.u32 $0x180, v3;
	v6 =	vld.idx.msk [tilespmem:v7+s24+$0x0], $0xffff  }
0x285: {  	s18 =	sor.u32 $0x10, s3;
	v7 =	vor.u32 $0x200, v5;
	[tilespmem:s9+$0x100] =	vst v8;
	v8 =	vld [tilespmem:s17+$0x0]  }
0x286: {  	s19 =	sor.u32 s18, s2;
	s17 =	sor.u32 $0x20, s3;
	v9 =	vld.idx.msk [tilespmem:v9+s24+$0x0], $0xffff  }
0x287: {  	v13 =	vld [tilespmem:s19+$0x0];
	v12 =	vor.u32 $0x200, v4;
	s1 =	sor.u32 s17, s2;
	v14 =	vshll.u32 v11, $0x3  }
0x288: {  	[tilespmem:s30+$0x100] =	vst v10;
	v10 =	vor.u32 $0x200, v0;
	v11 =	vand.u32 $0x7F, v11;
	v15 =	vld [tilespmem:s1+$0x0];
	v14 =	vand.u32 $0xFFFFFC00, v14  }
0x289: {  	p0 =	por $0x0, $0x0;
	s1 =	simm.s32 $0x1;
	v16 =	vld.idx.msk [tilespmem:v2+s24+$0x0], $0xffff;
	[tilespmem:s28+$0x180] =	vst v1;
	v1 =	vor.u32 v11, v14  }
0x28a: {  	s1 =	simm.s32 @!p0 $0x0;
	v11 =	vor.u32 $0x200, v3;
	v7 =	vld.idx.msk [tilespmem:v7+s24+$0x0], $0xffff;
	v2 =	vshll.u32 v8, $0x3  }
0x28b: {  	s1 =	sshll.u32 s1, $0x6;
	v8 =	vand.u32 $0x7F, v8;
	[tilespmem:s9+$0x180] =	vst v9;
	v2 =	vand.u32 $0xFFFFFC00, v2;
	v9 =	vor.u32 $0x280, v5  }
0x28c: {  	v14 =	vor.u32 $0x280, v4;
	[tilespmem:s0+$0x180] =	vst v6;
	s1 =	sadd.s32 $0x0, s1;
	v6 =	vld.idx.msk [tilespmem:v12+s24+$0x0], $0xffff;
	v12 =	vshll.u32 v13, $0x3;
	v2 =	vor.u32 v8, v2  }
0x28d: {  	s0 =	sadd.s32 $0x30, s1;
	v8 =	vld.idx.msk [tilespmem:v10+s24+$0x0], $0xffff;
	v10 =	vshll.u32 v15, $0x3;
	v13 =	vand.u32 $0x7F, v13;
	v12 =	vand.u32 $0xFFFFFC00, v12  }
0x28e: {  	s20 =	sor.u32 $0x200, s0;
	v10 =	vand.u32 $0xFFFFFC00, v10;
	[tilespmem:s30+$0x180] =	vst v16;
	v17 =	vld.idx.msk [tilespmem:v1+s24+$0x0], $0xffff;
	v21 =	vor.u32 v13, v12;
	v12 =	vand.u32 $0x7F, v15  }
0x28f: {  	s4 =	sadd.s32 $0x10, s1;
	v11 =	vld.idx.msk [tilespmem:v11+s24+$0x0], $0xffff;
	v10 =	vor.u32 v12, v10;
	[tilespmem:s20+$0x10800] =	vst v7  }
0x290: {  	s26 =	sor.u32 $0x200, s4;
	v7 =	vor.u32 $0x280, v0;
	v9 =	vld.idx.msk [tilespmem:v9+s24+$0x0], $0xffff  }
0x291: {  	v12 =	vor.u32 $0x280, v3;
	v13 =	vld.idx.msk [tilespmem:v2+s24+$0x0], $0xffff;
	[tilespmem:s26+$0x10800] =	vst v6  }
0x292: {  	s10 =	simm.s32 $0x200;
	s8 =	sadd.s32 $0x20, s1;
	s28 =	sor.u32 $0x200, s1;
	v6 =	vld.idx.msk [tilespmem:v14+s24+$0x0], $0xffff;
	v14 =	vor.u32 $0x300, v5  }
0x293: {  	s2 =	sand.u32 $0x3C00, s10;
	v16 =	vor.u32 $0x80, v2;
	s30 =	sor.u32 $0x200, s8;
	[tilespmem:s28+$0x10800] =	vst v8;
	v15 =	vld.idx.msk [tilespmem:v21+s24+$0x0], $0xffff  }
0x294: {  	s9 =	sadd.s32 $0x10800, s2;
	s16 =	sor.u32 $0x280, s0;
	v8 =	vor.u32 $0x80, v1;
	[tilespmem:s30+$0x10800] =	vst v11;
	v18 =	vld.idx.msk [tilespmem:v10+s24+$0x0], $0xffff  }
0x295: {  	s19 =	sor.u32 s5, s9;
	v19 =	vor.u32 $0x80, v21;
	v7 =	vld.idx.msk [tilespmem:v7+s24+$0x0], $0xffff;
	[tilespmem:s16+$0x10800] =	vst v9  }
0x296: {  	v11 =	vor.u32 $0x80, v10;
	v12 =	vld.idx.msk [tilespmem:v12+s24+$0x0], $0xffff;
	s16 =	sor.u32 s3, s9;
	[tilespmem:s19+$0x0] =	vst v13  }
0x297: {  	s12 =	smov.u32 s31;
	s31 =	sor.u32 s17, s9;
	s17 =	sor.u32 $0x280, s4;
	v9 =	vor.u32 $0x300, v4;
	[tilespmem:s16+$0x0] =	vst v17;
	v13 =	vld.idx.msk [tilespmem:v14+s24+$0x0], $0xffff  }
0x298: {  	s18 =	sor.u32 s18, s9;
	v14 =	vor.u32 $0x300, v3;
	v16 =	vld.idx.msk [tilespmem:v16+s24+$0x0], $0xffff;
	[tilespmem:s17+$0x10800] =	vst v6  }
0x299: {  	v5 =	vor.u32 $0x380, v5;
	v8 =	vld.idx.msk [tilespmem:v8+s24+$0x0], $0xffff;
	[tilespmem:s18+$0x0] =	vst v15  }
0x29a: {  	s20 =	sor.u32 $0x280, s8;
	v17 =	vor.u32 $0x100, v2;
	v15 =	vld.idx.msk [tilespmem:v19+s24+$0x0], $0xffff;
	[tilespmem:s31+$0x0] =	vst v18  }
0x29b: {  	s26 =	sor.u32 $0x300, s0;
	v18 =	vor.u32 $0x100, v1;
	[tilespmem:s20+$0x10800] =	vst v12;
	v20 =	vld.idx.msk [tilespmem:v11+s24+$0x0], $0xffff  }
0x29c: {  	v6 =	vor.u32 $0x100, v21;
	v22 =	vld.idx.msk [tilespmem:v9+s24+$0x0], $0xffff;
	[tilespmem:s26+$0x10800] =	vst v13  }
0x29d: {  	v23 =	vor.u32 $0x100, v10;
	v14 =	vld.idx.msk [tilespmem:v14+s24+$0x0], $0xffff;
	[tilespmem:s19+$0x80] =	vst v16  }
0x29e: {  	v16 =	vor.u32 $0x300, v0;
	[tilespmem:s16+$0x80] =	vst v8;
	v24 =	vld.idx.msk [tilespmem:v5+s24+$0x0], $0xffff  }
0x29f: {  	v25 =	vor.u32 $0x380, v4;
	v19 =	vld.idx.msk [tilespmem:v17+s24+$0x0], $0xffff;
	[tilespmem:s18+$0x80] =	vst v15  }
0x2a0: {  	s30 =	sor.u32 $0x300, s4;
	v4 =	vor.u32 $0x380, v21;
	v17 =	vld.idx.msk [tilespmem:v18+s24+$0x0], $0xffff;
	[tilespmem:s31+$0x80] =	vst v20  }
0x2a1: {  	s28 =	sor.u32 $0x280, s1;
	v11 =	vor.u32 $0x200, v21;
	v13 =	vor.u32 $0x180, v21;
	v18 =	vld.idx.msk [tilespmem:v6+s24+$0x0], $0xffff;
	[tilespmem:s30+$0x10800] =	vst v22;
	v22 =	vor.u32 $0x180, v2  }
0x2a2: {  	s11 =	simm.s32 $0x4;
	s6 =	sor.u32 $0x300, s1;
	[tilespmem:s28+$0x10800] =	vst v7;
	v8 =	vor.u32 $0x280, v21;
	v6 =	vor.u32 $0x300, v21;
	v21 =	vor.u32 $0x180, v1;
	v20 =	vld.idx.msk [tilespmem:v23+s24+$0x0], $0xffff  }
0x2a3: {  	s7 =	sor.u32 $0x380, s1;
	s29 =	sor.u32 $0x380, s4;
	s0 =	sor.u32 $0x380, s0;
	v3 =	vor.u32 $0x380, v3;
	v12 =	vor.u32 $0x180, v10;
	v7 =	vor.u32 $0x280, v10;
	v15 =	vld.idx.msk [tilespmem:v16+s24+$0x0], $0xffff  }
0x2a4: {  	s3 =	simm.s32 $0x80;
	s17 =	sor.u32 $0x300, s8;
	v9 =	vor.u32 $0x200, v10;
	s26 =	sor.u32 $0x380, s8;
	v5 =	vor.u32 $0x300, v10;
	v10 =	vor.u32 $0x380, v10;
	v16 =	vld.idx.msk [tilespmem:v25+s24+$0x0], $0xffff;
	[tilespmem:s0+$0x10800] =	vst v24  }
.LBB2_11:
0x2a5: {  	v23 =	vld [tilespmem:s3+$0x0];
	[tilespmem:s19+$0x100] =	vst v19;
	s22 =	sadd.s32 $0x40, s22  }
0x2a6: {  	s11 =	sadd.s32 $0x4, s11;
	s20 =	sand.u32 $0x40, s22;
	[tilespmem:s16+$0x100] =	vst v17;
	v17 =	vld.idx.msk [tilespmem:v22+s24+$0x0], $0xffff  }
0x2a7: {  	s0 =	sand.u32 $0x780, s22;
	p1 =	slt.u32 s11, $0x7C;
	s5 =	sor.u32 $0x30, s20;
	v19 =	vld.idx.msk [tilespmem:v21+s24+$0x0], $0xffff;
	[tilespmem:s18+$0x100] =	vst v18  }
0x2a8: {  	s4 =	sor.u32 $0x10, s20;
	s1 =	sor.u32 $0x20, s20;
	v18 =	vor.u32 $0x200, v2;
	s8 =	sor.u32 s5, s0;
	v13 =	vld.idx.msk [tilespmem:v13+s24+$0x0], $0xffff;
	[tilespmem:s31+$0x100] =	vst v20  }
0x2a9: {  	v21 =	vor.u32 $0x200, v1;
	s9 =	sor.u32 s4, s0;
	s0 =	sor.u32 s1, s0;
	v20 =	vld [tilespmem:s8+$0x0];
	[tilespmem:s17+$0x10800] =	vst v14  }
0x2aa: {  	v14 =	vld [tilespmem:s9+$0x0];
	[tilespmem:s6+$0x10800] =	vst v15  }
0x2ab: {  	v15 =	vshll.u32 v23, $0x3;
	v22 =	vld [tilespmem:s0+$0x0];
	[tilespmem:s29+$0x10800] =	vst v16  }
0x2ac: {  	v16 =	vand.u32 $0x7F, v23;
	v15 =	vand.u32 $0xFFFFFC00, v15;
	v12 =	vld.idx.msk [tilespmem:v12+s24+$0x0], $0xffff;
	[tilespmem:s19+$0x180] =	vst v17;
	v17 =	vor.u32 $0x380, v0;
	v0 =	vmovc v1  }
0x2ad: {  	p0 =	por !p0, !p0;
	s0 =	simm.s32 $0x1;
	v1 =	vor.u32 v16, v15;
	[tilespmem:s16+$0x180] =	vst v19;
	v15 =	vld.idx.msk [tilespmem:v18+s24+$0x0], $0xffff  }
0x2ae: {  	s0 =	simm.s32 @!p0 $0x0;
	v16 =	vshll.u32 v20, $0x3;
	v18 =	vld.idx.msk [tilespmem:v21+s24+$0x0], $0xffff;
	[tilespmem:s18+$0x180] =	vst v13  }
0x2af: {  	s0 =	sshll.u32 s0, $0x6;
	v13 =	vand.u32 $0x7F, v20;
	v16 =	vand.u32 $0xFFFFFC00, v16;
	v19 =	vld.idx.msk [tilespmem:v11+s24+$0x0], $0xffff;
	v11 =	vor.u32 $0x280, v2  }
0x2b0: {  	s16 =	sadd.s32 s0, s10;
	v20 =	vshll.u32 v14, $0x3;
	v21 =	vshll.u32 v22, $0x3;
	v16 =	vor.u32 v13, v16;
	v23 =	vld.idx.msk [tilespmem:v3+s24+$0x0], $0xffff;
	v3 =	vmovc v10  }
0x2b1: {  	s18 =	sadd.s32 $0x10, s16;
	s19 =	sadd.s32 $0x20, s16;
	s30 =	sadd.s32 $0x30, s16;
	v10 =	vand.u32 $0x7F, v14;
	v13 =	vand.u32 $0xFFFFFC00, v20;
	v14 =	vand.u32 $0xFFFFFC00, v21;
	v17 =	vld.idx.msk [tilespmem:v17+s24+$0x0], $0xffff  }
0x2b2: {  	s29 =	sor.u32 $0x200, s18;
	s0 =	sor.u32 $0x200, s30;
	v10 =	vor.u32 v10, v13;
	v13 =	vand.u32 $0x7F, v22;
	v21 =	vor.u32 $0x280, v0;
	v20 =	vld.idx.msk [tilespmem:v1+s24+$0x0], $0xffff;
	[tilespmem:s31+$0x180] =	vst v12;
	s31 =	sor.u32 $0x200, s19  }
0x2b3: {  	s6 =	sor.u32 $0x200, s16;
	s28 =	sor.u32 $0x280, s18;
	s9 =	sor.u32 $0x280, s19;
	v22 =	vor.u32 $0x80, v10;
	v24 =	vor.u32 $0x100, v10;
	v14 =	vor.u32 v13, v14;
	v25 =	vld.idx.msk [tilespmem:v9+s24+$0x0], $0xffff;
	[tilespmem:s0+$0x10800] =	vst v15  }
0x2b4: {  	s8 =	sor.u32 $0x280, s16;
	s17 =	sor.u32 $0x300, s19;
	v13 =	vor.u32 $0x180, v10;
	v15 =	vor.u32 $0x80, v14;
	v26 =	vor.u32 $0x100, v14;
	s0 =	sor.u32 $0x300, s18;
	[tilespmem:s6+$0x10800] =	vst v18;
	v18 =	vld.idx.msk [tilespmem:v11+s24+$0x0], $0xffff  }
0x2b5: {  	v12 =	vor.u32 $0x180, v14;
	v9 =	vor.u32 $0x200, v14;
	v11 =	vor.u32 $0x200, v10;
	s6 =	sor.u32 $0x300, s16;
	v27 =	vld.idx.msk [tilespmem:v16+s24+$0x0], $0xffff;
	[tilespmem:s29+$0x10800] =	vst v19;
	s29 =	sor.u32 $0x380, s18;
	s18 =	sor.u32 $0x380, s19  }
0x2b6: {  	v29 =	vor.u32 $0x300, v2;
	s16 =	sor.u32 $0x380, s16;
	v19 =	vor.u32 $0x280, v14;
	v28 =	vld.idx.msk [tilespmem:v8+s24+$0x0], $0xffff;
	v8 =	vor.u32 $0x280, v10;
	[tilespmem:s26+$0x10800] =	vst v23;
	s26 =	smov.u32 s18  }
0x2b7: {  	s10 =	sadd.s32 $0x200, s10;
	v32 =	vor.u32 $0x80, v16;
	v30 =	vor.u32 $0x300, v10;
	v31 =	vor.u32 $0x300, v14;
	v23 =	vld.idx.msk [tilespmem:v10+s24+$0x0], $0xffff;
	[tilespmem:s7+$0x10800] =	vst v17;
	s7 =	smov.u32 s16  }
0x2b8: {  	v33 =	vor.u32 $0x380, v10;
	s16 =	sand.u32 $0x3C00, s10;
	v17 =	vor.u32 $0x80, v1;
	v10 =	vor.u32 $0x380, v14;
	v34 =	vld.idx.msk [tilespmem:v14+s24+$0x0], $0xffff  }
0x2b9: {  	s2 =	sadd.s32 $0x10800, s16;
	v35 =	vld.idx.msk [tilespmem:v21+s24+$0x0], $0xffff;
	[tilespmem:s31+$0x10800] =	vst v25;
	s31 =	sor.u32 $0x280, s30  }
0x2ba: {  	s16 =	sor.u32 s20, s2;
	s18 =	sor.u32 s4, s2;
	s19 =	sor.u32 s5, s2;
	v14 =	vld.idx.msk [tilespmem:v7+s24+$0x0], $0xffff;
	[tilespmem:s31+$0x10800] =	vst v18;
	v7 =	vmov v19  }
0x2bb: {  	s31 =	sor.u32 s1, s2;
	[tilespmem:s19+$0x0] =	vst v27;
	v18 =	vld.idx.msk [tilespmem:v29+s24+$0x0], $0xffff  }
0x2bc: {  	[tilespmem:s16+$0x0] =	vst v20;
	v19 =	vld.idx.msk [tilespmem:v32+s24+$0x0], $0xffff  }
0x2bd: {  	v20 =	vor.u32 $0x380, v2;
	v2 =	vmov v16;
	v17 =	vld.idx.msk [tilespmem:v17+s24+$0x0], $0xffff;
	[tilespmem:s18+$0x0] =	vst v23  }
0x2be: {  	v21 =	vor.u32 $0x100, v2;
	v16 =	vld.idx.msk [tilespmem:v22+s24+$0x0], $0xffff;
	[tilespmem:s31+$0x0] =	vst v34  }
0x2bf: {  	v22 =	vor.u32 $0x100, v1;
	v15 =	vld.idx.msk [tilespmem:v15+s24+$0x0], $0xffff;
	[tilespmem:s28+$0x10800] =	vst v28  }
0x2c0: {  	s1 =	sor.u32 $0x300, s30;
	v23 =	vld.idx.msk [tilespmem:v6+s24+$0x0], $0xffff;
	[tilespmem:s9+$0x10800] =	vst v14;
	v6 =	vmov v30  }
0x2c1: {  	v14 =	vld.idx.msk [tilespmem:v5+s24+$0x0], $0xffff;
	[tilespmem:s1+$0x10800] =	vst v18;
	v5 =	vmov v31  }
0x2c2: {  	v25 =	vor.u32 $0x300, v0;
	[tilespmem:s19+$0x80] =	vst v19;
	v27 =	vld.idx.msk [tilespmem:v20+s24+$0x0], $0xffff  }
0x2c3: {  	[tilespmem:s16+$0x80] =	vst v17;
	v19 =	vld.idx.msk [tilespmem:v21+s24+$0x0], $0xffff  }
.Ltmp4:
0x2c4: {  	v17 =	vld.idx.msk [tilespmem:v22+s24+$0x0], $0xffff;
	[tilespmem:s18+$0x80] =	vst v16;
	(pc) =	sbr.rel @p1 .LBB2_11-.Ltmp4, $4  }
0x2c5: {  	v22 =	vor.u32 $0x180, v2;
	v18 =	vld.idx.msk [tilespmem:v24+s24+$0x0], $0xffff;
	[tilespmem:s31+$0x80] =	vst v15  }
0x2c6: {  	v21 =	vor.u32 $0x180, v1;
	v20 =	vld.idx.msk [tilespmem:v26+s24+$0x0], $0xffff;
	[tilespmem:s8+$0x10800] =	vst v35  }
0x2c7: {  	v15 =	vld.idx.msk [tilespmem:v25+s24+$0x0], $0xffff;
	[tilespmem:s0+$0x10800] =	vst v23;
	s0 =	sor.u32 $0x380, s30  }
0x2c8: {  	s3 =	sadd.s32 $0x40, s3;
	v16 =	vld.idx.msk [tilespmem:v4+s24+$0x0], $0xffff;
	[tilespmem:s0+$0x10800] =	vst v27;
	v4 =	vmov v33  }
0x2c9: {  	_ =	sdelay $0x2  }
0x2ca: {  	[tilespmem:s19+$0x100] =	vst v19  }
0x2cb: {  	v19 =	vld.idx.msk [tilespmem:v22+s24+$0x0], $0xffff;
	[tilespmem:s18+$0x100] =	vst v18  }
0x2cc: {  	v18 =	vor.u32 $0x200, v2;
	v13 =	vld.idx.msk [tilespmem:v13+s24+$0x0], $0xffff;
	_ =	sdelay $0x1  }
0x2cd: {  	[tilespmem:s31+$0x100] =	vst v20  }
0x2ce: {  	[tilespmem:s16+$0x100] =	vst v17;
	v12 =	vld.idx.msk [tilespmem:v12+s24+$0x0], $0xffff  }
0x2cf: {  	p0 =	por !p0, !p0;
	s0 =	simm.s32 $0x1;
	v17 =	vld.idx.msk [tilespmem:v21+s24+$0x0], $0xffff;
	[tilespmem:s19+$0x180] =	vst v19  }
0x2d0: {  	s0 =	simm.s32 @!p0 $0x0;
	v20 =	vor.u32 $0x200, v1;
	v18 =	vld.idx.msk [tilespmem:v18+s24+$0x0], $0xffff;
	[tilespmem:s18+$0x180] =	vst v13  }
0x2d1: {  	s0 =	sshll.u32 s0, $0x6;
	v13 =	vor.u32 $0x280, v2;
	v11 =	vld.idx.msk [tilespmem:v11+s24+$0x0], $0xffff  }
0x2d2: {  	s0 =	sadd.s32 s0, s10  }
0x2d3: {  	s1 =	sadd.s32 $0x30, s0;
	[tilespmem:s31+$0x180] =	vst v12  }
0x2d4: {  	s2 =	sadd.s32 $0x10, s0;
	s3 =	sor.u32 $0x200, s1;
	[tilespmem:s16+$0x180] =	vst v17;
	v9 =	vld.idx.msk [tilespmem:v9+s24+$0x0], $0xffff  }
0x2d5: {  	s5 =	sor.u32 $0x200, s2;
	v12 =	vld.idx.msk [tilespmem:v20+s24+$0x0], $0xffff;
	[tilespmem:s3+$0x10800] =	vst v18  }
0x2d6: {  	v17 =	vor.u32 $0x280, v1;
	v13 =	vld.idx.msk [tilespmem:v13+s24+$0x0], $0xffff;
	[tilespmem:s5+$0x10800] =	vst v11  }
0x2d7: {  	s4 =	sadd.s32 $0x20, s0;
	v11 =	vor.u32 $0x300, v2;
	v8 =	vld.idx.msk [tilespmem:v8+s24+$0x0], $0xffff  }
0x2d8: {  	[tilespmem:s17+$0x10800] =	vst v14;
	s18 =	sor.u32 $0x200, s4  }
0x2d9: {  	s19 =	sor.u32 $0x200, s0;
	[tilespmem:s18+$0x10800] =	vst v9  }
0x2da: {  	v0 =	vor.u32 $0x380, v0;
	s20 =	sor.u32 $0x280, s1;
	[tilespmem:s19+$0x10800] =	vst v12;
	v7 =	vld.idx.msk [tilespmem:v7+s24+$0x0], $0xffff  }
0x2db: {  	s22 =	sor.u32 $0x280, s2;
	v9 =	vld.idx.msk [tilespmem:v17+s24+$0x0], $0xffff;
	[tilespmem:s20+$0x10800] =	vst v13  }
0x2dc: {  	v12 =	vor.u32 $0x300, v1;
	v11 =	vld.idx.msk [tilespmem:v11+s24+$0x0], $0xffff;
	[tilespmem:s22+$0x10800] =	vst v8  }
0x2dd: {  	[tilespmem:s6+$0x10800] =	vst v15;
	v2 =	vor.u32 $0x380, v2;
	v6 =	vld.idx.msk [tilespmem:v6+s24+$0x0], $0xffff  }
0x2de: {  	v3 =	vld.idx.msk [tilespmem:v3+s24+$0x0], $0xffff;
	[tilespmem:s29+$0x10800] =	vst v16;
	s28 =	sor.u32 $0x280, s4  }
0x2df: {  	s30 =	sor.u32 $0x280, s0;
	v0 =	vld.idx.msk [tilespmem:v0+s24+$0x0], $0xffff;
	[tilespmem:s28+$0x10800] =	vst v7  }
0x2e0: {  	s8 =	sor.u32 $0x300, s1;
	[tilespmem:s30+$0x10800] =	vst v9;
	v5 =	vld.idx.msk [tilespmem:v5+s24+$0x0], $0xffff  }
0x2e1: {  	s9 =	sor.u32 $0x300, s2;
	v7 =	vld.idx.msk [tilespmem:v12+s24+$0x0], $0xffff;
	[tilespmem:s8+$0x10800] =	vst v11  }
0x2e2: {  	v1 =	vor.u32 $0x380, v1;
	v2 =	vld.idx.msk [tilespmem:v2+s24+$0x0], $0xffff;
	[tilespmem:s9+$0x10800] =	vst v6  }
0x2e3: {  	[tilespmem:s26+$0x10800] =	vst v3;
	v4 =	vld.idx.msk [tilespmem:v4+s24+$0x0], $0xffff  }
0x2e4: {  	s10 =	sor.u32 $0x300, s4;
	[tilespmem:s7+$0x10800] =	vst v0  }
0x2e5: {  	s11 =	sor.u32 $0x300, s0;
	[tilespmem:s10+$0x10800] =	vst v5  }
0x2e6: {  	s1 =	sor.u32 $0x380, s1;
	[tilespmem:s11+$0x10800] =	vst v7;
	v5 =	vld.idx.msk [tilespmem:v10+s24+$0x0], $0xffff  }
0x2e7: {  	s2 =	sor.u32 $0x380, s2;
	v1 =	vld.idx.msk [tilespmem:v1+s24+$0x0], $0xffff;
	[tilespmem:s1+$0x10800] =	vst v2  }
0x2e8: {  	[tilespmem:s2+$0x10800] =	vst v4  }
0x2e9: {  	s2 =	rddreg [dreg:$0xf]  }
0x2ea: {  	s16 =	sor.u32 $0x380, s4;
	s2 =	sadd.s32 s14, s2  }
0x2eb: {  	s0 =	sor.u32 $0x380, s0;
	s18 =	rddreg [dreg:$0x2];
	[tilespmem:s16+$0x10800] =	vst v5;
	s17 =	sshll.u32 s2, $0x8  }
0x2ec: {  	s19 =	simm.s32 $0x0;
	s20 =	simm.s32 $0x10800;
	[tilespmem:s0+$0x10800] =	vst v1;
	s0 =	sadd.s32 s18, s17  }
0x2ed: {  	[hbm4b:s0+s19] =	stream.linear.scatter [tilespmem:s20], [sflag:$0x5], $0x4000, $0x38;
	[tilespmem:$0x18800] =	vst v63  }
0x2ee: {  	p0 =	seq.s32 s13, $0x13;
	s0 =	rddreg [dreg:$0x10]  }
0x2ef: {  	s0 =	sadd.s32 @!p0 s15, s0  }
0x2f0: {  	s22 =	simm.s32 $0x3;
	s0 =	sshll.u32 @!p0 s0, $0xB  }
0x2f1: {  	s1 =	simm.s32 @!p0 $0x0;
	s2 =	simm.s32 @!p0 $0x4800;
	s0 =	sadd.s32 @!p0 s12, s0  }
0x2f2: {  	[tilespmem:s2], [sflag:$0x2] =	stream.linear.gather @!p0 [hbm4b:s0+s1], $0x4000, $0x38;
	[tilespmem:$0x18800] =	vst v63  }
0x2f3: {  	_ =	swait.ge [sflag:s22], $0x4000  }
0x2f4: {  	[sflag:s22] =	ssyncset.done $0x0  }
0x2f5: {  	s26 =	simm.s32 $0x0;
	s28 =	simm.s32 $0x6;
	[sflag:s22] =	ssyncadd.s32 $0xFFFFC000  }
0x2f6: {  	s30 =	sand.u32 $0x40, s26;
	_ =	swait.ge [sflag:s28], $0x4000  }
0x2f7: {  	s3 =	sand.u32 $0x780, s26;
	s5 =	sor.u32 $0x30, s30;
	[sflag:s28] =	ssyncset.done $0x0  }
0x2f8: {  	s6 =	sor.u32 s5, s3;
	[sflag:s28] =	ssyncadd.s32 $0xFFFFC000  }
0x2f9: {  	v0 =	vld [tilespmem:s6+$0x0]  }
0x2fa: {  	s7 =	sor.u32 $0x10, s30;
	v1 =	vld [tilespmem:s26+$0x0]  }
0x2fb: {  	s9 =	sor.u32 $0x20, s30;
	s10 =	sor.u32 s7, s3  }
0x2fc: {  	s2 =	sor.u32 s9, s3;
	v2 =	vld [tilespmem:s10+$0x0]  }
0x2fd: {  	v3 =	vld [tilespmem:s2+$0x0]  }
0x2fe: {  	v4 =	vshll.u32 v0, $0x3  }
0x2ff: {  	v5 =	vshll.u32 v1, $0x3;
	v0 =	vand.u32 $0x7F, v0;
	v4 =	vand.u32 $0xFFFFFC00, v4  }
0x300: {  	v1 =	vand.u32 $0x7F, v1;
	v6 =	vand.u32 $0xFFFFFC00, v5;
	v5 =	vor.u32 v0, v4  }
0x301: {  	v0 =	vor.u32 v1, v6;
	v1 =	vshll.u32 v2, $0x3  }
0x302: {  	v4 =	vshll.u32 v3, $0x3;
	v2 =	vand.u32 $0x7F, v2;
	v1 =	vand.u32 $0xFFFFFC00, v1  }
0x303: {  	v6 =	vand.u32 $0xFFFFFC00, v4;
	v4 =	vor.u32 v2, v1;
	v1 =	vand.u32 $0x7F, v3  }
0x304: {  	v3 =	vor.u32 v1, v6  }
0x305: {  	v1 =	vld.idx.msk [tilespmem:v5+s25+$0x0], $0xffff  }
0x306: {  	v6 =	vor.u32 $0x80, v5;
	v2 =	vld.idx.msk [tilespmem:v0+s25+$0x0], $0xffff  }
0x307: {  	s0 =	sand.u32 $0x3C00, s26;
	v7 =	vor.u32 $0x80, v0  }
0x308: {  	s11 =	sadd.s32 $0x14800, s0;
	v8 =	vld.idx.msk [tilespmem:v4+s25+$0x0], $0xffff  }
0x309: {  	s8 =	sor.u32 s5, s11;
	v9 =	vor.u32 $0x80, v4;
	v10 =	vld.idx.msk [tilespmem:v3+s25+$0x0], $0xffff  }
0x30a: {  	s0 =	sor.u32 s30, s11;
	v11 =	vor.u32 $0x80, v3;
	[tilespmem:s8+$0x0] =	vst v1  }
0x30b: {  	[tilespmem:s0+$0x0] =	vst v2;
	v1 =	vld.idx.msk [tilespmem:v6+s25+$0x0], $0xffff  }
0x30c: {  	s31 =	smov.u32 s12;
	s12 =	sor.u32 s7, s11;
	v2 =	vld.idx.msk [tilespmem:v7+s25+$0x0], $0xffff;
	v6 =	vor.u32 $0x100, v5  }
0x30d: {  	s16 =	sor.u32 s9, s11;
	v7 =	vor.u32 $0x100, v0;
	[tilespmem:s12+$0x0] =	vst v8  }
0x30e: {  	v8 =	vld.idx.msk [tilespmem:v9+s25+$0x0], $0xffff;
	[tilespmem:s16+$0x0] =	vst v10  }
0x30f: {  	v9 =	vor.u32 $0x100, v4;
	v10 =	vld.idx.msk [tilespmem:v11+s25+$0x0], $0xffff  }
0x310: {  	v11 =	vor.u32 $0x100, v3;
	[tilespmem:s8+$0x80] =	vst v1  }
0x311: {  	[tilespmem:s0+$0x80] =	vst v2;
	v1 =	vld.idx.msk [tilespmem:v6+s25+$0x0], $0xffff  }
0x312: {  	v2 =	vld.idx.msk [tilespmem:v7+s25+$0x0], $0xffff;
	v6 =	vor.u32 $0x180, v5  }
0x313: {  	v7 =	vor.u32 $0x180, v0;
	[tilespmem:s12+$0x80] =	vst v8  }
0x314: {  	v8 =	vld.idx.msk [tilespmem:v9+s25+$0x0], $0xffff;
	[tilespmem:s16+$0x80] =	vst v10  }
0x315: {  	s13 =	simm.s32 $0x40;
	v9 =	vor.u32 $0x180, v4;
	v10 =	vld.idx.msk [tilespmem:v11+s25+$0x0], $0xffff  }
0x316: {  	s17 =	sand.u32 $0x40, s13;
	v11 =	vld [tilespmem:s13+$0x0];
	[tilespmem:s8+$0x100] =	vst v1  }
0x317: {  	s18 =	sand.u32 $0x780, s13;
	s19 =	sor.u32 $0x30, s17;
	[tilespmem:s0+$0x100] =	vst v2;
	v1 =	vld.idx.msk [tilespmem:v6+s25+$0x0], $0xffff  }
0x318: {  	s20 =	sor.u32 s19, s18;
	v2 =	vor.u32 $0x180, v3;
	v6 =	vld.idx.msk [tilespmem:v7+s25+$0x0], $0xffff  }
0x319: {  	s22 =	sor.u32 $0x10, s17;
	v7 =	vor.u32 $0x200, v5;
	[tilespmem:s12+$0x100] =	vst v8;
	v8 =	vld [tilespmem:s20+$0x0]  }
0x31a: {  	s9 =	sor.u32 s22, s18;
	s26 =	sor.u32 $0x20, s17;
	v9 =	vld.idx.msk [tilespmem:v9+s25+$0x0], $0xffff  }
0x31b: {  	v13 =	vld [tilespmem:s9+$0x0];
	s2 =	sor.u32 s26, s18;
	v12 =	vor.u32 $0x200, v4;
	v14 =	vshll.u32 v11, $0x3  }
0x31c: {  	v15 =	vld [tilespmem:s2+$0x0];
	[tilespmem:s16+$0x100] =	vst v10;
	v10 =	vor.u32 $0x200, v0;
	v11 =	vand.u32 $0x7F, v11;
	v14 =	vand.u32 $0xFFFFFC00, v14  }
0x31d: {  	p1 =	por $0x0, $0x0;
	s2 =	simm.s32 $0x1;
	v16 =	vld.idx.msk [tilespmem:v2+s25+$0x0], $0xffff;
	[tilespmem:s8+$0x180] =	vst v1;
	v1 =	vor.u32 v11, v14  }
0x31e: {  	s2 =	simm.s32 @!p1 $0x0;
	v11 =	vor.u32 $0x200, v3;
	v7 =	vld.idx.msk [tilespmem:v7+s25+$0x0], $0xffff;
	v2 =	vshll.u32 v8, $0x3  }
0x31f: {  	s28 =	sshll.u32 s2, $0x6;
	v8 =	vand.u32 $0x7F, v8;
	[tilespmem:s12+$0x180] =	vst v9;
	v2 =	vand.u32 $0xFFFFFC00, v2;
	v9 =	vor.u32 $0x280, v5  }
0x320: {  	s1 =	sadd.s32 $0x0, s28;
	v14 =	vor.u32 $0x280, v4;
	[tilespmem:s0+$0x180] =	vst v6;
	v6 =	vld.idx.msk [tilespmem:v12+s25+$0x0], $0xffff;
	v12 =	vshll.u32 v13, $0x3;
	v2 =	vor.u32 v8, v2  }
0x321: {  	s0 =	sadd.s32 $0x30, s1;
	v8 =	vld.idx.msk [tilespmem:v10+s25+$0x0], $0xffff;
	v10 =	vshll.u32 v15, $0x3;
	v13 =	vand.u32 $0x7F, v13;
	v12 =	vand.u32 $0xFFFFFC00, v12  }
0x322: {  	s30 =	sor.u32 $0x200, s0;
	v10 =	vand.u32 $0xFFFFFC00, v10;
	[tilespmem:s16+$0x180] =	vst v16;
	v17 =	vld.idx.msk [tilespmem:v1+s25+$0x0], $0xffff;
	v21 =	vor.u32 v13, v12;
	v12 =	vand.u32 $0x7F, v15  }
0x323: {  	s4 =	sadd.s32 $0x10, s1;
	v11 =	vld.idx.msk [tilespmem:v11+s25+$0x0], $0xffff;
	v10 =	vor.u32 v12, v10;
	[tilespmem:s30+$0x14800] =	vst v7  }
0x324: {  	s8 =	sor.u32 $0x200, s4;
	v7 =	vor.u32 $0x280, v0;
	v9 =	vld.idx.msk [tilespmem:v9+s25+$0x0], $0xffff  }
0x325: {  	v12 =	vor.u32 $0x280, v3;
	v13 =	vld.idx.msk [tilespmem:v2+s25+$0x0], $0xffff;
	[tilespmem:s8+$0x14800] =	vst v6  }
0x326: {  	s10 =	simm.s32 $0x200;
	s9 =	sor.u32 $0x200, s1;
	s8 =	sadd.s32 $0x20, s1;
	v6 =	vld.idx.msk [tilespmem:v14+s25+$0x0], $0xffff;
	v14 =	vor.u32 $0x300, v5  }
0x327: {  	s12 =	sand.u32 $0x3C00, s10;
	v16 =	vor.u32 $0x80, v2;
	[tilespmem:s9+$0x14800] =	vst v8;
	s11 =	sor.u32 $0x200, s8;
	v15 =	vld.idx.msk [tilespmem:v21+s25+$0x0], $0xffff  }
0x328: {  	s2 =	sadd.s32 $0x14800, s12;
	s16 =	sor.u32 $0x280, s0;
	v8 =	vor.u32 $0x80, v1;
	[tilespmem:s11+$0x14800] =	vst v11;
	v18 =	vld.idx.msk [tilespmem:v10+s25+$0x0], $0xffff  }
0x329: {  	s19 =	sor.u32 s19, s2;
	v19 =	vor.u32 $0x80, v21;
	v7 =	vld.idx.msk [tilespmem:v7+s25+$0x0], $0xffff;
	[tilespmem:s16+$0x14800] =	vst v9  }
0x32a: {  	v11 =	vor.u32 $0x80, v10;
	v12 =	vld.idx.msk [tilespmem:v12+s25+$0x0], $0xffff;
	s16 =	sor.u32 s17, s2;
	[tilespmem:s19+$0x0] =	vst v13  }
0x32b: {  	v9 =	vor.u32 $0x300, v4;
	s17 =	sor.u32 $0x280, s4;
	[tilespmem:s16+$0x0] =	vst v17;
	v13 =	vld.idx.msk [tilespmem:v14+s25+$0x0], $0xffff  }
0x32c: {  	s18 =	sor.u32 s22, s2;
	v14 =	vor.u32 $0x300, v3;
	v16 =	vld.idx.msk [tilespmem:v16+s25+$0x0], $0xffff;
	[tilespmem:s17+$0x14800] =	vst v6  }
0x32d: {  	s26 =	sor.u32 s26, s2;
	v5 =	vor.u32 $0x380, v5;
	v8 =	vld.idx.msk [tilespmem:v8+s25+$0x0], $0xffff;
	[tilespmem:s18+$0x0] =	vst v15  }
0x32e: {  	s20 =	sor.u32 $0x280, s8;
	v17 =	vor.u32 $0x100, v2;
	v15 =	vld.idx.msk [tilespmem:v19+s25+$0x0], $0xffff;
	[tilespmem:s26+$0x0] =	vst v18  }
0x32f: {  	s22 =	sor.u32 $0x300, s0;
	v18 =	vor.u32 $0x100, v1;
	[tilespmem:s20+$0x14800] =	vst v12;
	v20 =	vld.idx.msk [tilespmem:v11+s25+$0x0], $0xffff  }
0x330: {  	v6 =	vor.u32 $0x100, v21;
	v22 =	vld.idx.msk [tilespmem:v9+s25+$0x0], $0xffff;
	[tilespmem:s22+$0x14800] =	vst v13  }
0x331: {  	v23 =	vor.u32 $0x100, v10;
	v14 =	vld.idx.msk [tilespmem:v14+s25+$0x0], $0xffff;
	[tilespmem:s19+$0x80] =	vst v16  }
0x332: {  	v16 =	vor.u32 $0x300, v0;
	[tilespmem:s16+$0x80] =	vst v8;
	v24 =	vld.idx.msk [tilespmem:v5+s25+$0x0], $0xffff  }
0x333: {  	v25 =	vor.u32 $0x380, v4;
	v19 =	vld.idx.msk [tilespmem:v17+s25+$0x0], $0xffff;
	[tilespmem:s18+$0x80] =	vst v15  }
0x334: {  	s30 =	sor.u32 $0x300, s4;
	v4 =	vor.u32 $0x380, v21;
	v17 =	vld.idx.msk [tilespmem:v18+s25+$0x0], $0xffff;
	[tilespmem:s26+$0x80] =	vst v20  }
0x335: {  	s28 =	sor.u32 $0x280, s1;
	v11 =	vor.u32 $0x200, v21;
	v13 =	vor.u32 $0x180, v21;
	v18 =	vld.idx.msk [tilespmem:v6+s25+$0x0], $0xffff;
	[tilespmem:s30+$0x14800] =	vst v22;
	v22 =	vor.u32 $0x180, v2  }
0x336: {  	s3 =	simm.s32 $0x80;
	s6 =	sor.u32 $0x300, s1;
	[tilespmem:s28+$0x14800] =	vst v7;
	v8 =	vor.u32 $0x280, v21;
	v6 =	vor.u32 $0x300, v21;
	v21 =	vor.u32 $0x180, v1;
	v20 =	vld.idx.msk [tilespmem:v23+s25+$0x0], $0xffff  }
0x337: {  	s7 =	sor.u32 $0x380, s1;
	s29 =	sor.u32 $0x380, s4;
	s0 =	sor.u32 $0x380, s0;
	v3 =	vor.u32 $0x380, v3;
	v12 =	vor.u32 $0x180, v10;
	v7 =	vor.u32 $0x280, v10;
	v15 =	vld.idx.msk [tilespmem:v16+s25+$0x0], $0xffff  }
0x338: {  	s11 =	simm.s32 $0x4;
	s17 =	sor.u32 $0x300, s8;
	v9 =	vor.u32 $0x200, v10;
	s22 =	sor.u32 $0x380, s8;
	v5 =	vor.u32 $0x300, v10;
	v10 =	vor.u32 $0x380, v10;
	v16 =	vld.idx.msk [tilespmem:v25+s25+$0x0], $0xffff;
	[tilespmem:s0+$0x14800] =	vst v24  }
.LBB2_13:
0x339: {  	v23 =	vld [tilespmem:s3+$0x0];
	[tilespmem:s19+$0x100] =	vst v19;
	s13 =	sadd.s32 $0x40, s13  }
0x33a: {  	s11 =	sadd.s32 $0x4, s11;
	s20 =	sand.u32 $0x40, s13;
	[tilespmem:s16+$0x100] =	vst v17;
	v17 =	vld.idx.msk [tilespmem:v22+s25+$0x0], $0xffff  }
0x33b: {  	s0 =	sand.u32 $0x780, s13;
	p2 =	slt.u32 s11, $0x7C;
	s5 =	sor.u32 $0x30, s20;
	v19 =	vld.idx.msk [tilespmem:v21+s25+$0x0], $0xffff;
	[tilespmem:s18+$0x100] =	vst v18  }
0x33c: {  	s4 =	sor.u32 $0x10, s20;
	s1 =	sor.u32 $0x20, s20;
	v18 =	vor.u32 $0x200, v2;
	s2 =	sor.u32 s5, s0;
	v13 =	vld.idx.msk [tilespmem:v13+s25+$0x0], $0xffff;
	[tilespmem:s26+$0x100] =	vst v20  }
0x33d: {  	v21 =	vor.u32 $0x200, v1;
	s8 =	sor.u32 s4, s0;
	s0 =	sor.u32 s1, s0;
	v20 =	vld [tilespmem:s2+$0x0];
	[tilespmem:s17+$0x14800] =	vst v14  }
0x33e: {  	v14 =	vld [tilespmem:s8+$0x0];
	[tilespmem:s6+$0x14800] =	vst v15  }
0x33f: {  	v15 =	vshll.u32 v23, $0x3;
	v22 =	vld [tilespmem:s0+$0x0];
	[tilespmem:s29+$0x14800] =	vst v16  }
0x340: {  	v16 =	vand.u32 $0x7F, v23;
	v15 =	vand.u32 $0xFFFFFC00, v15;
	v12 =	vld.idx.msk [tilespmem:v12+s25+$0x0], $0xffff;
	[tilespmem:s19+$0x180] =	vst v17;
	v17 =	vor.u32 $0x380, v0;
	v0 =	vmovc v1  }
0x341: {  	p1 =	por !p1, !p1;
	s0 =	simm.s32 $0x1;
	v1 =	vor.u32 v16, v15;
	[tilespmem:s16+$0x180] =	vst v19;
	v15 =	vld.idx.msk [tilespmem:v18+s25+$0x0], $0xffff  }
0x342: {  	s0 =	simm.s32 @!p1 $0x0;
	v16 =	vshll.u32 v20, $0x3;
	v18 =	vld.idx.msk [tilespmem:v21+s25+$0x0], $0xffff;
	[tilespmem:s18+$0x180] =	vst v13  }
0x343: {  	s0 =	sshll.u32 s0, $0x6;
	v13 =	vand.u32 $0x7F, v20;
	v16 =	vand.u32 $0xFFFFFC00, v16;
	v19 =	vld.idx.msk [tilespmem:v11+s25+$0x0], $0xffff;
	v11 =	vor.u32 $0x280, v2  }
0x344: {  	s2 =	sadd.s32 s0, s10;
	v20 =	vshll.u32 v14, $0x3;
	v21 =	vshll.u32 v22, $0x3;
	v16 =	vor.u32 v13, v16;
	v23 =	vld.idx.msk [tilespmem:v3+s25+$0x0], $0xffff;
	v3 =	vmovc v10  }
0x345: {  	s16 =	sadd.s32 $0x10, s2;
	s18 =	sadd.s32 $0x20, s2;
	s30 =	sadd.s32 $0x30, s2;
	v10 =	vand.u32 $0x7F, v14;
	v13 =	vand.u32 $0xFFFFFC00, v20;
	v14 =	vand.u32 $0xFFFFFC00, v21;
	v17 =	vld.idx.msk [tilespmem:v17+s25+$0x0], $0xffff  }
0x346: {  	s19 =	sor.u32 $0x200, s16;
	s0 =	sor.u32 $0x200, s30;
	v10 =	vor.u32 v10, v13;
	v13 =	vand.u32 $0x7F, v22;
	v21 =	vor.u32 $0x280, v0;
	v20 =	vld.idx.msk [tilespmem:v1+s25+$0x0], $0xffff;
	[tilespmem:s26+$0x180] =	vst v12;
	s26 =	sor.u32 $0x200, s18  }
0x347: {  	s6 =	sor.u32 $0x200, s2;
	s28 =	sor.u32 $0x280, s16;
	s9 =	sor.u32 $0x280, s18;
	v22 =	vor.u32 $0x80, v10;
	v24 =	vor.u32 $0x100, v10;
	v14 =	vor.u32 v13, v14;
	v25 =	vld.idx.msk [tilespmem:v9+s25+$0x0], $0xffff;
	[tilespmem:s0+$0x14800] =	vst v15  }
0x348: {  	s8 =	sor.u32 $0x280, s2;
	s17 =	sor.u32 $0x300, s18;
	v13 =	vor.u32 $0x180, v10;
	v15 =	vor.u32 $0x80, v14;
	v26 =	vor.u32 $0x100, v14;
	s0 =	sor.u32 $0x300, s16;
	[tilespmem:s6+$0x14800] =	vst v18;
	v18 =	vld.idx.msk [tilespmem:v11+s25+$0x0], $0xffff  }
0x349: {  	s29 =	sor.u32 $0x380, s16;
	v12 =	vor.u32 $0x180, v14;
	v9 =	vor.u32 $0x200, v14;
	s16 =	sor.u32 $0x380, s18;
	v11 =	vor.u32 $0x200, v10;
	s6 =	sor.u32 $0x300, s2;
	v27 =	vld.idx.msk [tilespmem:v16+s25+$0x0], $0xffff;
	[tilespmem:s19+$0x14800] =	vst v19  }
0x34a: {  	v29 =	vor.u32 $0x300, v2;
	s2 =	sor.u32 $0x380, s2;
	v19 =	vor.u32 $0x280, v14;
	v28 =	vld.idx.msk [tilespmem:v8+s25+$0x0], $0xffff;
	v8 =	vor.u32 $0x280, v10;
	[tilespmem:s22+$0x14800] =	vst v23;
	s22 =	smov.u32 s16  }
0x34b: {  	s10 =	sadd.s32 $0x200, s10;
	v32 =	vor.u32 $0x80, v16;
	v30 =	vor.u32 $0x300, v10;
	v31 =	vor.u32 $0x300, v14;
	v23 =	vld.idx.msk [tilespmem:v10+s25+$0x0], $0xffff;
	[tilespmem:s7+$0x14800] =	vst v17;
	s7 =	smov.u32 s2  }
0x34c: {  	v33 =	vor.u32 $0x380, v10;
	s2 =	sand.u32 $0x3C00, s10;
	v17 =	vor.u32 $0x80, v1;
	v10 =	vor.u32 $0x380, v14;
	v34 =	vld.idx.msk [tilespmem:v14+s25+$0x0], $0xffff  }
0x34d: {  	s2 =	sadd.s32 $0x14800, s2;
	v35 =	vld.idx.msk [tilespmem:v21+s25+$0x0], $0xffff;
	[tilespmem:s26+$0x14800] =	vst v25;
	s26 =	sor.u32 $0x280, s30  }
0x34e: {  	s16 =	sor.u32 s20, s2;
	s18 =	sor.u32 s4, s2;
	s19 =	sor.u32 s5, s2;
	v14 =	vld.idx.msk [tilespmem:v7+s25+$0x0], $0xffff;
	[tilespmem:s26+$0x14800] =	vst v18;
	v7 =	vmov v19  }
0x34f: {  	s26 =	sor.u32 s1, s2;
	[tilespmem:s19+$0x0] =	vst v27;
	v18 =	vld.idx.msk [tilespmem:v29+s25+$0x0], $0xffff  }
0x350: {  	[tilespmem:s16+$0x0] =	vst v20;
	v19 =	vld.idx.msk [tilespmem:v32+s25+$0x0], $0xffff  }
0x351: {  	v20 =	vor.u32 $0x380, v2;
	v2 =	vmov v16;
	v17 =	vld.idx.msk [tilespmem:v17+s25+$0x0], $0xffff;
	[tilespmem:s18+$0x0] =	vst v23  }
0x352: {  	v21 =	vor.u32 $0x100, v2;
	v16 =	vld.idx.msk [tilespmem:v22+s25+$0x0], $0xffff;
	[tilespmem:s26+$0x0] =	vst v34  }
0x353: {  	v22 =	vor.u32 $0x100, v1;
	v15 =	vld.idx.msk [tilespmem:v15+s25+$0x0], $0xffff;
	[tilespmem:s28+$0x14800] =	vst v28  }
0x354: {  	s1 =	sor.u32 $0x300, s30;
	v23 =	vld.idx.msk [tilespmem:v6+s25+$0x0], $0xffff;
	[tilespmem:s9+$0x14800] =	vst v14;
	v6 =	vmov v30  }
0x355: {  	v14 =	vld.idx.msk [tilespmem:v5+s25+$0x0], $0xffff;
	[tilespmem:s1+$0x14800] =	vst v18;
	v5 =	vmov v31  }
0x356: {  	v25 =	vor.u32 $0x300, v0;
	[tilespmem:s19+$0x80] =	vst v19;
	v27 =	vld.idx.msk [tilespmem:v20+s25+$0x0], $0xffff  }
0x357: {  	[tilespmem:s16+$0x80] =	vst v17;
	v19 =	vld.idx.msk [tilespmem:v21+s25+$0x0], $0xffff  }
.Ltmp5:
0x358: {  	v17 =	vld.idx.msk [tilespmem:v22+s25+$0x0], $0xffff;
	[tilespmem:s18+$0x80] =	vst v16;
	(pc) =	sbr.rel @p2 .LBB2_13-.Ltmp5, $4  }
0x359: {  	v22 =	vor.u32 $0x180, v2;
	v18 =	vld.idx.msk [tilespmem:v24+s25+$0x0], $0xffff;
	[tilespmem:s26+$0x80] =	vst v15  }
0x35a: {  	v21 =	vor.u32 $0x180, v1;
	v20 =	vld.idx.msk [tilespmem:v26+s25+$0x0], $0xffff;
	[tilespmem:s8+$0x14800] =	vst v35  }
0x35b: {  	v15 =	vld.idx.msk [tilespmem:v25+s25+$0x0], $0xffff;
	[tilespmem:s0+$0x14800] =	vst v23;
	s0 =	sor.u32 $0x380, s30  }
0x35c: {  	s3 =	sadd.s32 $0x40, s3;
	v16 =	vld.idx.msk [tilespmem:v4+s25+$0x0], $0xffff;
	[tilespmem:s0+$0x14800] =	vst v27;
	v4 =	vmov v33  }
0x35d: {  	_ =	sdelay $0x2  }
0x35e: {  	[tilespmem:s19+$0x100] =	vst v19  }
0x35f: {  	v19 =	vld.idx.msk [tilespmem:v22+s25+$0x0], $0xffff;
	[tilespmem:s18+$0x100] =	vst v18  }
0x360: {  	v53 =	vor.u32 $0x200, v2;
	v13 =	vld.idx.msk [tilespmem:v13+s25+$0x0], $0xffff;
	_ =	sdelay $0x1  }
0x361: {  	[tilespmem:s26+$0x100] =	vst v20  }
0x362: {  	[tilespmem:s16+$0x100] =	vst v17;
	v12 =	vld.idx.msk [tilespmem:v12+s25+$0x0], $0xffff  }
0x363: {  	p1 =	por !p1, !p1;
	s0 =	simm.s32 $0x1;
	v17 =	vld.idx.msk [tilespmem:v21+s25+$0x0], $0xffff;
	[tilespmem:s19+$0x180] =	vst v19  }
0x364: {  	v54 =	vor.u32 $0x200, v1;
	s0 =	simm.s32 @!p1 $0x0;
	v18 =	vld.idx.msk [tilespmem:v53+s25+$0x0], $0xffff;
	[tilespmem:s18+$0x180] =	vst v13  }
0x365: {  	v55 =	vor.u32 $0x280, v2;
	s0 =	sshll.u32 s0, $0x6;
	v11 =	vld.idx.msk [tilespmem:v11+s25+$0x0], $0xffff  }
0x366: {  	s0 =	sadd.s32 s0, s10  }
0x367: {  	s1 =	sadd.s32 $0x30, s0;
	[tilespmem:s26+$0x180] =	vst v12  }
0x368: {  	s2 =	sadd.s32 $0x10, s0;
	s3 =	sor.u32 $0x200, s1;
	[tilespmem:s16+$0x180] =	vst v17;
	v9 =	vld.idx.msk [tilespmem:v9+s25+$0x0], $0xffff  }
0x369: {  	s5 =	sor.u32 $0x200, s2;
	v56 =	vld.idx.msk [tilespmem:v54+s25+$0x0], $0xffff;
	[tilespmem:s3+$0x14800] =	vst v18  }
0x36a: {  	v57 =	vor.u32 $0x280, v1;
	v13 =	vld.idx.msk [tilespmem:v55+s25+$0x0], $0xffff;
	[tilespmem:s5+$0x14800] =	vst v11  }
0x36b: {  	v58 =	vor.u32 $0x300, v2;
	s4 =	sadd.s32 $0x20, s0;
	v8 =	vld.idx.msk [tilespmem:v8+s25+$0x0], $0xffff  }
0x36c: {  	[tilespmem:s17+$0x14800] =	vst v14;
	s9 =	sor.u32 $0x200, s4  }
0x36d: {  	s10 =	sor.u32 $0x200, s0;
	[tilespmem:s9+$0x14800] =	vst v9  }
0x36e: {  	v0 =	vor.u32 $0x380, v0;
	s11 =	sor.u32 $0x280, s1;
	[tilespmem:s10+$0x14800] =	vst v56;
	v7 =	vld.idx.msk [tilespmem:v7+s25+$0x0], $0xffff  }
0x36f: {  	s12 =	sor.u32 $0x280, s2;
	v59 =	vld.idx.msk [tilespmem:v57+s25+$0x0], $0xffff;
	[tilespmem:s11+$0x14800] =	vst v13  }
0x370: {  	v60 =	vor.u32 $0x300, v1;
	v11 =	vld.idx.msk [tilespmem:v58+s25+$0x0], $0xffff;
	[tilespmem:s12+$0x14800] =	vst v8  }
0x371: {  	v61 =	vor.u32 $0x380, v2;
	[tilespmem:s6+$0x14800] =	vst v15;
	v6 =	vld.idx.msk [tilespmem:v6+s25+$0x0], $0xffff  }
0x372: {  	v3 =	vld.idx.msk [tilespmem:v3+s25+$0x0], $0xffff;
	[tilespmem:s29+$0x14800] =	vst v16;
	s13 =	sor.u32 $0x280, s4  }
0x373: {  	v0 =	vld.idx.msk [tilespmem:v0+s25+$0x0], $0xffff;
	s16 =	sor.u32 $0x280, s0;
	[tilespmem:s13+$0x14800] =	vst v7  }
0x374: {  	s17 =	sor.u32 $0x300, s1;
	[tilespmem:s16+$0x14800] =	vst v59;
	v5 =	vld.idx.msk [tilespmem:v5+s25+$0x0], $0xffff  }
0x375: {  	s18 =	sor.u32 $0x300, s2;
	v62 =	vld.idx.msk [tilespmem:v60+s25+$0x0], $0xffff;
	[tilespmem:s17+$0x14800] =	vst v11  }
0x376: {  	v63 =	vor.u32 $0x380, v1;
	v2 =	vld.idx.msk [tilespmem:v61+s25+$0x0], $0xffff;
	[tilespmem:s18+$0x14800] =	vst v6  }
0x377: {  	[tilespmem:s22+$0x14800] =	vst v3;
	v4 =	vld.idx.msk [tilespmem:v4+s25+$0x0], $0xffff  }
0x378: {  	s19 =	sor.u32 $0x300, s4;
	[tilespmem:s7+$0x14800] =	vst v0  }
0x379: {  	s20 =	sor.u32 $0x300, s0;
	[tilespmem:s19+$0x14800] =	vst v5  }
0x37a: {  	s1 =	sor.u32 $0x380, s1;
	[tilespmem:s20+$0x14800] =	vst v62;
	v5 =	vld.idx.msk [tilespmem:v10+s25+$0x0], $0xffff  }
0x37b: {  	s2 =	sor.u32 $0x380, s2;
	v1 =	vld.idx.msk [tilespmem:v63+s25+$0x0], $0xffff;
	[tilespmem:s1+$0x14800] =	vst v2  }
0x37c: {  	[tilespmem:s2+$0x14800] =	vst v4  }
0x37d: {  	s2 =	rddreg [dreg:$0x11]  }
0x37e: {  	s26 =	sor.u32 $0x380, s4;
	s2 =	sadd.s32 s14, s2  }
0x37f: {  	s29 =	rddreg [dreg:$0x2];
	s0 =	sor.u32 $0x380, s0;
	[tilespmem:s26+$0x14800] =	vst v5;
	s28 =	sshll.u32 s2, $0x8  }
0x380: {  	s30 =	simm.s32 $0x14800;
	[tilespmem:s0+$0x14800] =	vst v1;
	s26 =	simm.s32 $0x0;
	s0 =	sadd.s32 s29, s28  }
0x381: {  	[hbm4b:s0+s26] =	stream.linear.scatter [tilespmem:s30], [sflag:$0x6], $0x4000, $0x38;
	[tilespmem:$0x18800] =	vst v63  }
0x382: {  	s0 =	rddreg [dreg:$0x12]  }
0x383: {  	s0 =	sadd.s32 @!p0 s15, s0  }
0x384: {  	p1 =	sne.s32 @!p0 s21, $0x14;
	s0 =	sshll.u32 @!p0 s0, $0xB  }
0x385: {  	s1 =	simm.s32 @!p0 $0x0;
	s2 =	simm.s32 @!p0 $0x8800;
	s0 =	sadd.s32 @!p0 s31, s0  }
0x386: {  	[tilespmem:s2], [sflag:$0x3] =	stream.linear.gather @!p0 [hbm4b:s0+s1], $0x4000, $0x38;
	[tilespmem:$0x18800] =	vst v63  }
0x387: {  	p0 =	por p0, !p1  }
.Ltmp6:
0x388: {  	_ = 	snop;
	(pc) =	sbr.rel @!p0 .LBB2_8-.Ltmp6, $2  }
0x389: {  	_ =	sdelay $0x2  }
0x38a: {  	s13 =	smov.u32 s21  }
0x38b: {  	s0 =	simm.s32 $0x1  }
0x38c: {  	_ =	swait.ge [sflag:s0], $0x4000  }
0x38d: {  	[sflag:s0] =	ssyncset.done $0x0  }
0x38e: {  	s11 =	simm.s32 $0x0;
	s4 =	simm.s32 $0x4;
	[sflag:s0] =	ssyncadd.s32 $0xFFFFC000  }
0x38f: {  	s1 =	sand.u32 $0x40, s11;
	_ =	swait.ge [sflag:s4], $0x4000  }
0x390: {  	s2 =	sand.u32 $0x780, s11;
	s3 =	sor.u32 $0x30, s1;
	[sflag:s4] =	ssyncset.done $0x0  }
0x391: {  	s12 =	sor.u32 s3, s2;
	[sflag:s4] =	ssyncadd.s32 $0xFFFFC000  }
0x392: {  	v0 =	vld [tilespmem:s12+$0x0]  }
0x393: {  	s13 =	sor.u32 $0x10, s1;
	v1 =	vld [tilespmem:s11+$0x0]  }
0x394: {  	s5 =	sor.u32 $0x20, s1;
	s6 =	sor.u32 s13, s2  }
0x395: {  	s2 =	sor.u32 s5, s2;
	v2 =	vld [tilespmem:s6+$0x0]  }
0x396: {  	v3 =	vld [tilespmem:s2+$0x0]  }
0x397: {  	v4 =	vshll.u32 v0, $0x3  }
0x398: {  	v5 =	vshll.u32 v1, $0x3;
	v0 =	vand.u32 $0x7F, v0;
	v4 =	vand.u32 $0xFFFFFC00, v4  }
0x399: {  	v1 =	vand.u32 $0x7F, v1;
	v6 =	vand.u32 $0xFFFFFC00, v5;
	v5 =	vor.u32 v0, v4  }
0x39a: {  	v0 =	vor.u32 v1, v6;
	v1 =	vshll.u32 v2, $0x3  }
0x39b: {  	v4 =	vshll.u32 v3, $0x3;
	v2 =	vand.u32 $0x7F, v2;
	v1 =	vand.u32 $0xFFFFFC00, v1  }
0x39c: {  	v6 =	vand.u32 $0xFFFFFC00, v4;
	v4 =	vor.u32 v2, v1;
	v1 =	vand.u32 $0x7F, v3  }
0x39d: {  	v3 =	vor.u32 v1, v6  }
0x39e: {  	v1 =	vld.idx.msk [tilespmem:v5+s23+$0x0], $0xffff  }
0x39f: {  	v6 =	vor.u32 $0x80, v5;
	v2 =	vld.idx.msk [tilespmem:v0+s23+$0x0], $0xffff  }
0x3a0: {  	s0 =	sand.u32 $0x3C00, s11;
	v7 =	vor.u32 $0x80, v0  }
0x3a1: {  	s14 =	sadd.s32 $0xC800, s0;
	v8 =	vld.idx.msk [tilespmem:v4+s23+$0x0], $0xffff  }
0x3a2: {  	s8 =	sor.u32 s3, s14;
	v9 =	vor.u32 $0x80, v4;
	v10 =	vld.idx.msk [tilespmem:v3+s23+$0x0], $0xffff  }
0x3a3: {  	s0 =	sor.u32 s1, s14;
	v11 =	vor.u32 $0x80, v3;
	[tilespmem:s8+$0x0] =	vst v1  }
0x3a4: {  	[tilespmem:s0+$0x0] =	vst v2;
	v1 =	vld.idx.msk [tilespmem:v6+s23+$0x0], $0xffff  }
0x3a5: {  	s15 =	sor.u32 s13, s14;
	v2 =	vld.idx.msk [tilespmem:v7+s23+$0x0], $0xffff;
	v6 =	vor.u32 $0x100, v5  }
0x3a6: {  	s7 =	sor.u32 s5, s14;
	v7 =	vor.u32 $0x100, v0;
	[tilespmem:s15+$0x0] =	vst v8  }
0x3a7: {  	v8 =	vld.idx.msk [tilespmem:v9+s23+$0x0], $0xffff;
	[tilespmem:s7+$0x0] =	vst v10  }
0x3a8: {  	v9 =	vor.u32 $0x100, v4;
	v10 =	vld.idx.msk [tilespmem:v11+s23+$0x0], $0xffff  }
0x3a9: {  	v11 =	vor.u32 $0x100, v3;
	[tilespmem:s8+$0x80] =	vst v1  }
0x3aa: {  	[tilespmem:s0+$0x80] =	vst v2;
	v1 =	vld.idx.msk [tilespmem:v6+s23+$0x0], $0xffff  }
0x3ab: {  	v2 =	vld.idx.msk [tilespmem:v7+s23+$0x0], $0xffff;
	v6 =	vor.u32 $0x180, v5  }
0x3ac: {  	v7 =	vor.u32 $0x180, v0;
	[tilespmem:s15+$0x80] =	vst v8  }
0x3ad: {  	v8 =	vld.idx.msk [tilespmem:v9+s23+$0x0], $0xffff;
	[tilespmem:s7+$0x80] =	vst v10  }
0x3ae: {  	s12 =	simm.s32 $0x40;
	v9 =	vor.u32 $0x180, v4;
	v10 =	vld.idx.msk [tilespmem:v11+s23+$0x0], $0xffff  }
0x3af: {  	s16 =	sand.u32 $0x40, s12;
	v11 =	vld [tilespmem:s12+$0x0];
	[tilespmem:s8+$0x100] =	vst v1  }
0x3b0: {  	s21 =	sand.u32 $0x780, s12;
	s22 =	sor.u32 $0x30, s16;
	[tilespmem:s0+$0x100] =	vst v2;
	v1 =	vld.idx.msk [tilespmem:v6+s23+$0x0], $0xffff  }
0x3b1: {  	s28 =	sor.u32 s22, s21;
	v2 =	vor.u32 $0x180, v3;
	v6 =	vld.idx.msk [tilespmem:v7+s23+$0x0], $0xffff  }
0x3b2: {  	s29 =	sor.u32 $0x10, s16;
	v7 =	vor.u32 $0x200, v5;
	[tilespmem:s15+$0x100] =	vst v8;
	v8 =	vld [tilespmem:s28+$0x0]  }
0x3b3: {  	s30 =	sor.u32 $0x20, s16;
	s9 =	sor.u32 s29, s21;
	v9 =	vld.idx.msk [tilespmem:v9+s23+$0x0], $0xffff  }
0x3b4: {  	s2 =	sor.u32 s30, s21;
	v13 =	vld [tilespmem:s9+$0x0];
	v12 =	vor.u32 $0x200, v4;
	v14 =	vshll.u32 v11, $0x3  }
0x3b5: {  	v15 =	vld [tilespmem:s2+$0x0];
	[tilespmem:s7+$0x100] =	vst v10;
	v10 =	vor.u32 $0x200, v0;
	v11 =	vand.u32 $0x7F, v11;
	v14 =	vand.u32 $0xFFFFFC00, v14  }
0x3b6: {  	p0 =	por $0x0, $0x0;
	s2 =	simm.s32 $0x1;
	v16 =	vld.idx.msk [tilespmem:v2+s23+$0x0], $0xffff;
	[tilespmem:s8+$0x180] =	vst v1;
	v1 =	vor.u32 v11, v14  }
0x3b7: {  	s2 =	simm.s32 @!p0 $0x0;
	v11 =	vor.u32 $0x200, v3;
	v7 =	vld.idx.msk [tilespmem:v7+s23+$0x0], $0xffff;
	v2 =	vshll.u32 v8, $0x3  }
0x3b8: {  	s2 =	sshll.u32 s2, $0x6;
	v8 =	vand.u32 $0x7F, v8;
	[tilespmem:s15+$0x180] =	vst v9;
	v2 =	vand.u32 $0xFFFFFC00, v2;
	v9 =	vor.u32 $0x280, v5  }
0x3b9: {  	s1 =	sadd.s32 $0x0, s2;
	v14 =	vor.u32 $0x280, v4;
	[tilespmem:s0+$0x180] =	vst v6;
	v6 =	vld.idx.msk [tilespmem:v12+s23+$0x0], $0xffff;
	v12 =	vshll.u32 v13, $0x3;
	v2 =	vor.u32 v8, v2  }
0x3ba: {  	s8 =	sadd.s32 $0x30, s1;
	v8 =	vld.idx.msk [tilespmem:v10+s23+$0x0], $0xffff;
	v10 =	vshll.u32 v15, $0x3;
	v13 =	vand.u32 $0x7F, v13;
	v12 =	vand.u32 $0xFFFFFC00, v12  }
0x3bb: {  	s11 =	sor.u32 $0x200, s8;
	v10 =	vand.u32 $0xFFFFFC00, v10;
	[tilespmem:s7+$0x180] =	vst v16;
	v17 =	vld.idx.msk [tilespmem:v1+s23+$0x0], $0xffff;
	v21 =	vor.u32 v13, v12;
	v12 =	vand.u32 $0x7F, v15  }
0x3bc: {  	s13 =	sadd.s32 $0x10, s1;
	v11 =	vld.idx.msk [tilespmem:v11+s23+$0x0], $0xffff;
	v10 =	vor.u32 v12, v10;
	[tilespmem:s11+$0xC800] =	vst v7  }
0x3bd: {  	s14 =	sor.u32 $0x200, s13;
	v7 =	vor.u32 $0x280, v0;
	v9 =	vld.idx.msk [tilespmem:v9+s23+$0x0], $0xffff  }
0x3be: {  	s10 =	simm.s32 $0x200;
	s17 =	sor.u32 $0x200, s1;
	v12 =	vor.u32 $0x280, v3;
	v13 =	vld.idx.msk [tilespmem:v2+s23+$0x0], $0xffff;
	[tilespmem:s14+$0xC800] =	vst v6  }
0x3bf: {  	s19 =	sand.u32 $0x3C00, s10;
	s15 =	sadd.s32 $0x20, s1;
	[tilespmem:s17+$0xC800] =	vst v8;
	v8 =	vor.u32 $0x80, v1;
	v6 =	vld.idx.msk [tilespmem:v14+s23+$0x0], $0xffff  }
0x3c0: {  	s2 =	sadd.s32 $0xC800, s19;
	s18 =	sor.u32 $0x200, s15;
	v14 =	vor.u32 $0x300, v5;
	v15 =	vld.idx.msk [tilespmem:v21+s23+$0x0], $0xffff  }
0x3c1: {  	s6 =	sor.u32 s16, s2;
	v16 =	vor.u32 $0x80, v2;
	[tilespmem:s18+$0xC800] =	vst v11;
	v18 =	vld.idx.msk [tilespmem:v10+s23+$0x0], $0xffff  }
0x3c2: {  	s20 =	sor.u32 $0x280, s8;
	v19 =	vor.u32 $0x80, v21;
	[tilespmem:s6+$0x0] =	vst v17;
	v22 =	vld.idx.msk [tilespmem:v7+s23+$0x0], $0xffff  }
0x3c3: {  	s18 =	sor.u32 s22, s2;
	v7 =	vor.u32 $0x80, v10;
	v11 =	vld.idx.msk [tilespmem:v12+s23+$0x0], $0xffff;
	[tilespmem:s20+$0xC800] =	vst v9  }
0x3c4: {  	s21 =	sor.u32 $0x280, s13;
	v9 =	vor.u32 $0x300, v4;
	[tilespmem:s18+$0x0] =	vst v13;
	v8 =	vld.idx.msk [tilespmem:v8+s23+$0x0], $0xffff  }
0x3c5: {  	s17 =	sor.u32 s29, s2;
	v13 =	vor.u32 $0x300, v3;
	v12 =	vld.idx.msk [tilespmem:v14+s23+$0x0], $0xffff;
	[tilespmem:s21+$0xC800] =	vst v6  }
0x3c6: {  	s14 =	sor.u32 s30, s2;
	v5 =	vor.u32 $0x380, v5;
	v16 =	vld.idx.msk [tilespmem:v16+s23+$0x0], $0xffff;
	[tilespmem:s17+$0x0] =	vst v15  }
0x3c7: {  	v17 =	vor.u32 $0x100, v2;
	s22 =	sor.u32 $0x280, s15;
	v15 =	vld.idx.msk [tilespmem:v19+s23+$0x0], $0xffff;
	[tilespmem:s14+$0x0] =	vst v18  }
0x3c8: {  	s29 =	sor.u32 $0x280, s1;
	v18 =	vor.u32 $0x100, v1;
	[tilespmem:s22+$0xC800] =	vst v11;
	v7 =	vld.idx.msk [tilespmem:v7+s23+$0x0], $0xffff  }
0x3c9: {  	s28 =	sor.u32 $0x300, s8;
	v6 =	vor.u32 $0x100, v21;
	[tilespmem:s29+$0xC800] =	vst v22;
	v23 =	vld.idx.msk [tilespmem:v9+s23+$0x0], $0xffff  }
0x3ca: {  	v20 =	vor.u32 $0x100, v10;
	v14 =	vld.idx.msk [tilespmem:v13+s23+$0x0], $0xffff;
	[tilespmem:s28+$0xC800] =	vst v12  }
0x3cb: {  	[tilespmem:s18+$0x80] =	vst v16;
	v16 =	vor.u32 $0x300, v0;
	v24 =	vld.idx.msk [tilespmem:v5+s23+$0x0], $0xffff  }
0x3cc: {  	v25 =	vor.u32 $0x380, v4;
	[tilespmem:s6+$0x80] =	vst v8;
	v19 =	vld.idx.msk [tilespmem:v17+s23+$0x0], $0xffff  }
0x3cd: {  	v4 =	vor.u32 $0x380, v21;
	v17 =	vld.idx.msk [tilespmem:v18+s23+$0x0], $0xffff;
	[tilespmem:s17+$0x80] =	vst v15  }
0x3ce: {  	v11 =	vor.u32 $0x200, v21;
	v22 =	vor.u32 $0x180, v2;
	v13 =	vor.u32 $0x180, v21;
	v18 =	vld.idx.msk [tilespmem:v6+s23+$0x0], $0xffff;
	[tilespmem:s14+$0x80] =	vst v7  }
0x3cf: {  	s3 =	sor.u32 $0x380, s13;
	s0 =	sor.u32 $0x380, s8;
	s30 =	sor.u32 $0x300, s13;
	v8 =	vor.u32 $0x280, v21;
	v6 =	vor.u32 $0x300, v21;
	v21 =	vor.u32 $0x180, v1;
	v20 =	vld.idx.msk [tilespmem:v20+s23+$0x0], $0xffff  }
0x3d0: {  	s16 =	sor.u32 $0x300, s15;
	s7 =	sor.u32 $0x380, s1;
	s11 =	simm.s32 $0x4;
	v3 =	vor.u32 $0x380, v3;
	v9 =	vor.u32 $0x200, v10;
	v12 =	vor.u32 $0x180, v10;
	[tilespmem:s30+$0xC800] =	vst v23;
	v15 =	vld.idx.msk [tilespmem:v16+s23+$0x0], $0xffff  }
0x3d1: {  	s13 =	sor.u32 $0x380, s15;
	s15 =	simm.s32 $0x80;
	s21 =	sor.u32 $0x300, s1;
	v5 =	vor.u32 $0x300, v10;
	v7 =	vor.u32 $0x280, v10;
	v10 =	vor.u32 $0x380, v10;
	v16 =	vld.idx.msk [tilespmem:v25+s23+$0x0], $0xffff;
	[tilespmem:s0+$0xC800] =	vst v24  }
.LBB2_16:
0x3d2: {  	v23 =	vld [tilespmem:s15+$0x0];
	[tilespmem:s18+$0x100] =	vst v19;
	s12 =	sadd.s32 $0x40, s12  }
0x3d3: {  	s11 =	sadd.s32 $0x4, s11;
	s19 =	sand.u32 $0x40, s12;
	[tilespmem:s6+$0x100] =	vst v17;
	v17 =	vld.idx.msk [tilespmem:v22+s23+$0x0], $0xffff  }
0x3d4: {  	s0 =	sand.u32 $0x780, s12;
	p1 =	slt.u32 s11, $0x7C;
	s5 =	sor.u32 $0x30, s19;
	v19 =	vld.idx.msk [tilespmem:v21+s23+$0x0], $0xffff;
	[tilespmem:s17+$0x100] =	vst v18  }
0x3d5: {  	s4 =	sor.u32 $0x10, s19;
	s1 =	sor.u32 $0x20, s19;
	v18 =	vor.u32 $0x200, v2;
	s2 =	sor.u32 s5, s0;
	v13 =	vld.idx.msk [tilespmem:v13+s23+$0x0], $0xffff;
	[tilespmem:s14+$0x100] =	vst v20  }
0x3d6: {  	v21 =	vor.u32 $0x200, v1;
	s8 =	sor.u32 s4, s0;
	s0 =	sor.u32 s1, s0;
	v20 =	vld [tilespmem:s2+$0x0];
	[tilespmem:s16+$0xC800] =	vst v14  }
0x3d7: {  	v14 =	vld [tilespmem:s8+$0x0];
	[tilespmem:s21+$0xC800] =	vst v15  }
0x3d8: {  	v15 =	vshll.u32 v23, $0x3;
	v22 =	vld [tilespmem:s0+$0x0];
	[tilespmem:s3+$0xC800] =	vst v16  }
0x3d9: {  	v16 =	vand.u32 $0x7F, v23;
	v15 =	vand.u32 $0xFFFFFC00, v15;
	v12 =	vld.idx.msk [tilespmem:v12+s23+$0x0], $0xffff;
	[tilespmem:s18+$0x180] =	vst v17;
	v17 =	vor.u32 $0x380, v0;
	v0 =	vmovc v1  }
0x3da: {  	p0 =	por !p0, !p0;
	s0 =	simm.s32 $0x1;
	v1 =	vor.u32 v16, v15;
	[tilespmem:s6+$0x180] =	vst v19;
	v15 =	vld.idx.msk [tilespmem:v18+s23+$0x0], $0xffff  }
0x3db: {  	s0 =	simm.s32 @!p0 $0x0;
	v16 =	vshll.u32 v20, $0x3;
	v18 =	vld.idx.msk [tilespmem:v21+s23+$0x0], $0xffff;
	[tilespmem:s17+$0x180] =	vst v13  }
0x3dc: {  	s0 =	sshll.u32 s0, $0x6;
	v13 =	vand.u32 $0x7F, v20;
	v16 =	vand.u32 $0xFFFFFC00, v16;
	v19 =	vld.idx.msk [tilespmem:v11+s23+$0x0], $0xffff;
	v11 =	vor.u32 $0x280, v2  }
0x3dd: {  	s2 =	sadd.s32 s0, s10;
	v20 =	vshll.u32 v14, $0x3;
	v21 =	vshll.u32 v22, $0x3;
	v16 =	vor.u32 v13, v16;
	v23 =	vld.idx.msk [tilespmem:v3+s23+$0x0], $0xffff;
	v3 =	vmovc v10  }
0x3de: {  	s3 =	sadd.s32 $0x10, s2;
	s6 =	sadd.s32 $0x20, s2;
	s20 =	sadd.s32 $0x30, s2;
	v10 =	vand.u32 $0x7F, v14;
	v13 =	vand.u32 $0xFFFFFC00, v20;
	v14 =	vand.u32 $0xFFFFFC00, v21;
	v17 =	vld.idx.msk [tilespmem:v17+s23+$0x0], $0xffff  }
0x3df: {  	s17 =	sor.u32 $0x200, s3;
	s0 =	sor.u32 $0x200, s20;
	v10 =	vor.u32 v10, v13;
	v13 =	vand.u32 $0x7F, v22;
	v21 =	vor.u32 $0x280, v0;
	v20 =	vld.idx.msk [tilespmem:v1+s23+$0x0], $0xffff;
	[tilespmem:s14+$0x180] =	vst v12;
	s14 =	sor.u32 $0x200, s6  }
0x3e0: {  	s8 =	sor.u32 $0x200, s2;
	s22 =	sor.u32 $0x280, s3;
	s9 =	sor.u32 $0x280, s6;
	v22 =	vor.u32 $0x80, v10;
	v24 =	vor.u32 $0x100, v10;
	v14 =	vor.u32 v13, v14;
	v25 =	vld.idx.msk [tilespmem:v9+s23+$0x0], $0xffff;
	[tilespmem:s0+$0xC800] =	vst v15  }
0x3e1: {  	s16 =	sor.u32 $0x300, s6;
	v13 =	vor.u32 $0x180, v10;
	v15 =	vor.u32 $0x80, v14;
	v26 =	vor.u32 $0x100, v14;
	s0 =	sor.u32 $0x300, s3;
	[tilespmem:s8+$0xC800] =	vst v18;
	s8 =	sor.u32 $0x280, s2;
	v18 =	vld.idx.msk [tilespmem:v11+s23+$0x0], $0xffff  }
0x3e2: {  	s21 =	sor.u32 $0x300, s2;
	s6 =	sor.u32 $0x380, s6;
	v12 =	vor.u32 $0x180, v14;
	v9 =	vor.u32 $0x200, v14;
	s3 =	sor.u32 $0x380, s3;
	v11 =	vor.u32 $0x200, v10;
	v27 =	vld.idx.msk [tilespmem:v16+s23+$0x0], $0xffff;
	[tilespmem:s17+$0xC800] =	vst v19  }
0x3e3: {  	v29 =	vor.u32 $0x300, v2;
	s2 =	sor.u32 $0x380, s2;
	v19 =	vor.u32 $0x280, v14;
	v28 =	vld.idx.msk [tilespmem:v8+s23+$0x0], $0xffff;
	v8 =	vor.u32 $0x280, v10;
	[tilespmem:s13+$0xC800] =	vst v23;
	s13 =	smov.u32 s6  }
0x3e4: {  	s10 =	sadd.s32 $0x200, s10;
	v32 =	vor.u32 $0x80, v16;
	v30 =	vor.u32 $0x300, v10;
	v31 =	vor.u32 $0x300, v14;
	v23 =	vld.idx.msk [tilespmem:v10+s23+$0x0], $0xffff;
	[tilespmem:s7+$0xC800] =	vst v17;
	s7 =	smov.u32 s2  }
0x3e5: {  	v33 =	vor.u32 $0x380, v10;
	s2 =	sand.u32 $0x3C00, s10;
	v17 =	vor.u32 $0x80, v1;
	v10 =	vor.u32 $0x380, v14;
	v34 =	vld.idx.msk [tilespmem:v14+s23+$0x0], $0xffff  }
0x3e6: {  	s2 =	sadd.s32 $0xC800, s2;
	v35 =	vld.idx.msk [tilespmem:v21+s23+$0x0], $0xffff;
	[tilespmem:s14+$0xC800] =	vst v25;
	s14 =	sor.u32 $0x280, s20  }
0x3e7: {  	s6 =	sor.u32 s19, s2;
	s17 =	sor.u32 s4, s2;
	s18 =	sor.u32 s5, s2;
	v14 =	vld.idx.msk [tilespmem:v7+s23+$0x0], $0xffff;
	[tilespmem:s14+$0xC800] =	vst v18;
	v7 =	vmov v19  }
0x3e8: {  	s14 =	sor.u32 s1, s2;
	[tilespmem:s18+$0x0] =	vst v27;
	v18 =	vld.idx.msk [tilespmem:v29+s23+$0x0], $0xffff  }
0x3e9: {  	[tilespmem:s6+$0x0] =	vst v20;
	v19 =	vld.idx.msk [tilespmem:v32+s23+$0x0], $0xffff  }
0x3ea: {  	v20 =	vor.u32 $0x380, v2;
	v2 =	vmov v16;
	v17 =	vld.idx.msk [tilespmem:v17+s23+$0x0], $0xffff;
	[tilespmem:s17+$0x0] =	vst v23  }
0x3eb: {  	v21 =	vor.u32 $0x100, v2;
	v16 =	vld.idx.msk [tilespmem:v22+s23+$0x0], $0xffff;
	[tilespmem:s14+$0x0] =	vst v34  }
0x3ec: {  	v22 =	vor.u32 $0x100, v1;
	v15 =	vld.idx.msk [tilespmem:v15+s23+$0x0], $0xffff;
	[tilespmem:s22+$0xC800] =	vst v28  }
0x3ed: {  	s1 =	sor.u32 $0x300, s20;
	v23 =	vld.idx.msk [tilespmem:v6+s23+$0x0], $0xffff;
	[tilespmem:s9+$0xC800] =	vst v14;
	v6 =	vmov v30  }
0x3ee: {  	v14 =	vld.idx.msk [tilespmem:v5+s23+$0x0], $0xffff;
	[tilespmem:s1+$0xC800] =	vst v18;
	v5 =	vmov v31  }
0x3ef: {  	v25 =	vor.u32 $0x300, v0;
	[tilespmem:s18+$0x80] =	vst v19;
	v27 =	vld.idx.msk [tilespmem:v20+s23+$0x0], $0xffff  }
0x3f0: {  	[tilespmem:s6+$0x80] =	vst v17;
	v19 =	vld.idx.msk [tilespmem:v21+s23+$0x0], $0xffff  }
.Ltmp7:
0x3f1: {  	v17 =	vld.idx.msk [tilespmem:v22+s23+$0x0], $0xffff;
	[tilespmem:s17+$0x80] =	vst v16;
	(pc) =	sbr.rel @p1 .LBB2_16-.Ltmp7, $4  }
0x3f2: {  	v22 =	vor.u32 $0x180, v2;
	v18 =	vld.idx.msk [tilespmem:v24+s23+$0x0], $0xffff;
	[tilespmem:s14+$0x80] =	vst v15  }
0x3f3: {  	v21 =	vor.u32 $0x180, v1;
	v20 =	vld.idx.msk [tilespmem:v26+s23+$0x0], $0xffff;
	[tilespmem:s8+$0xC800] =	vst v35  }
0x3f4: {  	v15 =	vld.idx.msk [tilespmem:v25+s23+$0x0], $0xffff;
	[tilespmem:s0+$0xC800] =	vst v23;
	s0 =	sor.u32 $0x380, s20  }
0x3f5: {  	s15 =	sadd.s32 $0x40, s15;
	v16 =	vld.idx.msk [tilespmem:v4+s23+$0x0], $0xffff;
	[tilespmem:s0+$0xC800] =	vst v27;
	v4 =	vmov v33  }
0x3f6: {  	_ =	sdelay $0x2  }
0x3f7: {  	[tilespmem:s18+$0x100] =	vst v19  }
0x3f8: {  	[tilespmem:s6+$0x100] =	vst v17;
	v19 =	vld.idx.msk [tilespmem:v22+s23+$0x0], $0xffff  }
0x3f9: {  	v53 =	vor.u32 $0x200, v2;
	[tilespmem:s17+$0x100] =	vst v18;
	v17 =	vld.idx.msk [tilespmem:v21+s23+$0x0], $0xffff  }
0x3fa: {  	v54 =	vor.u32 $0x200, v1;
	v13 =	vld.idx.msk [tilespmem:v13+s23+$0x0], $0xffff;
	[tilespmem:s14+$0x100] =	vst v20  }
0x3fb: {  	v12 =	vld.idx.msk [tilespmem:v12+s23+$0x0], $0xffff;
	_ =	sdelay $0x1  }
0x3fc: {  	p0 =	por !p0, !p0;
	s0 =	simm.s32 $0x1;
	[tilespmem:s18+$0x180] =	vst v19  }
0x3fd: {  	s0 =	simm.s32 @!p0 $0x0;
	[tilespmem:s6+$0x180] =	vst v17;
	v18 =	vld.idx.msk [tilespmem:v53+s23+$0x0], $0xffff  }
0x3fe: {  	v55 =	vor.u32 $0x280, v2;
	s0 =	sshll.u32 s0, $0x6;
	[tilespmem:s17+$0x180] =	vst v13;
	v56 =	vld.idx.msk [tilespmem:v54+s23+$0x0], $0xffff  }
0x3ff: {  	v57 =	vor.u32 $0x280, v1;
	s0 =	sadd.s32 s0, s10;
	v11 =	vld.idx.msk [tilespmem:v11+s23+$0x0], $0xffff;
	[tilespmem:s14+$0x180] =	vst v12  }
0x400: {  	s1 =	sadd.s32 $0x30, s0;
	v9 =	vld.idx.msk [tilespmem:v9+s23+$0x0], $0xffff  }
0x401: {  	s4 =	sor.u32 $0x200, s1  }
0x402: {  	s2 =	sadd.s32 $0x10, s0;
	s9 =	sor.u32 $0x200, s0;
	[tilespmem:s4+$0xC800] =	vst v18  }
0x403: {  	s5 =	sadd.s32 $0x20, s0;
	s30 =	sor.u32 $0x200, s2;
	[tilespmem:s9+$0xC800] =	vst v56;
	v13 =	vld.idx.msk [tilespmem:v55+s23+$0x0], $0xffff  }
0x404: {  	v58 =	vor.u32 $0x300, v2;
	s8 =	sor.u32 $0x200, s5;
	[tilespmem:s30+$0xC800] =	vst v11;
	v59 =	vld.idx.msk [tilespmem:v57+s23+$0x0], $0xffff  }
0x405: {  	v60 =	vor.u32 $0x300, v1;
	v8 =	vld.idx.msk [tilespmem:v8+s23+$0x0], $0xffff;
	[tilespmem:s8+$0xC800] =	vst v9  }
0x406: {  	v7 =	vld.idx.msk [tilespmem:v7+s23+$0x0], $0xffff  }
0x407: {  	[tilespmem:s16+$0xC800] =	vst v14;
	s10 =	sor.u32 $0x280, s1  }
0x408: {  	s14 =	sor.u32 $0x280, s0;
	[tilespmem:s10+$0xC800] =	vst v13  }
0x409: {  	v0 =	vor.u32 $0x380, v0;
	s11 =	sor.u32 $0x280, s2;
	[tilespmem:s14+$0xC800] =	vst v59;
	v11 =	vld.idx.msk [tilespmem:v58+s23+$0x0], $0xffff  }
0x40a: {  	v61 =	vor.u32 $0x380, v2;
	s12 =	sor.u32 $0x280, s5;
	[tilespmem:s11+$0xC800] =	vst v8;
	v62 =	vld.idx.msk [tilespmem:v60+s23+$0x0], $0xffff  }
0x40b: {  	v63 =	vor.u32 $0x380, v1;
	v6 =	vld.idx.msk [tilespmem:v6+s23+$0x0], $0xffff;
	[tilespmem:s12+$0xC800] =	vst v7  }
0x40c: {  	[tilespmem:s21+$0xC800] =	vst v15;
	v5 =	vld.idx.msk [tilespmem:v5+s23+$0x0], $0xffff  }
0x40d: {  	v3 =	vld.idx.msk [tilespmem:v3+s23+$0x0], $0xffff;
	[tilespmem:s3+$0xC800] =	vst v16;
	s15 =	sor.u32 $0x300, s1  }
0x40e: {  	v0 =	vld.idx.msk [tilespmem:v0+s23+$0x0], $0xffff;
	s18 =	sor.u32 $0x300, s0;
	[tilespmem:s15+$0xC800] =	vst v11  }
0x40f: {  	s16 =	sor.u32 $0x300, s2;
	[tilespmem:s18+$0xC800] =	vst v62;
	v2 =	vld.idx.msk [tilespmem:v61+s23+$0x0], $0xffff  }
0x410: {  	s17 =	sor.u32 $0x300, s5;
	[tilespmem:s16+$0xC800] =	vst v6;
	v1 =	vld.idx.msk [tilespmem:v63+s23+$0x0], $0xffff  }
0x411: {  	v4 =	vld.idx.msk [tilespmem:v4+s23+$0x0], $0xffff;
	[tilespmem:s17+$0xC800] =	vst v5  }
0x412: {  	[tilespmem:s13+$0xC800] =	vst v3;
	v5 =	vld.idx.msk [tilespmem:v10+s23+$0x0], $0xffff  }
0x413: {  	s1 =	sor.u32 $0x380, s1;
	[tilespmem:s7+$0xC800] =	vst v0  }
0x414: {  	s0 =	sor.u32 $0x380, s0;
	[tilespmem:s1+$0xC800] =	vst v2  }
0x415: {  	s2 =	sor.u32 $0x380, s2;
	[tilespmem:s0+$0xC800] =	vst v1  }
0x416: {  	s19 =	sor.u32 $0x380, s5;
	[tilespmem:s2+$0xC800] =	vst v4  }
0x417: {  	[tilespmem:s19+$0xC800] =	vst v5  }
0x418: {  	s20 =	simm.s32 $0xC800;
	s21 =	simm.s32 $0x5;
	s0 =	rddreg [dreg:$0x13]  }
0x419: {  	[hbm4b:s0+s26] =	stream.linear.scatter [tilespmem:s20], [sflag:$0x4], $0x4000, $0x38;
	[tilespmem:$0x18800] =	vst v63  }
0x41a: {  	_ =	swait.ge [sflag:s21], $0x4000  }
0x41b: {  	[sflag:s21] =	ssyncset.done $0x0  }
0x41c: {  	s22 =	simm.s32 $0x6;
	[sflag:s21] =	ssyncadd.s32 $0xFFFFC000  }
0x41d: {  	_ =	swait.ge [sflag:s22], $0x4000  }
0x41e: {  	[sflag:s22] =	ssyncset.done $0x0  }
0x41f: {  	s28 =	simm.s32 $0x4;
	[sflag:s22] =	ssyncadd.s32 $0xFFFFC000  }
0x420: {  	_ =	swait.ge [sflag:s28], $0x4000  }
0x421: {  	s29 =	rddreg [dreg:$0x15]  }
0x422: {  	s30 =	rddreg [dreg:$0x14];
	s2 =	sadd.s32 $0x1, s29  }
0x423: {  	p0 =	sne.s32 s2, s30  }
.Ltmp8:
0x424: {  	_ = 	snop;
	(pc) =	sbr.rel @p0 .LBB2_1-.Ltmp8, $3  }
0x425: {  	_ =	sdelay $0x1  }
0x426: {  	[sflag:s28] =	ssyncset.done $0x0  }
0x427: {  	[sflag:s28] =	ssyncadd.s32 $0xFFFFC000  }
0x428: {  	_ =	sfence.sel $0x180000  }
0x429: {  	[bflag:$0x0] =	sbarrier.arrive $0xFFFF  }
0x42a: {  	_ =	strace $0x90000047  }
0x42b: {  	s0 =	stileid.u32;
	[bflag:$0x2] =	sbarrier.arrive $0xFFFF  }
0x42c: {  	p0 =	sne.s32 s0, $0x0;
	s0 =	rddreg [dreg:$0x3]  }
0x42d: {  	s0 =	sadd.s32 @!p0 $0x100000, s0  }
0x42e: {  	[sflag:s0] =	ssyncadd.tile.s32 @!p0 $0x1;
	_ =	shalt  }
.Lfunc_end2:
_tile_overlayer_lowered:
.L_overlay_start_2:
0x42f: {  	(tag) =	ssettag $0x2  }
0x430: {  	s0 =	rddreg [dreg:$0x0];
	s2 =	stileid.u32  }
0x431: {  	s1 =	rddreg [dreg:$0x1];
	p0 =	sne.s32 s2, $0x0  }
0x432: {  	s3 =	rddreg [dreg:$0x2];
	[bflag:$0x3] =	sbarrier.arrive $0xFFFF;
	s2 =	simm.s32 @!p0 $0x1C08  }
0x433: {  	[timem:s3], [sflag:s2] =	dma.local @!p0 [hbm:s0], s1  }
0x434: {  	s0 =	simm.s32 @!p0 $0x8  }
0x435: {  	_ =	swait.ge @!p0 [sflag:s0], s1  }
0x436: {  	s1 =	ssub.s32 @!p0 $0x0, s1;
	[sflag:s0] =	ssyncset.done @!p0 $0x0  }
0x437: {  	[sflag:s0] =	ssyncadd.s32 @!p0 s1  }
0x438: {  	[bflag:$0x3] =	sbarrier.arrive $0xFFFF  }
0x439: {  	_ =	shalt  }

</sc_bundles>
